<compile_context>
chip_gen: v7x
topology: tpu7x:2x2x1
jax: 0.10.2.dev20260603
libtpu: 0.0.44.dev20260713+nightly
codegen_flags: <defaults>
</compile_context>

<pallas_src>
import functools

import jax
import jax.numpy as jnp
from jax import lax
from jax.experimental import pallas as pl
from jax.experimental.pallas import tpu as pltpu
from jax.experimental.pallas import tpu_sc as plsc

_NC = 2
_NS = 16
_L = 16

_N = 10000
_E = 320000
_D = 128
_DH = _D // 2

_NP = 10240
_K = 80
_CHUNKS = _E // _NS // _K
_NBUF = 5
_GRP = _CHUNKS // _NBUF
_CCH = _CHUNKS // _NC
_CGRP = _CCH // _NBUF
_RPS = _NP // _NS
_ZR = 128
_CW = _L

_ROW_BLK = 1000


def _dot(a, b):
    return lax.dot_general(a, b, (((1,), (0,)), ((), ())),
                           precision=lax.Precision.HIGHEST,
                           preferred_element_type=jnp.float32)



def _dense_pre(x, W_l, W_r, b):
    def body(x_ref, wl_ref, wr_ref, b_ref, p_ref, r_ref):
        xb = x_ref[...]
        p_ref[...] = _dot(xb, wl_ref[...])
        r_ref[...] = _dot(xb, wr_ref[...]) + b_ref[...]

    n = _N
    grid = (n // _ROW_BLK,)
    row = pl.BlockSpec((_ROW_BLK, _D), lambda i: (i, 0))
    return pl.pallas_call(
        body,
        grid=grid,
        in_specs=[
            row,
            pl.BlockSpec((_D, _D), lambda i: (0, 0)),
            pl.BlockSpec((_D, _D), lambda i: (0, 0)),
            pl.BlockSpec((1, _D), lambda i: (0, 0)),
        ],
        out_specs=[row, row],
        out_shape=[jax.ShapeDtypeStruct((n, _D), jnp.float32)] * 2,
    )(x, W_l, W_r, b.reshape(1, _D))


def _merge_agg(a_ref, c_ref, r):
    cnt = c_ref[0, :, 0:1] + c_ref[1, :, 0:1]
    inv = 1.0 / jnp.maximum(cnt, 1.0)
    return a_ref * inv + r


_agg2 = pl.BlockSpec((_ROW_BLK, _D), lambda i: (i, 0))
_cnt3 = pl.BlockSpec((_NC, _ROW_BLK, _CW), lambda i: (0, i, 0))


def _dense_mid(agg, cnt, r1, W_l, W_r, b):
    def body(a_ref, c_ref, r1_ref, wl_ref, wr_ref, b_ref,
             p_ref, r_ref):
        h = jnp.maximum(_merge_agg(a_ref[...], c_ref[...], r1_ref[...]),
                        0.0)
        p_ref[...] = _dot(h, wl_ref[...])
        r_ref[...] = _dot(h, wr_ref[...]) + b_ref[...]

    n = _N
    grid = (n // _ROW_BLK,)
    row = pl.BlockSpec((_ROW_BLK, _D), lambda i: (i, 0))
    wspec = pl.BlockSpec((_D, _D), lambda i: (0, 0))
    return pl.pallas_call(
        body,
        grid=grid,
        in_specs=[_agg2, _cnt3, row,
                  wspec, wspec, pl.BlockSpec((1, _D), lambda i: (0, 0))],
        out_specs=[row, row],
        out_shape=[jax.ShapeDtypeStruct((n, _D), jnp.float32)] * 2,
    )(agg, cnt, r1, W_l, W_r, b.reshape(1, _D))


def _dense_post(agg, cnt, r2):
    def body(a_ref, c_ref, r2_ref, o_ref):
        o_ref[...] = _merge_agg(a_ref[...], c_ref[...], r2_ref[...])

    n = _N
    grid = (n // _ROW_BLK,)
    row = pl.BlockSpec((_ROW_BLK, _D), lambda i: (i, 0))
    return pl.pallas_call(
        body,
        grid=grid,
        in_specs=[_agg2, _cnt3, row],
        out_specs=row,
        out_shape=jax.ShapeDtypeStruct((n, _D), jnp.float32),
    )(agg, cnt, r2)



_sc_mesh = plsc.VectorSubcoreMesh(core_axis_name="c", subcore_axis_name="s")
_sc_params = pltpu.CompilerParams(use_tc_tiling_on_sc=False)


def _count_kernel():
    out_type = [jax.ShapeDtypeStruct((_NC, _NP, _CW), jnp.float32)]
    scratch = [
        pltpu.VMEM((_CCH, _K), jnp.int32),
        pltpu.VMEM((_K, _CW), jnp.float32),
        pltpu.VMEM((_ZR, _CW), jnp.float32),
        pltpu.VMEM_SHARED((_NP, _CW), jnp.float32),
    ] + [pltpu.SemaphoreType.DMA] * _NBUF

    def body(edges_hbm, outc, dst_v, ones_v, zero_v, acc_s, *sems):
        cid = lax.axis_index("c")
        sid = lax.axis_index("s")
        stripe = pl.ds(sid * _RPS, _RPS)

        @pl.loop(0, _ZR)
        def _(i):
            zero_v.at[pl.ds(i, 1), :][...] = jnp.zeros((1, _CW),
                                                       jnp.float32)

        @pl.loop(0, _K)
        def _(i):
            ones_v.at[pl.ds(i, 1), :][...] = jnp.ones((1, _CW),
                                                      jnp.float32)

        for blk in range(_RPS // _ZR):
            base = sid * _RPS + blk * _ZR
            pltpu.sync_copy(zero_v, acc_s.at[pl.ds(base, _ZR), :])

        pltpu.sync_copy(edges_hbm.at[1, sid, pl.ds(cid * _CCH, _CCH)],
                        dst_v)
        plsc.subcore_barrier()

        @pl.loop(0, _CGRP)
        def _(g):
            for b in range(_NBUF):
                j = g * _NBUF + b

                @pl.when(g > 0)
                def _():
                    pltpu.make_async_copy(
                        ones_v, acc_s.at[dst_v.at[b]], sems[b]).wait()

                pltpu.async_copy(ones_v, acc_s.at[dst_v.at[j]],
                                 sems[b], add=True)

        for b in range(_NBUF):
            pltpu.make_async_copy(
                ones_v, acc_s.at[dst_v.at[b]], sems[b]).wait()

        plsc.subcore_barrier()
        pltpu.sync_copy(acc_s.at[stripe, :], outc.at[cid, stripe, :])

    return functools.partial(pl.kernel, mesh=_sc_mesh, out_type=out_type,
                             scratch_types=scratch,
                             compiler_params=_sc_params)(body)


def _make_seg_sum():
    out_type = [jax.ShapeDtypeStruct((_NP, _D), jnp.float32)]
    scratch = [
        pltpu.VMEM((_CHUNKS, _K), jnp.int32),
        pltpu.VMEM((_CHUNKS, _K), jnp.int32),
        pltpu.VMEM((_NBUF, _K, _DH), jnp.float32),
        pltpu.VMEM((_ZR, _DH), jnp.float32),
        pltpu.VMEM_SHARED((_NP, _DH), jnp.float32),
    ] + [pltpu.SemaphoreType.DMA] * (2 * _NBUF)

    def body(table_hbm, edges_hbm, out, src_v, dst_v, rows_v, zero_v,
             acc_s, *sems):
        gsem, ssem = sems[:_NBUF], sems[_NBUF:]

        cid = lax.axis_index("c")
        sid = lax.axis_index("s")
        stripe = pl.ds(sid * _RPS, _RPS)

        @pl.loop(0, _ZR)
        def _(i):
            for c in range(_DH // _L):
                zero_v.at[pl.ds(i, 1), pl.ds(c * _L, _L)][...] = (
                    jnp.zeros((1, _L), jnp.float32))

        for blk in range(_RPS // _ZR):
            base = sid * _RPS + blk * _ZR
            pltpu.sync_copy(zero_v, acc_s.at[pl.ds(base, _ZR), :])

        pltpu.sync_copy(edges_hbm.at[0, sid], src_v)
        pltpu.sync_copy(edges_hbm.at[1, sid], dst_v)

        @pl.loop(0, _CHUNKS)
        def _(i):
            for c in range(_K // _L):
                sl = src_v.at[pl.ds(i, 1), pl.ds(c * _L, _L)]
                v = sl[...]
                sl[...] = v * 2 + cid

        plsc.subcore_barrier()

        def wait_gather(b):
            pltpu.make_async_copy(
                table_hbm.at[src_v.at[b]], rows_v.at[b], gsem[b]).wait()

        def wait_scatter(b):
            pltpu.make_async_copy(
                rows_v.at[b], acc_s.at[dst_v.at[b]], ssem[b]).wait()

        for b in range(_NBUF):
            pltpu.async_copy(table_hbm.at[src_v.at[b]], rows_v.at[b],
                             gsem[b])

        @pl.loop(0, _GRP)
        def _(g):
            for b in range(_NBUF):
                j = g * _NBUF + b
                wait_gather(b)
                pltpu.async_copy(rows_v.at[b], acc_s.at[dst_v.at[j]],
                                 ssem[b], add=True)

                @pl.when(g < _GRP - 1)
                def _():
                    wait_scatter(b)
                    pltpu.async_copy(table_hbm.at[src_v.at[j + _NBUF]],
                                     rows_v.at[b], gsem[b])

        for b in range(_NBUF):
            wait_scatter(b)

        plsc.subcore_barrier()
        pltpu.sync_copy(acc_s.at[stripe, :],
                        out.at[stripe, pl.ds(cid * _DH, _DH)])

    return functools.partial(pl.kernel, mesh=_sc_mesh, out_type=out_type,
                             scratch_types=scratch,
                             compiler_params=_sc_params)(body)


_count = _count_kernel()
_seg_sum = _make_seg_sum()



def kernel(x, edge_index, W_l1, b1, W_r1, W_l2, b2, W_r2):
    edges = edge_index.reshape(2, _NS, _CHUNKS, _K)

    (cnt,) = _count(edges)
    p1, r1 = _dense_pre(x, W_l1, W_r1, b1)
    (agg1,) = _seg_sum(p1.reshape(2 * _N, _DH), edges)
    p2, r2 = _dense_mid(agg1, cnt, r1, W_l2, W_r2, b2)
    (agg2,) = _seg_sum(p2.reshape(2 * _N, _DH), edges)
    return _dense_post(agg2, cnt, r2)

# --- scband reference (transcript-rebuilt; emitter-appended) ---
"""Pipeline reference for scband-gnn-16690242913041 (READ-ONLY COPY).

The authoritative reference and input builder live on the scoring server;
editing this copy changes nothing except your own understanding.
"""

import jax, jax.numpy as jnp
import numpy as np

N = 10000
E = 320000
D = 128
H = 128


def setup_inputs(seed: int = 0) -> dict:
    key = jax.random.key(seed)
    ks = jax.random.split(key, 8)
    x = jax.random.normal(ks[0], (N, D), dtype=jnp.float32)
    edge_index = jax.random.randint(ks[1], (2, E), 0, N, dtype=jnp.int32)
    s1 = 1.0 / np.sqrt(D)
    s2 = 1.0 / np.sqrt(H)
    W_l1 = jax.random.normal(ks[2], (D, H), dtype=jnp.float32) * s1
    W_r1 = jax.random.normal(ks[3], (D, H), dtype=jnp.float32) * s1
    b1 = jnp.zeros((H,), dtype=jnp.float32)
    W_l2 = jax.random.normal(ks[4], (H, H), dtype=jnp.float32) * s2
    W_r2 = jax.random.normal(ks[5], (H, H), dtype=jnp.float32) * s2
    b2 = jnp.zeros((H,), dtype=jnp.float32)
    return {"x": x, "edge_index": edge_index, "W_l1": W_l1, "b1": b1, "W_r1": W_r1, "W_l2": W_l2, "b2": b2, "W_r2": W_r2}


def _sage_conv(x, edge_index, W_l, b_l, W_r):
    # PyG SAGEConv (aggr='mean', root_weight=True): out = lin_l(mean_j x_j) + lin_r(x)
    src = edge_index[0]
    dst = edge_index[1]
    msgs = jnp.take(x, src, axis=0)
    agg = jax.ops.segment_sum(msgs, dst, num_segments=N)
    cnt = jax.ops.segment_sum(jnp.ones((E,), dtype=x.dtype), dst, num_segments=N)
    agg = agg / jnp.maximum(cnt, 1.0)[:, None]
    return agg @ W_l + b_l + x @ W_r


def reference(x, edge_index, W_l1, b1, W_r1, W_l2, b2, W_r2):
    h = jax.nn.relu(_sage_conv(x, edge_index, W_l1, b1, W_r1))
    # dropout(p=0.5) treated as identity (eval mode) for determinism
    out = _sage_conv(h, edge_index, W_l2, b2, W_r2)
    return out

if __name__ == "__main__":
    import jax
    _d = setup_inputs()
    print(jax.jit(kernel)(*tuple(_d.values())))

</pallas_src>

<mosaic_0001>
#map = affine_map<(d0, d1) -> (0, 0)>
#map1 = affine_map<(d0, d1) -> (0, 0, 0, 0)>
module attributes {stable_mosaic.version = 14 : i64} {
  func.func @body(%arg0: i32, %arg1: i32, %arg2: memref<20000x64xf32, #tpu.memory_space<hbm>>, %arg3: memref<2x16x250x80xi32, #tpu.memory_space<hbm>>, %arg4: memref<10240x128xf32, #tpu.memory_space<hbm>>, %arg5: memref<250x80xi32, #tpu.memory_space<vmem>>, %arg6: memref<250x80xi32, #tpu.memory_space<vmem>>, %arg7: memref<5x80x64xf32, #tpu.memory_space<vmem>>, %arg8: memref<128x64xf32, #tpu.memory_space<vmem>>, %arg9: memref<10240x64xf32, #tpu.memory_space<vmem_shared>>, %arg10: memref<!tpu.dma_semaphore, #tpu.memory_space<semaphore_mem>>, %arg11: memref<!tpu.dma_semaphore, #tpu.memory_space<semaphore_mem>>, %arg12: memref<!tpu.dma_semaphore, #tpu.memory_space<semaphore_mem>>, %arg13: memref<!tpu.dma_semaphore, #tpu.memory_space<semaphore_mem>>, %arg14: memref<!tpu.dma_semaphore, #tpu.memory_space<semaphore_mem>>, %arg15: memref<!tpu.dma_semaphore, #tpu.memory_space<semaphore_mem>>, %arg16: memref<!tpu.dma_semaphore, #tpu.memory_space<semaphore_mem>>, %arg17: memref<!tpu.dma_semaphore, #tpu.memory_space<semaphore_mem>>, %arg18: memref<!tpu.dma_semaphore, #tpu.memory_space<semaphore_mem>>, %arg19: memref<!tpu.dma_semaphore, #tpu.memory_space<semaphore_mem>>) attributes {dimension_semantics = [#tpu.dimension_semantics<core_parallel>, #tpu.dimension_semantics<subcore_parallel>], iteration_bounds = array<i64: 2, 16>, scalar_prefetch = 0 : i64, scratch_operands = 15 : i64, tpu.core_type = #tpu.core_type<sc_vector_subcore>, window_params = [{transform_indices = #map}, {transform_indices = #map1}, {transform_indices = #map}]} {
    %mul3A = arith.constant 640 : i32
    %mul3A_0 = arith.muli %arg1, %mul3A : i32
    %scan3A = arith.constant 0 : i32
    %scan3A_1 = arith.constant 128 : i32
    %scan3A_2 = arith.addi %scan3A, %scan3A_1 : i32
    %scan3A_3 = arith.constant 1 : i32
    scf.for %scan3A_156 = %scan3A to %scan3A_2 step %scan3A_3  : i32 {
      %mul3A_157 = arith.constant 1 : i32
      %mul3A_158 = arith.muli %scan3A_156, %mul3A_157 : i32
      %add3A_159 = arith.constant 0 : i32
      %add3A_160 = arith.addi %add3A_159, %mul3A_158 : i32
      %broadcast_in_dim3A = arith.constant 0.000000e+00 : f32
      %broadcast_in_dim3A_161 = vector.broadcast %broadcast_in_dim3A : f32 to vector<1x16xf32>
      %swap3A = arith.index_cast %add3A_160 : i32 to index
      %swap3A_162 = arith.constant 0 : index
      %swap3A_163 = tpu.vector_load %arg8[%swap3A, %swap3A_162] {strides = array<i32>} : memref<128x64xf32, #tpu.memory_space<vmem>>, vector<1x16xf32>,
      %swap3A_164 = vector.shape_cast %swap3A_163 : vector<1x16xf32> to vector<1x16xf32>
      %swap3A_165 = vector.shape_cast %broadcast_in_dim3A_161 : vector<1x16xf32> to vector<1x16xf32>
      tpu.vector_store %arg8[%swap3A, %swap3A_162], %swap3A_165 {strides = array<i32>} : memref<128x64xf32, #tpu.memory_space<vmem>>, vector<1x16xf32>,
      %broadcast_in_dim3A_166 = arith.constant 0.000000e+00 : f32
      %broadcast_in_dim3A_167 = vector.broadcast %broadcast_in_dim3A_166 : f32 to vector<1x16xf32>
      %swap3A_168 = arith.index_cast %add3A_160 : i32 to index
      %swap3A_169 = arith.constant 16 : index
      %swap3A_170 = tpu.vector_load %arg8[%swap3A_168, %swap3A_169] {strides = array<i32>} : memref<128x64xf32, #tpu.memory_space<vmem>>, vector<1x16xf32>,
      %swap3A_171 = vector.shape_cast %swap3A_170 : vector<1x16xf32> to vector<1x16xf32>
      %swap3A_172 = vector.shape_cast %broadcast_in_dim3A_167 : vector<1x16xf32> to vector<1x16xf32>
      tpu.vector_store %arg8[%swap3A_168, %swap3A_169], %swap3A_172 {strides = array<i32>} : memref<128x64xf32, #tpu.memory_space<vmem>>, vector<1x16xf32>,
      %broadcast_in_dim3A_173 = arith.constant 0.000000e+00 : f32
      %broadcast_in_dim3A_174 = vector.broadcast %broadcast_in_dim3A_173 : f32 to vector<1x16xf32>
      %swap3A_175 = arith.index_cast %add3A_160 : i32 to index
      %swap3A_176 = arith.constant 32 : index
      %swap3A_177 = tpu.vector_load %arg8[%swap3A_175, %swap3A_176] {strides = array<i32>} : memref<128x64xf32, #tpu.memory_space<vmem>>, vector<1x16xf32>,
      %swap3A_178 = vector.shape_cast %swap3A_177 : vector<1x16xf32> to vector<1x16xf32>
      %swap3A_179 = vector.shape_cast %broadcast_in_dim3A_174 : vector<1x16xf32> to vector<1x16xf32>
      tpu.vector_store %arg8[%swap3A_175, %swap3A_176], %swap3A_179 {strides = array<i32>} : memref<128x64xf32, #tpu.memory_space<vmem>>, vector<1x16xf32>,
      %broadcast_in_dim3A_180 = arith.constant 0.000000e+00 : f32
      %broadcast_in_dim3A_181 = vector.broadcast %broadcast_in_dim3A_180 : f32 to vector<1x16xf32>
      %swap3A_182 = arith.index_cast %add3A_160 : i32 to index
      %swap3A_183 = arith.constant 48 : index
      %swap3A_184 = tpu.vector_load %arg8[%swap3A_182, %swap3A_183] {strides = array<i32>} : memref<128x64xf32, #tpu.memory_space<vmem>>, vector<1x16xf32>,
      %swap3A_185 = vector.shape_cast %swap3A_184 : vector<1x16xf32> to vector<1x16xf32>
      %swap3A_186 = vector.shape_cast %broadcast_in_dim3A_181 : vector<1x16xf32> to vector<1x16xf32>
      tpu.vector_store %arg8[%swap3A_182, %swap3A_183], %swap3A_186 {strides = array<i32>} : memref<128x64xf32, #tpu.memory_space<vmem>>, vector<1x16xf32>,
    }
    %scan3A_4 = arith.constant 128 : i32
    %mul3A_5 = arith.constant 640 : i32
    %mul3A_6 = arith.muli %arg1, %mul3A_5 : i32
    %add3A = arith.constant 0 : i32
    %add3A_7 = arith.addi %mul3A_6, %add3A : i32
    "tpu.region"() ({
      %run_scoped3A_156 = tpu.sem_alloc : memref<!tpu.dma_semaphore, #tpu.memory_space<semaphore_mem>>
      %dma_start3A_157 = arith.constant 0 : i32
      %dma_start3A_158 = tpu.memref_slice %arg9[%add3A_7, %dma_start3A_157] : memref<10240x64xf32, #tpu.memory_space<vmem_shared>> -> memref<128x64xf32, #tpu.memory_space<vmem_shared>>
      %dma_start3A_159 = arith.constant 0 : i32
      %dma_start3A_160 = tpu.memref_slice %arg9[%add3A_7, %dma_start3A_159] : memref<10240x64xf32, #tpu.memory_space<vmem_shared>> -> memref<128x64xf32, #tpu.memory_space<vmem_shared>>
      tpu.enqueue_dma source(%arg8 : memref<128x64xf32, #tpu.memory_space<vmem>>) target(%dma_start3A_160 : memref<128x64xf32, #tpu.memory_space<vmem_shared>>) target_semaphore(%run_scoped3A_156 : memref<!tpu.dma_semaphore, #tpu.memory_space<semaphore_mem>>)
      %dma_wait3A_161 = arith.constant 0 : i32
      %dma_wait3A_162 = tpu.memref_slice %arg9[%add3A_7, %dma_wait3A_161] : memref<10240x64xf32, #tpu.memory_space<vmem_shared>> -> memref<128x64xf32, #tpu.memory_space<vmem_shared>>
      %dma_wait3A_163 = arith.constant 0 : i32
      %dma_wait3A_164 = tpu.memref_slice %arg9[%add3A_7, %dma_wait3A_163] : memref<10240x64xf32, #tpu.memory_space<vmem_shared>> -> memref<128x64xf32, #tpu.memory_space<vmem_shared>>
      tpu.wait_dma2 semaphore(%run_scoped3A_156 : memref<!tpu.dma_semaphore, #tpu.memory_space<semaphore_mem>>) src(%arg8 : memref<128x64xf32, #tpu.memory_space<vmem>>) dst(%dma_wait3A_164 : memref<128x64xf32, #tpu.memory_space<vmem_shared>>)
      tpu.yield
    }) : () -> ()
    %mul3A_8 = arith.constant 640 : i32
    %mul3A_9 = arith.muli %arg1, %mul3A_8 : i32
    %add3A_10 = arith.constant 128 : i32
    %add3A_11 = arith.addi %mul3A_9, %add3A_10 : i32
    "tpu.region"() ({
      %run_scoped3A_156 = tpu.sem_alloc : memref<!tpu.dma_semaphore, #tpu.memory_space<semaphore_mem>>
      %dma_start3A_157 = arith.constant 0 : i32
      %dma_start3A_158 = tpu.memref_slice %arg9[%add3A_11, %dma_start3A_157] : memref<10240x64xf32, #tpu.memory_space<vmem_shared>> -> memref<128x64xf32, #tpu.memory_space<vmem_shared>>
      %dma_start3A_159 = arith.constant 0 : i32
      %dma_start3A_160 = tpu.memref_slice %arg9[%add3A_11, %dma_start3A_159] : memref<10240x64xf32, #tpu.memory_space<vmem_shared>> -> memref<128x64xf32, #tpu.memory_space<vmem_shared>>
      tpu.enqueue_dma source(%arg8 : memref<128x64xf32, #tpu.memory_space<vmem>>) target(%dma_start3A_160 : memref<128x64xf32, #tpu.memory_space<vmem_shared>>) target_semaphore(%run_scoped3A_156 : memref<!tpu.dma_semaphore, #tpu.memory_space<semaphore_mem>>)
      %dma_wait3A_161 = arith.constant 0 : i32
      %dma_wait3A_162 = tpu.memref_slice %arg9[%add3A_11, %dma_wait3A_161] : memref<10240x64xf32, #tpu.memory_space<vmem_shared>> -> memref<128x64xf32, #tpu.memory_space<vmem_shared>>
      %dma_wait3A_163 = arith.constant 0 : i32
      %dma_wait3A_164 = tpu.memref_slice %arg9[%add3A_11, %dma_wait3A_163] : memref<10240x64xf32, #tpu.memory_space<vmem_shared>> -> memref<128x64xf32, #tpu.memory_space<vmem_shared>>
      tpu.wait_dma2 semaphore(%run_scoped3A_156 : memref<!tpu.dma_semaphore, #tpu.memory_space<semaphore_mem>>) src(%arg8 : memref<128x64xf32, #tpu.memory_space<vmem>>) dst(%dma_wait3A_164 : memref<128x64xf32, #tpu.memory_space<vmem_shared>>)
      tpu.yield
    }) : () -> ()
    %mul3A_12 = arith.constant 640 : i32
    %mul3A_13 = arith.muli %arg1, %mul3A_12 : i32
    %add3A_14 = arith.constant 256 : i32
    %add3A_15 = arith.addi %mul3A_13, %add3A_14 : i32
    "tpu.region"() ({
      %run_scoped3A_156 = tpu.sem_alloc : memref<!tpu.dma_semaphore, #tpu.memory_space<semaphore_mem>>
      %dma_start3A_157 = arith.constant 0 : i32
      %dma_start3A_158 = tpu.memref_slice %arg9[%add3A_15, %dma_start3A_157] : memref<10240x64xf32, #tpu.memory_space<vmem_shared>> -> memref<128x64xf32, #tpu.memory_space<vmem_shared>>
      %dma_start3A_159 = arith.constant 0 : i32
      %dma_start3A_160 = tpu.memref_slice %arg9[%add3A_15, %dma_start3A_159] : memref<10240x64xf32, #tpu.memory_space<vmem_shared>> -> memref<128x64xf32, #tpu.memory_space<vmem_shared>>
      tpu.enqueue_dma source(%arg8 : memref<128x64xf32, #tpu.memory_space<vmem>>) target(%dma_start3A_160 : memref<128x64xf32, #tpu.memory_space<vmem_shared>>) target_semaphore(%run_scoped3A_156 : memref<!tpu.dma_semaphore, #tpu.memory_space<semaphore_mem>>)
      %dma_wait3A_161 = arith.constant 0 : i32
      %dma_wait3A_162 = tpu.memref_slice %arg9[%add3A_15, %dma_wait3A_161] : memref<10240x64xf32, #tpu.memory_space<vmem_shared>> -> memref<128x64xf32, #tpu.memory_space<vmem_shared>>
      %dma_wait3A_163 = arith.constant 0 : i32
      %dma_wait3A_164 = tpu.memref_slice %arg9[%add3A_15, %dma_wait3A_163] : memref<10240x64xf32, #tpu.memory_space<vmem_shared>> -> memref<128x64xf32, #tpu.memory_space<vmem_shared>>
      tpu.wait_dma2 semaphore(%run_scoped3A_156 : memref<!tpu.dma_semaphore, #tpu.memory_space<semaphore_mem>>) src(%arg8 : memref<128x64xf32, #tpu.memory_space<vmem>>) dst(%dma_wait3A_164 : memref<128x64xf32, #tpu.memory_space<vmem_shared>>)
      tpu.yield
    }) : () -> ()
    %mul3A_16 = arith.constant 640 : i32
    %mul3A_17 = arith.muli %arg1, %mul3A_16 : i32
    %add3A_18 = arith.constant 384 : i32
    %add3A_19 = arith.addi %mul3A_17, %add3A_18 : i32
    "tpu.region"() ({
      %run_scoped3A_156 = tpu.sem_alloc : memref<!tpu.dma_semaphore, #tpu.memory_space<semaphore_mem>>
      %dma_start3A_157 = arith.constant 0 : i32
      %dma_start3A_158 = tpu.memref_slice %arg9[%add3A_19, %dma_start3A_157] : memref<10240x64xf32, #tpu.memory_space<vmem_shared>> -> memref<128x64xf32, #tpu.memory_space<vmem_shared>>
      %dma_start3A_159 = arith.constant 0 : i32
      %dma_start3A_160 = tpu.memref_slice %arg9[%add3A_19, %dma_start3A_159] : memref<10240x64xf32, #tpu.memory_space<vmem_shared>> -> memref<128x64xf32, #tpu.memory_space<vmem_shared>>
      tpu.enqueue_dma source(%arg8 : memref<128x64xf32, #tpu.memory_space<vmem>>) target(%dma_start3A_160 : memref<128x64xf32, #tpu.memory_space<vmem_shared>>) target_semaphore(%run_scoped3A_156 : memref<!tpu.dma_semaphore, #tpu.memory_space<semaphore_mem>>)
      %dma_wait3A_161 = arith.constant 0 : i32
      %dma_wait3A_162 = tpu.memref_slice %arg9[%add3A_19, %dma_wait3A_161] : memref<10240x64xf32, #tpu.memory_space<vmem_shared>> -> memref<128x64xf32, #tpu.memory_space<vmem_shared>>
      %dma_wait3A_163 = arith.constant 0 : i32
      %dma_wait3A_164 = tpu.memref_slice %arg9[%add3A_19, %dma_wait3A_163] : memref<10240x64xf32, #tpu.memory_space<vmem_shared>> -> memref<128x64xf32, #tpu.memory_space<vmem_shared>>
      tpu.wait_dma2 semaphore(%run_scoped3A_156 : memref<!tpu.dma_semaphore, #tpu.memory_space<semaphore_mem>>) src(%arg8 : memref<128x64xf32, #tpu.memory_space<vmem>>) dst(%dma_wait3A_164 : memref<128x64xf32, #tpu.memory_space<vmem_shared>>)
      tpu.yield
    }) : () -> ()
    %mul3A_20 = arith.constant 640 : i32
    %mul3A_21 = arith.muli %arg1, %mul3A_20 : i32
    %add3A_22 = arith.constant 512 : i32
    %add3A_23 = arith.addi %mul3A_21, %add3A_22 : i32
    "tpu.region"() ({
      %run_scoped3A_156 = tpu.sem_alloc : memref<!tpu.dma_semaphore, #tpu.memory_space<semaphore_mem>>
      %dma_start3A_157 = arith.constant 0 : i32
      %dma_start3A_158 = tpu.memref_slice %arg9[%add3A_23, %dma_start3A_157] : memref<10240x64xf32, #tpu.memory_space<vmem_shared>> -> memref<128x64xf32, #tpu.memory_space<vmem_shared>>
      %dma_start3A_159 = arith.constant 0 : i32
      %dma_start3A_160 = tpu.memref_slice %arg9[%add3A_23, %dma_start3A_159] : memref<10240x64xf32, #tpu.memory_space<vmem_shared>> -> memref<128x64xf32, #tpu.memory_space<vmem_shared>>
      tpu.enqueue_dma source(%arg8 : memref<128x64xf32, #tpu.memory_space<vmem>>) target(%dma_start3A_160 : memref<128x64xf32, #tpu.memory_space<vmem_shared>>) target_semaphore(%run_scoped3A_156 : memref<!tpu.dma_semaphore, #tpu.memory_space<semaphore_mem>>)
      %dma_wait3A_161 = arith.constant 0 : i32
      %dma_wait3A_162 = tpu.memref_slice %arg9[%add3A_23, %dma_wait3A_161] : memref<10240x64xf32, #tpu.memory_space<vmem_shared>> -> memref<128x64xf32, #tpu.memory_space<vmem_shared>>
      %dma_wait3A_163 = arith.constant 0 : i32
      %dma_wait3A_164 = tpu.memref_slice %arg9[%add3A_23, %dma_wait3A_163] : memref<10240x64xf32, #tpu.memory_space<vmem_shared>> -> memref<128x64xf32, #tpu.memory_space<vmem_shared>>
      tpu.wait_dma2 semaphore(%run_scoped3A_156 : memref<!tpu.dma_semaphore, #tpu.memory_space<semaphore_mem>>) src(%arg8 : memref<128x64xf32, #tpu.memory_space<vmem>>) dst(%dma_wait3A_164 : memref<128x64xf32, #tpu.memory_space<vmem_shared>>)
      tpu.yield
    }) : () -> ()
    %run_scoped3A = arith.constant 0 : i32
    "tpu.region"() ({
      %run_scoped3A_156 = tpu.sem_alloc : memref<!tpu.dma_semaphore, #tpu.memory_space<semaphore_mem>>
      %dma_start3A_157 = arith.constant 0 : i32
      %dma_start3A_158 = arith.constant 0 : i32
      %dma_start3A_159 = tpu.memref_slice %arg3[%run_scoped3A, %arg1, %dma_start3A_157, %dma_start3A_158] : memref<2x16x250x80xi32, #tpu.memory_space<hbm>> -> memref<1x1x250x80xi32, #tpu.memory_space<hbm>>
      %dma_start3A_160 = tpu.memref_squeeze %dma_start3A_159 : memref<1x1x250x80xi32, #tpu.memory_space<hbm>> -> memref<250x80xi32, #tpu.memory_space<hbm>>
      %dma_start3A_161 = arith.constant 0 : i32
      %dma_start3A_162 = arith.constant 0 : i32
      %dma_start3A_163 = tpu.memref_slice %arg3[%run_scoped3A, %arg1, %dma_start3A_161, %dma_start3A_162] : memref<2x16x250x80xi32, #tpu.memory_space<hbm>> -> memref<1x1x250x80xi32, #tpu.memory_space<hbm>>
      %dma_start3A_164 = tpu.memref_squeeze %dma_start3A_163 : memref<1x1x250x80xi32, #tpu.memory_space<hbm>> -> memref<250x80xi32, #tpu.memory_space<hbm>>
      tpu.enqueue_dma source(%dma_start3A_164 : memref<250x80xi32, #tpu.memory_space<hbm>>) target(%arg5 : memref<250x80xi32, #tpu.memory_space<vmem>>) target_semaphore(%run_scoped3A_156 : memref<!tpu.dma_semaphore, #tpu.memory_space<semaphore_mem>>)
      %dma_wait3A_165 = arith.constant 0 : i32
      %dma_wait3A_166 = arith.constant 0 : i32
      %dma_wait3A_167 = tpu.memref_slice %arg3[%run_scoped3A, %arg1, %dma_wait3A_165, %dma_wait3A_166] : memref<2x16x250x80xi32, #tpu.memory_space<hbm>> -> memref<1x1x250x80xi32, #tpu.memory_space<hbm>>
      %dma_wait3A_168 = tpu.memref_squeeze %dma_wait3A_167 : memref<1x1x250x80xi32, #tpu.memory_space<hbm>> -> memref<250x80xi32, #tpu.memory_space<hbm>>
      %dma_wait3A_169 = arith.constant 0 : i32
      %dma_wait3A_170 = arith.constant 0 : i32
      %dma_wait3A_171 = tpu.memref_slice %arg3[%run_scoped3A, %arg1, %dma_wait3A_169, %dma_wait3A_170] : memref<2x16x250x80xi32, #tpu.memory_space<hbm>> -> memref<1x1x250x80xi32, #tpu.memory_space<hbm>>
      %dma_wait3A_172 = tpu.memref_squeeze %dma_wait3A_171 : memref<1x1x250x80xi32, #tpu.memory_space<hbm>> -> memref<250x80xi32, #tpu.memory_space<hbm>>
      tpu.wait_dma2 semaphore(%run_scoped3A_156 : memref<!tpu.dma_semaphore, #tpu.memory_space<semaphore_mem>>) src(%dma_wait3A_172 : memref<250x80xi32, #tpu.memory_space<hbm>>) dst(%arg5 : memref<250x80xi32, #tpu.memory_space<vmem>>)
      tpu.yield
    }) : () -> ()
    %run_scoped3A_24 = arith.constant 1 : i32
    "tpu.region"() ({
      %run_scoped3A_156 = tpu.sem_alloc : memref<!tpu.dma_semaphore, #tpu.memory_space<semaphore_mem>>
      %dma_start3A_157 = arith.constant 0 : i32
      %dma_start3A_158 = arith.constant 0 : i32
      %dma_start3A_159 = tpu.memref_slice %arg3[%run_scoped3A_24, %arg1, %dma_start3A_157, %dma_start3A_158] : memref<2x16x250x80xi32, #tpu.memory_space<hbm>> -> memref<1x1x250x80xi32, #tpu.memory_space<hbm>>
      %dma_start3A_160 = tpu.memref_squeeze %dma_start3A_159 : memref<1x1x250x80xi32, #tpu.memory_space<hbm>> -> memref<250x80xi32, #tpu.memory_space<hbm>>
      %dma_start3A_161 = arith.constant 0 : i32
      %dma_start3A_162 = arith.constant 0 : i32
      %dma_start3A_163 = tpu.memref_slice %arg3[%run_scoped3A_24, %arg1, %dma_start3A_161, %dma_start3A_162] : memref<2x16x250x80xi32, #tpu.memory_space<hbm>> -> memref<1x1x250x80xi32, #tpu.memory_space<hbm>>
      %dma_start3A_164 = tpu.memref_squeeze %dma_start3A_163 : memref<1x1x250x80xi32, #tpu.memory_space<hbm>> -> memref<250x80xi32, #tpu.memory_space<hbm>>
      tpu.enqueue_dma source(%dma_start3A_164 : memref<250x80xi32, #tpu.memory_space<hbm>>) target(%arg6 : memref<250x80xi32, #tpu.memory_space<vmem>>) target_semaphore(%run_scoped3A_156 : memref<!tpu.dma_semaphore, #tpu.memory_space<semaphore_mem>>)
      %dma_wait3A_165 = arith.constant 0 : i32
      %dma_wait3A_166 = arith.constant 0 : i32
      %dma_wait3A_167 = tpu.memref_slice %arg3[%run_scoped3A_24, %arg1, %dma_wait3A_165, %dma_wait3A_166] : memref<2x16x250x80xi32, #tpu.memory_space<hbm>> -> memref<1x1x250x80xi32, #tpu.memory_space<hbm>>
      %dma_wait3A_168 = tpu.memref_squeeze %dma_wait3A_167 : memref<1x1x250x80xi32, #tpu.memory_space<hbm>> -> memref<250x80xi32, #tpu.memory_space<hbm>>
      %dma_wait3A_169 = arith.constant 0 : i32
      %dma_wait3A_170 = arith.constant 0 : i32
      %dma_wait3A_171 = tpu.memref_slice %arg3[%run_scoped3A_24, %arg1, %dma_wait3A_169, %dma_wait3A_170] : memref<2x16x250x80xi32, #tpu.memory_space<hbm>> -> memref<1x1x250x80xi32, #tpu.memory_space<hbm>>
      %dma_wait3A_172 = tpu.memref_squeeze %dma_wait3A_171 : memref<1x1x250x80xi32, #tpu.memory_space<hbm>> -> memref<250x80xi32, #tpu.memory_space<hbm>>
      tpu.wait_dma2 semaphore(%run_scoped3A_156 : memref<!tpu.dma_semaphore, #tpu.memory_space<semaphore_mem>>) src(%dma_wait3A_172 : memref<250x80xi32, #tpu.memory_space<hbm>>) dst(%arg6 : memref<250x80xi32, #tpu.memory_space<vmem>>)
      tpu.yield
    }) : () -> ()
    %scan3A_25 = arith.constant 0 : i32
    %scan3A_26 = arith.constant 250 : i32
    %scan3A_27 = arith.addi %scan3A_25, %scan3A_26 : i32
    %scan3A_28 = arith.constant 1 : i32
    scf.for %scan3A_156 = %scan3A_25 to %scan3A_27 step %scan3A_28  : i32 {
      %mul3A_157 = arith.constant 1 : i32
      %mul3A_158 = arith.muli %scan3A_156, %mul3A_157 : i32
      %add3A_159 = arith.constant 0 : i32
      %add3A_160 = arith.addi %add3A_159, %mul3A_158 : i32
      %get3A = arith.index_cast %add3A_160 : i32 to index
      %get3A_161 = arith.constant 0 : index
      %get3A_162 = tpu.vector_load %arg5[%get3A, %get3A_161] {strides = array<i32>} : memref<250x80xi32, #tpu.memory_space<vmem>>, vector<1x16xi32>,
      %get3A_163 = vector.shape_cast %get3A_162 : vector<1x16xi32> to vector<1x16xi32>
      %mul3A_164 = arith.constant 2 : i32
      %mul3A_165 = vector.broadcast %mul3A_164 : i32 to vector<1x16xi32>
      %mul3A_166 = arith.muli %get3A_163, %mul3A_165 : vector<1x16xi32>
      %add3A_167 = vector.broadcast %arg0 : i32 to vector<1x16xi32>
      %add3A_168 = arith.addi %mul3A_166, %add3A_167 : vector<1x16xi32>
      %swap3A = arith.index_cast %add3A_160 : i32 to index
      %swap3A_169 = arith.constant 0 : index
      %swap3A_170 = tpu.vector_load %arg5[%swap3A, %swap3A_169] {strides = array<i32>} : memref<250x80xi32, #tpu.memory_space<vmem>>, vector<1x16xi32>,
      %swap3A_171 = vector.shape_cast %swap3A_170 : vector<1x16xi32> to vector<1x16xi32>
      %swap3A_172 = vector.shape_cast %add3A_168 : vector<1x16xi32> to vector<1x16xi32>
      tpu.vector_store %arg5[%swap3A, %swap3A_169], %swap3A_172 {strides = array<i32>} : memref<250x80xi32, #tpu.memory_space<vmem>>, vector<1x16xi32>,
      %get3A_173 = arith.index_cast %add3A_160 : i32 to index
      %get3A_174 = arith.constant 16 : index
      %get3A_175 = tpu.vector_load %arg5[%get3A_173, %get3A_174] {strides = array<i32>} : memref<250x80xi32, #tpu.memory_space<vmem>>, vector<1x16xi32>,
      %get3A_176 = vector.shape_cast %get3A_175 : vector<1x16xi32> to vector<1x16xi32>
      %mul3A_177 = arith.constant 2 : i32
      %mul3A_178 = vector.broadcast %mul3A_177 : i32 to vector<1x16xi32>
      %mul3A_179 = arith.muli %get3A_176, %mul3A_178 : vector<1x16xi32>
      %add3A_180 = vector.broadcast %arg0 : i32 to vector<1x16xi32>
      %add3A_181 = arith.addi %mul3A_179, %add3A_180 : vector<1x16xi32>
      %swap3A_182 = arith.index_cast %add3A_160 : i32 to index
      %swap3A_183 = arith.constant 16 : index
      %swap3A_184 = tpu.vector_load %arg5[%swap3A_182, %swap3A_183] {strides = array<i32>} : memref<250x80xi32, #tpu.memory_space<vmem>>, vector<1x16xi32>,
      %swap3A_185 = vector.shape_cast %swap3A_184 : vector<1x16xi32> to vector<1x16xi32>
      %swap3A_186 = vector.shape_cast %add3A_181 : vector<1x16xi32> to vector<1x16xi32>
      tpu.vector_store %arg5[%swap3A_182, %swap3A_183], %swap3A_186 {strides = array<i32>} : memref<250x80xi32, #tpu.memory_space<vmem>>, vector<1x16xi32>,
      %get3A_187 = arith.index_cast %add3A_160 : i32 to index
      %get3A_188 = arith.constant 32 : index
      %get3A_189 = tpu.vector_load %arg5[%get3A_187, %get3A_188] {strides = array<i32>} : memref<250x80xi32, #tpu.memory_space<vmem>>, vector<1x16xi32>,
      %get3A_190 = vector.shape_cast %get3A_189 : vector<1x16xi32> to vector<1x16xi32>
      %mul3A_191 = arith.constant 2 : i32
      %mul3A_192 = vector.broadcast %mul3A_191 : i32 to vector<1x16xi32>
      %mul3A_193 = arith.muli %get3A_190, %mul3A_192 : vector<1x16xi32>
      %add3A_194 = vector.broadcast %arg0 : i32 to vector<1x16xi32>
      %add3A_195 = arith.addi %mul3A_193, %add3A_194 : vector<1x16xi32>
      %swap3A_196 = arith.index_cast %add3A_160 : i32 to index
      %swap3A_197 = arith.constant 32 : index
      %swap3A_198 = tpu.vector_load %arg5[%swap3A_196, %swap3A_197] {strides = array<i32>} : memref<250x80xi32, #tpu.memory_space<vmem>>, vector<1x16xi32>,
      %swap3A_199 = vector.shape_cast %swap3A_198 : vector<1x16xi32> to vector<1x16xi32>
      %swap3A_200 = vector.shape_cast %add3A_195 : vector<1x16xi32> to vector<1x16xi32>
      tpu.vector_store %arg5[%swap3A_196, %swap3A_197], %swap3A_200 {strides = array<i32>} : memref<250x80xi32, #tpu.memory_space<vmem>>, vector<1x16xi32>,
      %get3A_201 = arith.index_cast %add3A_160 : i32 to index
      %get3A_202 = arith.constant 48 : index
      %get3A_203 = tpu.vector_load %arg5[%get3A_201, %get3A_202] {strides = array<i32>} : memref<250x80xi32, #tpu.memory_space<vmem>>, vector<1x16xi32>,
      %get3A_204 = vector.shape_cast %get3A_203 : vector<1x16xi32> to vector<1x16xi32>
      %mul3A_205 = arith.constant 2 : i32
      %mul3A_206 = vector.broadcast %mul3A_205 : i32 to vector<1x16xi32>
      %mul3A_207 = arith.muli %get3A_204, %mul3A_206 : vector<1x16xi32>
      %add3A_208 = vector.broadcast %arg0 : i32 to vector<1x16xi32>
      %add3A_209 = arith.addi %mul3A_207, %add3A_208 : vector<1x16xi32>
      %swap3A_210 = arith.index_cast %add3A_160 : i32 to index
      %swap3A_211 = arith.constant 48 : index
      %swap3A_212 = tpu.vector_load %arg5[%swap3A_210, %swap3A_211] {strides = array<i32>} : memref<250x80xi32, #tpu.memory_space<vmem>>, vector<1x16xi32>,
      %swap3A_213 = vector.shape_cast %swap3A_212 : vector<1x16xi32> to vector<1x16xi32>
      %swap3A_214 = vector.shape_cast %add3A_209 : vector<1x16xi32> to vector<1x16xi32>
      tpu.vector_store %arg5[%swap3A_210, %swap3A_211], %swap3A_214 {strides = array<i32>} : memref<250x80xi32, #tpu.memory_space<vmem>>, vector<1x16xi32>,
      %get3A_215 = arith.index_cast %add3A_160 : i32 to index
      %get3A_216 = arith.constant 64 : index
      %get3A_217 = tpu.vector_load %arg5[%get3A_215, %get3A_216] {strides = array<i32>} : memref<250x80xi32, #tpu.memory_space<vmem>>, vector<1x16xi32>,
      %get3A_218 = vector.shape_cast %get3A_217 : vector<1x16xi32> to vector<1x16xi32>
      %mul3A_219 = arith.constant 2 : i32
      %mul3A_220 = vector.broadcast %mul3A_219 : i32 to vector<1x16xi32>
      %mul3A_221 = arith.muli %get3A_218, %mul3A_220 : vector<1x16xi32>
      %add3A_222 = vector.broadcast %arg0 : i32 to vector<1x16xi32>
      %add3A_223 = arith.addi %mul3A_221, %add3A_222 : vector<1x16xi32>
      %swap3A_224 = arith.index_cast %add3A_160 : i32 to index
      %swap3A_225 = arith.constant 64 : index
      %swap3A_226 = tpu.vector_load %arg5[%swap3A_224, %swap3A_225] {strides = array<i32>} : memref<250x80xi32, #tpu.memory_space<vmem>>, vector<1x16xi32>,
      %swap3A_227 = vector.shape_cast %swap3A_226 : vector<1x16xi32> to vector<1x16xi32>
      %swap3A_228 = vector.shape_cast %add3A_223 : vector<1x16xi32> to vector<1x16xi32>
      tpu.vector_store %arg5[%swap3A_224, %swap3A_225], %swap3A_228 {strides = array<i32>} : memref<250x80xi32, #tpu.memory_space<vmem>>, vector<1x16xi32>,
    }
    %scan3A_29 = arith.constant 250 : i32
    %barrier3A = arith.constant 0 : index
    tpu.barrier barrier_id(%barrier3A)
    %dma_start3A = arith.constant 0 : i32
    %dma_start3A_30 = arith.constant 0 : i32
    %dma_start3A_31 = arith.constant 0 : i32
    %dma_start3A_32 = arith.constant 0 : i32
    %dma_start3A_33 = tpu.memref_slice %arg7[%dma_start3A_30, %dma_start3A_31, %dma_start3A_32] : memref<5x80x64xf32, #tpu.memory_space<vmem>> -> memref<1x80x64xf32, #tpu.memory_space<vmem>>
    %dma_start3A_34 = tpu.memref_squeeze %dma_start3A_33 : memref<1x80x64xf32, #tpu.memory_space<vmem>> -> memref<80x64xf32, #tpu.memory_space<vmem>>
    %dma_start3A_35 = arith.constant 0 : i32
    %dma_start3A_36 = tpu.memref_slice %arg5[%dma_start3A, %dma_start3A_35] : memref<250x80xi32, #tpu.memory_space<vmem>> -> memref<1x80xi32, #tpu.memory_space<vmem>>
    %dma_start3A_37 = tpu.memref_squeeze %dma_start3A_36 : memref<1x80xi32, #tpu.memory_space<vmem>> -> memref<80xi32, #tpu.memory_space<vmem>>
    %dma_start3A_38 = arith.constant 0 : i32
    %dma_start3A_39 = arith.constant 0 : i32
    %dma_start3A_40 = tpu.memref_slice %arg2[%dma_start3A_38, %dma_start3A_39] : memref<20000x64xf32, #tpu.memory_space<hbm>> -> memref<20000x64xf32, #tpu.memory_space<hbm>>
    tpu.enqueue_indirect_dma source(%dma_start3A_40 : memref<20000x64xf32, #tpu.memory_space<hbm>>) target(%dma_start3A_34 : memref<80x64xf32, #tpu.memory_space<vmem>>) offsets(%dma_start3A_37 : memref<80xi32, #tpu.memory_space<vmem>>) semaphore(%arg10 : memref<!tpu.dma_semaphore, #tpu.memory_space<semaphore_mem>>)
    %dma_start3A_41 = arith.constant 1 : i32
    %dma_start3A_42 = arith.constant 1 : i32
    %dma_start3A_43 = arith.constant 0 : i32
    %dma_start3A_44 = arith.constant 0 : i32
    %dma_start3A_45 = tpu.memref_slice %arg7[%dma_start3A_42, %dma_start3A_43, %dma_start3A_44] : memref<5x80x64xf32, #tpu.memory_space<vmem>> -> memref<1x80x64xf32, #tpu.memory_space<vmem>>
    %dma_start3A_46 = tpu.memref_squeeze %dma_start3A_45 : memref<1x80x64xf32, #tpu.memory_space<vmem>> -> memref<80x64xf32, #tpu.memory_space<vmem>>
    %dma_start3A_47 = arith.constant 0 : i32
    %dma_start3A_48 = tpu.memref_slice %arg5[%dma_start3A_41, %dma_start3A_47] : memref<250x80xi32, #tpu.memory_space<vmem>> -> memref<1x80xi32, #tpu.memory_space<vmem>>
    %dma_start3A_49 = tpu.memref_squeeze %dma_start3A_48 : memref<1x80xi32, #tpu.memory_space<vmem>> -> memref<80xi32, #tpu.memory_space<vmem>>
    %dma_start3A_50 = arith.constant 0 : i32
    %dma_start3A_51 = arith.constant 0 : i32
    %dma_start3A_52 = tpu.memref_slice %arg2[%dma_start3A_50, %dma_start3A_51] : memref<20000x64xf32, #tpu.memory_space<hbm>> -> memref<20000x64xf32, #tpu.memory_space<hbm>>
    tpu.enqueue_indirect_dma source(%dma_start3A_52 : memref<20000x64xf32, #tpu.memory_space<hbm>>) target(%dma_start3A_46 : memref<80x64xf32, #tpu.memory_space<vmem>>) offsets(%dma_start3A_49 : memref<80xi32, #tpu.memory_space<vmem>>) semaphore(%arg11 : memref<!tpu.dma_semaphore, #tpu.memory_space<semaphore_mem>>)
    %dma_start3A_53 = arith.constant 2 : i32
    %dma_start3A_54 = arith.constant 2 : i32
    %dma_start3A_55 = arith.constant 0 : i32
    %dma_start3A_56 = arith.constant 0 : i32
    %dma_start3A_57 = tpu.memref_slice %arg7[%dma_start3A_54, %dma_start3A_55, %dma_start3A_56] : memref<5x80x64xf32, #tpu.memory_space<vmem>> -> memref<1x80x64xf32, #tpu.memory_space<vmem>>
    %dma_start3A_58 = tpu.memref_squeeze %dma_start3A_57 : memref<1x80x64xf32, #tpu.memory_space<vmem>> -> memref<80x64xf32, #tpu.memory_space<vmem>>
    %dma_start3A_59 = arith.constant 0 : i32
    %dma_start3A_60 = tpu.memref_slice %arg5[%dma_start3A_53, %dma_start3A_59] : memref<250x80xi32, #tpu.memory_space<vmem>> -> memref<1x80xi32, #tpu.memory_space<vmem>>
    %dma_start3A_61 = tpu.memref_squeeze %dma_start3A_60 : memref<1x80xi32, #tpu.memory_space<vmem>> -> memref<80xi32, #tpu.memory_space<vmem>>
    %dma_start3A_62 = arith.constant 0 : i32
    %dma_start3A_63 = arith.constant 0 : i32
    %dma_start3A_64 = tpu.memref_slice %arg2[%dma_start3A_62, %dma_start3A_63] : memref<20000x64xf32, #tpu.memory_space<hbm>> -> memref<20000x64xf32, #tpu.memory_space<hbm>>
    tpu.enqueue_indirect_dma source(%dma_start3A_64 : memref<20000x64xf32, #tpu.memory_space<hbm>>) target(%dma_start3A_58 : memref<80x64xf32, #tpu.memory_space<vmem>>) offsets(%dma_start3A_61 : memref<80xi32, #tpu.memory_space<vmem>>) semaphore(%arg12 : memref<!tpu.dma_semaphore, #tpu.memory_space<semaphore_mem>>)
    %dma_start3A_65 = arith.constant 3 : i32
    %dma_start3A_66 = arith.constant 3 : i32
    %dma_start3A_67 = arith.constant 0 : i32
    %dma_start3A_68 = arith.constant 0 : i32
    %dma_start3A_69 = tpu.memref_slice %arg7[%dma_start3A_66, %dma_start3A_67, %dma_start3A_68] : memref<5x80x64xf32, #tpu.memory_space<vmem>> -> memref<1x80x64xf32, #tpu.memory_space<vmem>>
    %dma_start3A_70 = tpu.memref_squeeze %dma_start3A_69 : memref<1x80x64xf32, #tpu.memory_space<vmem>> -> memref<80x64xf32, #tpu.memory_space<vmem>>
    %dma_start3A_71 = arith.constant 0 : i32
    %dma_start3A_72 = tpu.memref_slice %arg5[%dma_start3A_65, %dma_start3A_71] : memref<250x80xi32, #tpu.memory_space<vmem>> -> memref<1x80xi32, #tpu.memory_space<vmem>>
    %dma_start3A_73 = tpu.memref_squeeze %dma_start3A_72 : memref<1x80xi32, #tpu.memory_space<vmem>> -> memref<80xi32, #tpu.memory_space<vmem>>
    %dma_start3A_74 = arith.constant 0 : i32
    %dma_start3A_75 = arith.constant 0 : i32
    %dma_start3A_76 = tpu.memref_slice %arg2[%dma_start3A_74, %dma_start3A_75] : memref<20000x64xf32, #tpu.memory_space<hbm>> -> memref<20000x64xf32, #tpu.memory_space<hbm>>
    tpu.enqueue_indirect_dma source(%dma_start3A_76 : memref<20000x64xf32, #tpu.memory_space<hbm>>) target(%dma_start3A_70 : memref<80x64xf32, #tpu.memory_space<vmem>>) offsets(%dma_start3A_73 : memref<80xi32, #tpu.memory_space<vmem>>) semaphore(%arg13 : memref<!tpu.dma_semaphore, #tpu.memory_space<semaphore_mem>>)
    %dma_start3A_77 = arith.constant 4 : i32
    %dma_start3A_78 = arith.constant 4 : i32
    %dma_start3A_79 = arith.constant 0 : i32
    %dma_start3A_80 = arith.constant 0 : i32
    %dma_start3A_81 = tpu.memref_slice %arg7[%dma_start3A_78, %dma_start3A_79, %dma_start3A_80] : memref<5x80x64xf32, #tpu.memory_space<vmem>> -> memref<1x80x64xf32, #tpu.memory_space<vmem>>
    %dma_start3A_82 = tpu.memref_squeeze %dma_start3A_81 : memref<1x80x64xf32, #tpu.memory_space<vmem>> -> memref<80x64xf32, #tpu.memory_space<vmem>>
    %dma_start3A_83 = arith.constant 0 : i32
    %dma_start3A_84 = tpu.memref_slice %arg5[%dma_start3A_77, %dma_start3A_83] : memref<250x80xi32, #tpu.memory_space<vmem>> -> memref<1x80xi32, #tpu.memory_space<vmem>>
    %dma_start3A_85 = tpu.memref_squeeze %dma_start3A_84 : memref<1x80xi32, #tpu.memory_space<vmem>> -> memref<80xi32, #tpu.memory_space<vmem>>
    %dma_start3A_86 = arith.constant 0 : i32
    %dma_start3A_87 = arith.constant 0 : i32
    %dma_start3A_88 = tpu.memref_slice %arg2[%dma_start3A_86, %dma_start3A_87] : memref<20000x64xf32, #tpu.memory_space<hbm>> -> memref<20000x64xf32, #tpu.memory_space<hbm>>
    tpu.enqueue_indirect_dma source(%dma_start3A_88 : memref<20000x64xf32, #tpu.memory_space<hbm>>) target(%dma_start3A_82 : memref<80x64xf32, #tpu.memory_space<vmem>>) offsets(%dma_start3A_85 : memref<80xi32, #tpu.memory_space<vmem>>) semaphore(%arg14 : memref<!tpu.dma_semaphore, #tpu.memory_space<semaphore_mem>>)
    %scan3A_89 = arith.constant 0 : i32
    %scan3A_90 = arith.constant 50 : i32
    %scan3A_91 = arith.addi %scan3A_89, %scan3A_90 : i32
    %scan3A_92 = arith.constant 1 : i32
    scf.for %scan3A_156 = %scan3A_89 to %scan3A_91 step %scan3A_92  : i32 {
      %mul3A_157 = arith.constant 1 : i32
      %mul3A_158 = arith.muli %scan3A_156, %mul3A_157 : i32
      %add3A_159 = arith.constant 0 : i32
      %add3A_160 = arith.addi %add3A_159, %mul3A_158 : i32
      %mul3A_161 = arith.constant 5 : i32
      %mul3A_162 = arith.muli %add3A_160, %mul3A_161 : i32
      %add3A_163 = arith.constant 0 : i32
      %add3A_164 = arith.addi %mul3A_162, %add3A_163 : i32
      %dma_wait3A_165 = arith.constant 0 : i32
      %dma_wait3A_166 = arith.constant 0 : i32
      %dma_wait3A_167 = arith.constant 0 : i32
      %dma_wait3A_168 = arith.constant 0 : i32
      %dma_wait3A_169 = tpu.memref_slice %arg7[%dma_wait3A_166, %dma_wait3A_167, %dma_wait3A_168] : memref<5x80x64xf32, #tpu.memory_space<vmem>> -> memref<1x80x64xf32, #tpu.memory_space<vmem>>
      %dma_wait3A_170 = tpu.memref_squeeze %dma_wait3A_169 : memref<1x80x64xf32, #tpu.memory_space<vmem>> -> memref<80x64xf32, #tpu.memory_space<vmem>>
      %dma_wait3A_171 = arith.constant 0 : i32
      %dma_wait3A_172 = tpu.memref_slice %arg5[%dma_wait3A_165, %dma_wait3A_171] : memref<250x80xi32, #tpu.memory_space<vmem>> -> memref<1x80xi32, #tpu.memory_space<vmem>>
      %dma_wait3A_173 = tpu.memref_squeeze %dma_wait3A_172 : memref<1x80xi32, #tpu.memory_space<vmem>> -> memref<80xi32, #tpu.memory_space<vmem>>
      %dma_wait3A_174 = arith.constant 0 : i32
      %dma_wait3A_175 = arith.constant 0 : i32
      %dma_wait3A_176 = tpu.memref_slice %arg2[%dma_wait3A_174, %dma_wait3A_175] : memref<20000x64xf32, #tpu.memory_space<hbm>> -> memref<20000x64xf32, #tpu.memory_space<hbm>>
      tpu.wait_indirect_dma semaphore(%arg10 : memref<!tpu.dma_semaphore, #tpu.memory_space<semaphore_mem>>) src(%dma_wait3A_176 : memref<20000x64xf32, #tpu.memory_space<hbm>>) dst(%dma_wait3A_170 : memref<80x64xf32, #tpu.memory_space<vmem>>)
      %dma_start3A_177 = arith.constant 0 : i32
      %dma_start3A_178 = arith.constant 0 : i32
      %dma_start3A_179 = arith.constant 0 : i32
      %dma_start3A_180 = tpu.memref_slice %arg7[%dma_start3A_177, %dma_start3A_178, %dma_start3A_179] : memref<5x80x64xf32, #tpu.memory_space<vmem>> -> memref<1x80x64xf32, #tpu.memory_space<vmem>>
      %dma_start3A_181 = tpu.memref_squeeze %dma_start3A_180 : memref<1x80x64xf32, #tpu.memory_space<vmem>> -> memref<80x64xf32, #tpu.memory_space<vmem>>
      %dma_start3A_182 = arith.constant 0 : i32
      %dma_start3A_183 = tpu.memref_slice %arg6[%add3A_164, %dma_start3A_182] : memref<250x80xi32, #tpu.memory_space<vmem>> -> memref<1x80xi32, #tpu.memory_space<vmem>>
      %dma_start3A_184 = tpu.memref_squeeze %dma_start3A_183 : memref<1x80xi32, #tpu.memory_space<vmem>> -> memref<80xi32, #tpu.memory_space<vmem>>
      %dma_start3A_185 = arith.constant 0 : i32
      %dma_start3A_186 = arith.constant 0 : i32
      %dma_start3A_187 = tpu.memref_slice %arg9[%dma_start3A_185, %dma_start3A_186] : memref<10240x64xf32, #tpu.memory_space<vmem_shared>> -> memref<10240x64xf32, #tpu.memory_space<vmem_shared>>
      tpu.enqueue_indirect_dma source(%dma_start3A_181 : memref<80x64xf32, #tpu.memory_space<vmem>>) target(%dma_start3A_187 : memref<10240x64xf32, #tpu.memory_space<vmem_shared>>) offsets(%dma_start3A_184 : memref<80xi32, #tpu.memory_space<vmem>>) semaphore(%arg15 : memref<!tpu.dma_semaphore, #tpu.memory_space<semaphore_mem>>) {add = true}
      %lt3A = arith.constant 49 : i32
      %lt3A_188 = arith.cmpi slt, %add3A_160, %lt3A : i32
      %convert_element_type3A = arith.extui %lt3A_188 : i1 to i32
      %cond3A = arith.constant 0 : i32
      %cond3A_189 = arith.cmpi ne, %convert_element_type3A, %cond3A : i32
      scf.if %cond3A_189 {
        %dma_wait3A_318 = arith.constant 0 : i32
        %dma_wait3A_319 = arith.constant 0 : i32
        %dma_wait3A_320 = arith.constant 0 : i32
        %dma_wait3A_321 = arith.constant 0 : i32
        %dma_wait3A_322 = tpu.memref_slice %arg7[%dma_wait3A_318, %dma_wait3A_320, %dma_wait3A_321] : memref<5x80x64xf32, #tpu.memory_space<vmem>> -> memref<1x80x64xf32, #tpu.memory_space<vmem>>
        %dma_wait3A_323 = tpu.memref_squeeze %dma_wait3A_322 : memref<1x80x64xf32, #tpu.memory_space<vmem>> -> memref<80x64xf32, #tpu.memory_space<vmem>>
        %dma_wait3A_324 = arith.constant 0 : i32
        %dma_wait3A_325 = tpu.memref_slice %arg6[%dma_wait3A_319, %dma_wait3A_324] : memref<250x80xi32, #tpu.memory_space<vmem>> -> memref<1x80xi32, #tpu.memory_space<vmem>>
        %dma_wait3A_326 = tpu.memref_squeeze %dma_wait3A_325 : memref<1x80xi32, #tpu.memory_space<vmem>> -> memref<80xi32, #tpu.memory_space<vmem>>
        %dma_wait3A_327 = arith.constant 0 : i32
        %dma_wait3A_328 = arith.constant 0 : i32
        %dma_wait3A_329 = tpu.memref_slice %arg9[%dma_wait3A_327, %dma_wait3A_328] : memref<10240x64xf32, #tpu.memory_space<vmem_shared>> -> memref<10240x64xf32, #tpu.memory_space<vmem_shared>>
        tpu.wait_indirect_dma semaphore(%arg15 : memref<!tpu.dma_semaphore, #tpu.memory_space<semaphore_mem>>) src(%dma_wait3A_323 : memref<80x64xf32, #tpu.memory_space<vmem>>) dst(%dma_wait3A_329 : memref<10240x64xf32, #tpu.memory_space<vmem_shared>>)
        %add3A_330 = arith.constant 5 : i32
        %add3A_331 = arith.addi %add3A_164, %add3A_330 : i32
        %dma_start3A_332 = arith.constant 0 : i32
        %dma_start3A_333 = arith.constant 0 : i32
        %dma_start3A_334 = arith.constant 0 : i32
        %dma_start3A_335 = tpu.memref_slice %arg7[%dma_start3A_332, %dma_start3A_333, %dma_start3A_334] : memref<5x80x64xf32, #tpu.memory_space<vmem>> -> memref<1x80x64xf32, #tpu.memory_space<vmem>>
        %dma_start3A_336 = tpu.memref_squeeze %dma_start3A_335 : memref<1x80x64xf32, #tpu.memory_space<vmem>> -> memref<80x64xf32, #tpu.memory_space<vmem>>
        %dma_start3A_337 = arith.constant 0 : i32
        %dma_start3A_338 = tpu.memref_slice %arg5[%add3A_331, %dma_start3A_337] : memref<250x80xi32, #tpu.memory_space<vmem>> -> memref<1x80xi32, #tpu.memory_space<vmem>>
        %dma_start3A_339 = tpu.memref_squeeze %dma_start3A_338 : memref<1x80xi32, #tpu.memory_space<vmem>> -> memref<80xi32, #tpu.memory_space<vmem>>
        %dma_start3A_340 = arith.constant 0 : i32
        %dma_start3A_341 = arith.constant 0 : i32
        %dma_start3A_342 = tpu.memref_slice %arg2[%dma_start3A_340, %dma_start3A_341] : memref<20000x64xf32, #tpu.memory_space<hbm>> -> memref<20000x64xf32, #tpu.memory_space<hbm>>
        tpu.enqueue_indirect_dma source(%dma_start3A_342 : memref<20000x64xf32, #tpu.memory_space<hbm>>) target(%dma_start3A_336 : memref<80x64xf32, #tpu.memory_space<vmem>>) offsets(%dma_start3A_339 : memref<80xi32, #tpu.memory_space<vmem>>) semaphore(%arg10 : memref<!tpu.dma_semaphore, #tpu.memory_space<semaphore_mem>>)
      } else {
      }
      %mul3A_190 = arith.constant 5 : i32
      %mul3A_191 = arith.muli %add3A_160, %mul3A_190 : i32
      %add3A_192 = arith.constant 1 : i32
      %add3A_193 = arith.addi %mul3A_191, %add3A_192 : i32
      %dma_wait3A_194 = arith.constant 1 : i32
      %dma_wait3A_195 = arith.constant 1 : i32
      %dma_wait3A_196 = arith.constant 0 : i32
      %dma_wait3A_197 = arith.constant 0 : i32
      %dma_wait3A_198 = tpu.memref_slice %arg7[%dma_wait3A_195, %dma_wait3A_196, %dma_wait3A_197] : memref<5x80x64xf32, #tpu.memory_space<vmem>> -> memref<1x80x64xf32, #tpu.memory_space<vmem>>
      %dma_wait3A_199 = tpu.memref_squeeze %dma_wait3A_198 : memref<1x80x64xf32, #tpu.memory_space<vmem>> -> memref<80x64xf32, #tpu.memory_space<vmem>>
      %dma_wait3A_200 = arith.constant 0 : i32
      %dma_wait3A_201 = tpu.memref_slice %arg5[%dma_wait3A_194, %dma_wait3A_200] : memref<250x80xi32, #tpu.memory_space<vmem>> -> memref<1x80xi32, #tpu.memory_space<vmem>>
      %dma_wait3A_202 = tpu.memref_squeeze %dma_wait3A_201 : memref<1x80xi32, #tpu.memory_space<vmem>> -> memref<80xi32, #tpu.memory_space<vmem>>
      %dma_wait3A_203 = arith.constant 0 : i32
      %dma_wait3A_204 = arith.constant 0 : i32
      %dma_wait3A_205 = tpu.memref_slice %arg2[%dma_wait3A_203, %dma_wait3A_204] : memref<20000x64xf32, #tpu.memory_space<hbm>> -> memref<20000x64xf32, #tpu.memory_space<hbm>>
      tpu.wait_indirect_dma semaphore(%arg11 : memref<!tpu.dma_semaphore, #tpu.memory_space<semaphore_mem>>) src(%dma_wait3A_205 : memref<20000x64xf32, #tpu.memory_space<hbm>>) dst(%dma_wait3A_199 : memref<80x64xf32, #tpu.memory_space<vmem>>)
      %dma_start3A_206 = arith.constant 1 : i32
      %dma_start3A_207 = arith.constant 0 : i32
      %dma_start3A_208 = arith.constant 0 : i32
      %dma_start3A_209 = tpu.memref_slice %arg7[%dma_start3A_206, %dma_start3A_207, %dma_start3A_208] : memref<5x80x64xf32, #tpu.memory_space<vmem>> -> memref<1x80x64xf32, #tpu.memory_space<vmem>>
      %dma_start3A_210 = tpu.memref_squeeze %dma_start3A_209 : memref<1x80x64xf32, #tpu.memory_space<vmem>> -> memref<80x64xf32, #tpu.memory_space<vmem>>
      %dma_start3A_211 = arith.constant 0 : i32
      %dma_start3A_212 = tpu.memref_slice %arg6[%add3A_193, %dma_start3A_211] : memref<250x80xi32, #tpu.memory_space<vmem>> -> memref<1x80xi32, #tpu.memory_space<vmem>>
      %dma_start3A_213 = tpu.memref_squeeze %dma_start3A_212 : memref<1x80xi32, #tpu.memory_space<vmem>> -> memref<80xi32, #tpu.memory_space<vmem>>
      %dma_start3A_214 = arith.constant 0 : i32
      %dma_start3A_215 = arith.constant 0 : i32
      %dma_start3A_216 = tpu.memref_slice %arg9[%dma_start3A_214, %dma_start3A_215] : memref<10240x64xf32, #tpu.memory_space<vmem_shared>> -> memref<10240x64xf32, #tpu.memory_space<vmem_shared>>
      tpu.enqueue_indirect_dma source(%dma_start3A_210 : memref<80x64xf32, #tpu.memory_space<vmem>>) target(%dma_start3A_216 : memref<10240x64xf32, #tpu.memory_space<vmem_shared>>) offsets(%dma_start3A_213 : memref<80xi32, #tpu.memory_space<vmem>>) semaphore(%arg16 : memref<!tpu.dma_semaphore, #tpu.memory_space<semaphore_mem>>) {add = true}
      %lt3A_217 = arith.constant 49 : i32
      %lt3A_218 = arith.cmpi slt, %add3A_160, %lt3A_217 : i32
      %convert_element_type3A_219 = arith.extui %lt3A_218 : i1 to i32
      %cond3A_220 = arith.constant 0 : i32
      %cond3A_221 = arith.cmpi ne, %convert_element_type3A_219, %cond3A_220 : i32
      scf.if %cond3A_221 {
        %dma_wait3A_318 = arith.constant 1 : i32
        %dma_wait3A_319 = arith.constant 1 : i32
        %dma_wait3A_320 = arith.constant 0 : i32
        %dma_wait3A_321 = arith.constant 0 : i32
        %dma_wait3A_322 = tpu.memref_slice %arg7[%dma_wait3A_318, %dma_wait3A_320, %dma_wait3A_321] : memref<5x80x64xf32, #tpu.memory_space<vmem>> -> memref<1x80x64xf32, #tpu.memory_space<vmem>>
        %dma_wait3A_323 = tpu.memref_squeeze %dma_wait3A_322 : memref<1x80x64xf32, #tpu.memory_space<vmem>> -> memref<80x64xf32, #tpu.memory_space<vmem>>
        %dma_wait3A_324 = arith.constant 0 : i32
        %dma_wait3A_325 = tpu.memref_slice %arg6[%dma_wait3A_319, %dma_wait3A_324] : memref<250x80xi32, #tpu.memory_space<vmem>> -> memref<1x80xi32, #tpu.memory_space<vmem>>
        %dma_wait3A_326 = tpu.memref_squeeze %dma_wait3A_325 : memref<1x80xi32, #tpu.memory_space<vmem>> -> memref<80xi32, #tpu.memory_space<vmem>>
        %dma_wait3A_327 = arith.constant 0 : i32
        %dma_wait3A_328 = arith.constant 0 : i32
        %dma_wait3A_329 = tpu.memref_slice %arg9[%dma_wait3A_327, %dma_wait3A_328] : memref<10240x64xf32, #tpu.memory_space<vmem_shared>> -> memref<10240x64xf32, #tpu.memory_space<vmem_shared>>
        tpu.wait_indirect_dma semaphore(%arg16 : memref<!tpu.dma_semaphore, #tpu.memory_space<semaphore_mem>>) src(%dma_wait3A_323 : memref<80x64xf32, #tpu.memory_space<vmem>>) dst(%dma_wait3A_329 : memref<10240x64xf32, #tpu.memory_space<vmem_shared>>)
        %add3A_330 = arith.constant 5 : i32
        %add3A_331 = arith.addi %add3A_193, %add3A_330 : i32
        %dma_start3A_332 = arith.constant 1 : i32
        %dma_start3A_333 = arith.constant 0 : i32
        %dma_start3A_334 = arith.constant 0 : i32
        %dma_start3A_335 = tpu.memref_slice %arg7[%dma_start3A_332, %dma_start3A_333, %dma_start3A_334] : memref<5x80x64xf32, #tpu.memory_space<vmem>> -> memref<1x80x64xf32, #tpu.memory_space<vmem>>
        %dma_start3A_336 = tpu.memref_squeeze %dma_start3A_335 : memref<1x80x64xf32, #tpu.memory_space<vmem>> -> memref<80x64xf32, #tpu.memory_space<vmem>>
        %dma_start3A_337 = arith.constant 0 : i32
        %dma_start3A_338 = tpu.memref_slice %arg5[%add3A_331, %dma_start3A_337] : memref<250x80xi32, #tpu.memory_space<vmem>> -> memref<1x80xi32, #tpu.memory_space<vmem>>
        %dma_start3A_339 = tpu.memref_squeeze %dma_start3A_338 : memref<1x80xi32, #tpu.memory_space<vmem>> -> memref<80xi32, #tpu.memory_space<vmem>>
        %dma_start3A_340 = arith.constant 0 : i32
        %dma_start3A_341 = arith.constant 0 : i32
        %dma_start3A_342 = tpu.memref_slice %arg2[%dma_start3A_340, %dma_start3A_341] : memref<20000x64xf32, #tpu.memory_space<hbm>> -> memref<20000x64xf32, #tpu.memory_space<hbm>>
        tpu.enqueue_indirect_dma source(%dma_start3A_342 : memref<20000x64xf32, #tpu.memory_space<hbm>>) target(%dma_start3A_336 : memref<80x64xf32, #tpu.memory_space<vmem>>) offsets(%dma_start3A_339 : memref<80xi32, #tpu.memory_space<vmem>>) semaphore(%arg11 : memref<!tpu.dma_semaphore, #tpu.memory_space<semaphore_mem>>)
      } else {
      }
      %mul3A_222 = arith.constant 5 : i32
      %mul3A_223 = arith.muli %add3A_160, %mul3A_222 : i32
      %add3A_224 = arith.constant 2 : i32
      %add3A_225 = arith.addi %mul3A_223, %add3A_224 : i32
      %dma_wait3A_226 = arith.constant 2 : i32
      %dma_wait3A_227 = arith.constant 2 : i32
      %dma_wait3A_228 = arith.constant 0 : i32
      %dma_wait3A_229 = arith.constant 0 : i32
      %dma_wait3A_230 = tpu.memref_slice %arg7[%dma_wait3A_227, %dma_wait3A_228, %dma_wait3A_229] : memref<5x80x64xf32, #tpu.memory_space<vmem>> -> memref<1x80x64xf32, #tpu.memory_space<vmem>>
      %dma_wait3A_231 = tpu.memref_squeeze %dma_wait3A_230 : memref<1x80x64xf32, #tpu.memory_space<vmem>> -> memref<80x64xf32, #tpu.memory_space<vmem>>
      %dma_wait3A_232 = arith.constant 0 : i32
      %dma_wait3A_233 = tpu.memref_slice %arg5[%dma_wait3A_226, %dma_wait3A_232] : memref<250x80xi32, #tpu.memory_space<vmem>> -> memref<1x80xi32, #tpu.memory_space<vmem>>
      %dma_wait3A_234 = tpu.memref_squeeze %dma_wait3A_233 : memref<1x80xi32, #tpu.memory_space<vmem>> -> memref<80xi32, #tpu.memory_space<vmem>>
      %dma_wait3A_235 = arith.constant 0 : i32
      %dma_wait3A_236 = arith.constant 0 : i32
      %dma_wait3A_237 = tpu.memref_slice %arg2[%dma_wait3A_235, %dma_wait3A_236] : memref<20000x64xf32, #tpu.memory_space<hbm>> -> memref<20000x64xf32, #tpu.memory_space<hbm>>
      tpu.wait_indirect_dma semaphore(%arg12 : memref<!tpu.dma_semaphore, #tpu.memory_space<semaphore_mem>>) src(%dma_wait3A_237 : memref<20000x64xf32, #tpu.memory_space<hbm>>) dst(%dma_wait3A_231 : memref<80x64xf32, #tpu.memory_space<vmem>>)
      %dma_start3A_238 = arith.constant 2 : i32
      %dma_start3A_239 = arith.constant 0 : i32
      %dma_start3A_240 = arith.constant 0 : i32
      %dma_start3A_241 = tpu.memref_slice %arg7[%dma_start3A_238, %dma_start3A_239, %dma_start3A_240] : memref<5x80x64xf32, #tpu.memory_space<vmem>> -> memref<1x80x64xf32, #tpu.memory_space<vmem>>
      %dma_start3A_242 = tpu.memref_squeeze %dma_start3A_241 : memref<1x80x64xf32, #tpu.memory_space<vmem>> -> memref<80x64xf32, #tpu.memory_space<vmem>>
      %dma_start3A_243 = arith.constant 0 : i32
      %dma_start3A_244 = tpu.memref_slice %arg6[%add3A_225, %dma_start3A_243] : memref<250x80xi32, #tpu.memory_space<vmem>> -> memref<1x80xi32, #tpu.memory_space<vmem>>
      %dma_start3A_245 = tpu.memref_squeeze %dma_start3A_244 : memref<1x80xi32, #tpu.memory_space<vmem>> -> memref<80xi32, #tpu.memory_space<vmem>>
      %dma_start3A_246 = arith.constant 0 : i32
      %dma_start3A_247 = arith.constant 0 : i32
      %dma_start3A_248 = tpu.memref_slice %arg9[%dma_start3A_246, %dma_start3A_247] : memref<10240x64xf32, #tpu.memory_space<vmem_shared>> -> memref<10240x64xf32, #tpu.memory_space<vmem_shared>>
      tpu.enqueue_indirect_dma source(%dma_start3A_242 : memref<80x64xf32, #tpu.memory_space<vmem>>) target(%dma_start3A_248 : memref<10240x64xf32, #tpu.memory_space<vmem_shared>>) offsets(%dma_start3A_245 : memref<80xi32, #tpu.memory_space<vmem>>) semaphore(%arg17 : memref<!tpu.dma_semaphore, #tpu.memory_space<semaphore_mem>>) {add = true}
      %lt3A_249 = arith.constant 49 : i32
      %lt3A_250 = arith.cmpi slt, %add3A_160, %lt3A_249 : i32
      %convert_element_type3A_251 = arith.extui %lt3A_250 : i1 to i32
      %cond3A_252 = arith.constant 0 : i32
      %cond3A_253 = arith.cmpi ne, %convert_element_type3A_251, %cond3A_252 : i32
      scf.if %cond3A_253 {
        %dma_wait3A_318 = arith.constant 2 : i32
        %dma_wait3A_319 = arith.constant 2 : i32
        %dma_wait3A_320 = arith.constant 0 : i32
        %dma_wait3A_321 = arith.constant 0 : i32
        %dma_wait3A_322 = tpu.memref_slice %arg7[%dma_wait3A_318, %dma_wait3A_320, %dma_wait3A_321] : memref<5x80x64xf32, #tpu.memory_space<vmem>> -> memref<1x80x64xf32, #tpu.memory_space<vmem>>
        %dma_wait3A_323 = tpu.memref_squeeze %dma_wait3A_322 : memref<1x80x64xf32, #tpu.memory_space<vmem>> -> memref<80x64xf32, #tpu.memory_space<vmem>>
        %dma_wait3A_324 = arith.constant 0 : i32
        %dma_wait3A_325 = tpu.memref_slice %arg6[%dma_wait3A_319, %dma_wait3A_324] : memref<250x80xi32, #tpu.memory_space<vmem>> -> memref<1x80xi32, #tpu.memory_space<vmem>>
        %dma_wait3A_326 = tpu.memref_squeeze %dma_wait3A_325 : memref<1x80xi32, #tpu.memory_space<vmem>> -> memref<80xi32, #tpu.memory_space<vmem>>
        %dma_wait3A_327 = arith.constant 0 : i32
        %dma_wait3A_328 = arith.constant 0 : i32
        %dma_wait3A_329 = tpu.memref_slice %arg9[%dma_wait3A_327, %dma_wait3A_328] : memref<10240x64xf32, #tpu.memory_space<vmem_shared>> -> memref<10240x64xf32, #tpu.memory_space<vmem_shared>>
        tpu.wait_indirect_dma semaphore(%arg17 : memref<!tpu.dma_semaphore, #tpu.memory_space<semaphore_mem>>) src(%dma_wait3A_323 : memref<80x64xf32, #tpu.memory_space<vmem>>) dst(%dma_wait3A_329 : memref<10240x64xf32, #tpu.memory_space<vmem_shared>>)
        %add3A_330 = arith.constant 5 : i32
        %add3A_331 = arith.addi %add3A_225, %add3A_330 : i32
        %dma_start3A_332 = arith.constant 2 : i32
        %dma_start3A_333 = arith.constant 0 : i32
        %dma_start3A_334 = arith.constant 0 : i32
        %dma_start3A_335 = tpu.memref_slice %arg7[%dma_start3A_332, %dma_start3A_333, %dma_start3A_334] : memref<5x80x64xf32, #tpu.memory_space<vmem>> -> memref<1x80x64xf32, #tpu.memory_space<vmem>>
        %dma_start3A_336 = tpu.memref_squeeze %dma_start3A_335 : memref<1x80x64xf32, #tpu.memory_space<vmem>> -> memref<80x64xf32, #tpu.memory_space<vmem>>
        %dma_start3A_337 = arith.constant 0 : i32
        %dma_start3A_338 = tpu.memref_slice %arg5[%add3A_331, %dma_start3A_337] : memref<250x80xi32, #tpu.memory_space<vmem>> -> memref<1x80xi32, #tpu.memory_space<vmem>>
        %dma_start3A_339 = tpu.memref_squeeze %dma_start3A_338 : memref<1x80xi32, #tpu.memory_space<vmem>> -> memref<80xi32, #tpu.memory_space<vmem>>
        %dma_start3A_340 = arith.constant 0 : i32
        %dma_start3A_341 = arith.constant 0 : i32
        %dma_start3A_342 = tpu.memref_slice %arg2[%dma_start3A_340, %dma_start3A_341] : memref<20000x64xf32, #tpu.memory_space<hbm>> -> memref<20000x64xf32, #tpu.memory_space<hbm>>
        tpu.enqueue_indirect_dma source(%dma_start3A_342 : memref<20000x64xf32, #tpu.memory_space<hbm>>) target(%dma_start3A_336 : memref<80x64xf32, #tpu.memory_space<vmem>>) offsets(%dma_start3A_339 : memref<80xi32, #tpu.memory_space<vmem>>) semaphore(%arg12 : memref<!tpu.dma_semaphore, #tpu.memory_space<semaphore_mem>>)
      } else {
      }
      %mul3A_254 = arith.constant 5 : i32
      %mul3A_255 = arith.muli %add3A_160, %mul3A_254 : i32
      %add3A_256 = arith.constant 3 : i32
      %add3A_257 = arith.addi %mul3A_255, %add3A_256 : i32
      %dma_wait3A_258 = arith.constant 3 : i32
      %dma_wait3A_259 = arith.constant 3 : i32
      %dma_wait3A_260 = arith.constant 0 : i32
      %dma_wait3A_261 = arith.constant 0 : i32
      %dma_wait3A_262 = tpu.memref_slice %arg7[%dma_wait3A_259, %dma_wait3A_260, %dma_wait3A_261] : memref<5x80x64xf32, #tpu.memory_space<vmem>> -> memref<1x80x64xf32, #tpu.memory_space<vmem>>
      %dma_wait3A_263 = tpu.memref_squeeze %dma_wait3A_262 : memref<1x80x64xf32, #tpu.memory_space<vmem>> -> memref<80x64xf32, #tpu.memory_space<vmem>>
      %dma_wait3A_264 = arith.constant 0 : i32
      %dma_wait3A_265 = tpu.memref_slice %arg5[%dma_wait3A_258, %dma_wait3A_264] : memref<250x80xi32, #tpu.memory_space<vmem>> -> memref<1x80xi32, #tpu.memory_space<vmem>>
      %dma_wait3A_266 = tpu.memref_squeeze %dma_wait3A_265 : memref<1x80xi32, #tpu.memory_space<vmem>> -> memref<80xi32, #tpu.memory_space<vmem>>
      %dma_wait3A_267 = arith.constant 0 : i32
      %dma_wait3A_268 = arith.constant 0 : i32
      %dma_wait3A_269 = tpu.memref_slice %arg2[%dma_wait3A_267, %dma_wait3A_268] : memref<20000x64xf32, #tpu.memory_space<hbm>> -> memref<20000x64xf32, #tpu.memory_space<hbm>>
      tpu.wait_indirect_dma semaphore(%arg13 : memref<!tpu.dma_semaphore, #tpu.memory_space<semaphore_mem>>) src(%dma_wait3A_269 : memref<20000x64xf32, #tpu.memory_space<hbm>>) dst(%dma_wait3A_263 : memref<80x64xf32, #tpu.memory_space<vmem>>)
      %dma_start3A_270 = arith.constant 3 : i32
      %dma_start3A_271 = arith.constant 0 : i32
      %dma_start3A_272 = arith.constant 0 : i32
      %dma_start3A_273 = tpu.memref_slice %arg7[%dma_start3A_270, %dma_start3A_271, %dma_start3A_272] : memref<5x80x64xf32, #tpu.memory_space<vmem>> -> memref<1x80x64xf32, #tpu.memory_space<vmem>>
      %dma_start3A_274 = tpu.memref_squeeze %dma_start3A_273 : memref<1x80x64xf32, #tpu.memory_space<vmem>> -> memref<80x64xf32, #tpu.memory_space<vmem>>
      %dma_start3A_275 = arith.constant 0 : i32
      %dma_start3A_276 = tpu.memref_slice %arg6[%add3A_257, %dma_start3A_275] : memref<250x80xi32, #tpu.memory_space<vmem>> -> memref<1x80xi32, #tpu.memory_space<vmem>>
      %dma_start3A_277 = tpu.memref_squeeze %dma_start3A_276 : memref<1x80xi32, #tpu.memory_space<vmem>> -> memref<80xi32, #tpu.memory_space<vmem>>
      %dma_start3A_278 = arith.constant 0 : i32
      %dma_start3A_279 = arith.constant 0 : i32
      %dma_start3A_280 = tpu.memref_slice %arg9[%dma_start3A_278, %dma_start3A_279] : memref<10240x64xf32, #tpu.memory_space<vmem_shared>> -> memref<10240x64xf32, #tpu.memory_space<vmem_shared>>
      tpu.enqueue_indirect_dma source(%dma_start3A_274 : memref<80x64xf32, #tpu.memory_space<vmem>>) target(%dma_start3A_280 : memref<10240x64xf32, #tpu.memory_space<vmem_shared>>) offsets(%dma_start3A_277 : memref<80xi32, #tpu.memory_space<vmem>>) semaphore(%arg18 : memref<!tpu.dma_semaphore, #tpu.memory_space<semaphore_mem>>) {add = true}
      %lt3A_281 = arith.constant 49 : i32
      %lt3A_282 = arith.cmpi slt, %add3A_160, %lt3A_281 : i32
      %convert_element_type3A_283 = arith.extui %lt3A_282 : i1 to i32
      %cond3A_284 = arith.constant 0 : i32
      %cond3A_285 = arith.cmpi ne, %convert_element_type3A_283, %cond3A_284 : i32
      scf.if %cond3A_285 {
        %dma_wait3A_318 = arith.constant 3 : i32
        %dma_wait3A_319 = arith.constant 3 : i32
        %dma_wait3A_320 = arith.constant 0 : i32
        %dma_wait3A_321 = arith.constant 0 : i32
        %dma_wait3A_322 = tpu.memref_slice %arg7[%dma_wait3A_318, %dma_wait3A_320, %dma_wait3A_321] : memref<5x80x64xf32, #tpu.memory_space<vmem>> -> memref<1x80x64xf32, #tpu.memory_space<vmem>>
        %dma_wait3A_323 = tpu.memref_squeeze %dma_wait3A_322 : memref<1x80x64xf32, #tpu.memory_space<vmem>> -> memref<80x64xf32, #tpu.memory_space<vmem>>
        %dma_wait3A_324 = arith.constant 0 : i32
        %dma_wait3A_325 = tpu.memref_slice %arg6[%dma_wait3A_319, %dma_wait3A_324] : memref<250x80xi32, #tpu.memory_space<vmem>> -> memref<1x80xi32, #tpu.memory_space<vmem>>
        %dma_wait3A_326 = tpu.memref_squeeze %dma_wait3A_325 : memref<1x80xi32, #tpu.memory_space<vmem>> -> memref<80xi32, #tpu.memory_space<vmem>>
        %dma_wait3A_327 = arith.constant 0 : i32
        %dma_wait3A_328 = arith.constant 0 : i32
        %dma_wait3A_329 = tpu.memref_slice %arg9[%dma_wait3A_327, %dma_wait3A_328] : memref<10240x64xf32, #tpu.memory_space<vmem_shared>> -> memref<10240x64xf32, #tpu.memory_space<vmem_shared>>
        tpu.wait_indirect_dma semaphore(%arg18 : memref<!tpu.dma_semaphore, #tpu.memory_space<semaphore_mem>>) src(%dma_wait3A_323 : memref<80x64xf32, #tpu.memory_space<vmem>>) dst(%dma_wait3A_329 : memref<10240x64xf32, #tpu.memory_space<vmem_shared>>)
        %add3A_330 = arith.constant 5 : i32
        %add3A_331 = arith.addi %add3A_257, %add3A_330 : i32
        %dma_start3A_332 = arith.constant 3 : i32
        %dma_start3A_333 = arith.constant 0 : i32
        %dma_start3A_334 = arith.constant 0 : i32
        %dma_start3A_335 = tpu.memref_slice %arg7[%dma_start3A_332, %dma_start3A_333, %dma_start3A_334] : memref<5x80x64xf32, #tpu.memory_space<vmem>> -> memref<1x80x64xf32, #tpu.memory_space<vmem>>
        %dma_start3A_336 = tpu.memref_squeeze %dma_start3A_335 : memref<1x80x64xf32, #tpu.memory_space<vmem>> -> memref<80x64xf32, #tpu.memory_space<vmem>>
        %dma_start3A_337 = arith.constant 0 : i32
        %dma_start3A_338 = tpu.memref_slice %arg5[%add3A_331, %dma_start3A_337] : memref<250x80xi32, #tpu.memory_space<vmem>> -> memref<1x80xi32, #tpu.memory_space<vmem>>
        %dma_start3A_339 = tpu.memref_squeeze %dma_start3A_338 : memref<1x80xi32, #tpu.memory_space<vmem>> -> memref<80xi32, #tpu.memory_space<vmem>>
        %dma_start3A_340 = arith.constant 0 : i32
        %dma_start3A_341 = arith.constant 0 : i32
        %dma_start3A_342 = tpu.memref_slice %arg2[%dma_start3A_340, %dma_start3A_341] : memref<20000x64xf32, #tpu.memory_space<hbm>> -> memref<20000x64xf32, #tpu.memory_space<hbm>>
        tpu.enqueue_indirect_dma source(%dma_start3A_342 : memref<20000x64xf32, #tpu.memory_space<hbm>>) target(%dma_start3A_336 : memref<80x64xf32, #tpu.memory_space<vmem>>) offsets(%dma_start3A_339 : memref<80xi32, #tpu.memory_space<vmem>>) semaphore(%arg13 : memref<!tpu.dma_semaphore, #tpu.memory_space<semaphore_mem>>)
      } else {
      }
      %mul3A_286 = arith.constant 5 : i32
      %mul3A_287 = arith.muli %add3A_160, %mul3A_286 : i32
      %add3A_288 = arith.constant 4 : i32
      %add3A_289 = arith.addi %mul3A_287, %add3A_288 : i32
      %dma_wait3A_290 = arith.constant 4 : i32
      %dma_wait3A_291 = arith.constant 4 : i32
      %dma_wait3A_292 = arith.constant 0 : i32
      %dma_wait3A_293 = arith.constant 0 : i32
      %dma_wait3A_294 = tpu.memref_slice %arg7[%dma_wait3A_291, %dma_wait3A_292, %dma_wait3A_293] : memref<5x80x64xf32, #tpu.memory_space<vmem>> -> memref<1x80x64xf32, #tpu.memory_space<vmem>>
      %dma_wait3A_295 = tpu.memref_squeeze %dma_wait3A_294 : memref<1x80x64xf32, #tpu.memory_space<vmem>> -> memref<80x64xf32, #tpu.memory_space<vmem>>
      %dma_wait3A_296 = arith.constant 0 : i32
      %dma_wait3A_297 = tpu.memref_slice %arg5[%dma_wait3A_290, %dma_wait3A_296] : memref<250x80xi32, #tpu.memory_space<vmem>> -> memref<1x80xi32, #tpu.memory_space<vmem>>
      %dma_wait3A_298 = tpu.memref_squeeze %dma_wait3A_297 : memref<1x80xi32, #tpu.memory_space<vmem>> -> memref<80xi32, #tpu.memory_space<vmem>>
      %dma_wait3A_299 = arith.constant 0 : i32
      %dma_wait3A_300 = arith.constant 0 : i32
      %dma_wait3A_301 = tpu.memref_slice %arg2[%dma_wait3A_299, %dma_wait3A_300] : memref<20000x64xf32, #tpu.memory_space<hbm>> -> memref<20000x64xf32, #tpu.memory_space<hbm>>
      tpu.wait_indirect_dma semaphore(%arg14 : memref<!tpu.dma_semaphore, #tpu.memory_space<semaphore_mem>>) src(%dma_wait3A_301 : memref<20000x64xf32, #tpu.memory_space<hbm>>) dst(%dma_wait3A_295 : memref<80x64xf32, #tpu.memory_space<vmem>>)
      %dma_start3A_302 = arith.constant 4 : i32
      %dma_start3A_303 = arith.constant 0 : i32
      %dma_start3A_304 = arith.constant 0 : i32
      %dma_start3A_305 = tpu.memref_slice %arg7[%dma_start3A_302, %dma_start3A_303, %dma_start3A_304] : memref<5x80x64xf32, #tpu.memory_space<vmem>> -> memref<1x80x64xf32, #tpu.memory_space<vmem>>
      %dma_start3A_306 = tpu.memref_squeeze %dma_start3A_305 : memref<1x80x64xf32, #tpu.memory_space<vmem>> -> memref<80x64xf32, #tpu.memory_space<vmem>>
      %dma_start3A_307 = arith.constant 0 : i32
      %dma_start3A_308 = tpu.memref_slice %arg6[%add3A_289, %dma_start3A_307] : memref<250x80xi32, #tpu.memory_space<vmem>> -> memref<1x80xi32, #tpu.memory_space<vmem>>
      %dma_start3A_309 = tpu.memref_squeeze %dma_start3A_308 : memref<1x80xi32, #tpu.memory_space<vmem>> -> memref<80xi32, #tpu.memory_space<vmem>>
      %dma_start3A_310 = arith.constant 0 : i32
      %dma_start3A_311 = arith.constant 0 : i32
      %dma_start3A_312 = tpu.memref_slice %arg9[%dma_start3A_310, %dma_start3A_311] : memref<10240x64xf32, #tpu.memory_space<vmem_shared>> -> memref<10240x64xf32, #tpu.memory_space<vmem_shared>>
      tpu.enqueue_indirect_dma source(%dma_start3A_306 : memref<80x64xf32, #tpu.memory_space<vmem>>) target(%dma_start3A_312 : memref<10240x64xf32, #tpu.memory_space<vmem_shared>>) offsets(%dma_start3A_309 : memref<80xi32, #tpu.memory_space<vmem>>) semaphore(%arg19 : memref<!tpu.dma_semaphore, #tpu.memory_space<semaphore_mem>>) {add = true}
      %lt3A_313 = arith.constant 49 : i32
      %lt3A_314 = arith.cmpi slt, %add3A_160, %lt3A_313 : i32
      %convert_element_type3A_315 = arith.extui %lt3A_314 : i1 to i32
      %cond3A_316 = arith.constant 0 : i32
      %cond3A_317 = arith.cmpi ne, %convert_element_type3A_315, %cond3A_316 : i32
      scf.if %cond3A_317 {
        %dma_wait3A_318 = arith.constant 4 : i32
        %dma_wait3A_319 = arith.constant 4 : i32
        %dma_wait3A_320 = arith.constant 0 : i32
        %dma_wait3A_321 = arith.constant 0 : i32
        %dma_wait3A_322 = tpu.memref_slice %arg7[%dma_wait3A_318, %dma_wait3A_320, %dma_wait3A_321] : memref<5x80x64xf32, #tpu.memory_space<vmem>> -> memref<1x80x64xf32, #tpu.memory_space<vmem>>
        %dma_wait3A_323 = tpu.memref_squeeze %dma_wait3A_322 : memref<1x80x64xf32, #tpu.memory_space<vmem>> -> memref<80x64xf32, #tpu.memory_space<vmem>>
        %dma_wait3A_324 = arith.constant 0 : i32
        %dma_wait3A_325 = tpu.memref_slice %arg6[%dma_wait3A_319, %dma_wait3A_324] : memref<250x80xi32, #tpu.memory_space<vmem>> -> memref<1x80xi32, #tpu.memory_space<vmem>>
        %dma_wait3A_326 = tpu.memref_squeeze %dma_wait3A_325 : memref<1x80xi32, #tpu.memory_space<vmem>> -> memref<80xi32, #tpu.memory_space<vmem>>
        %dma_wait3A_327 = arith.constant 0 : i32
        %dma_wait3A_328 = arith.constant 0 : i32
        %dma_wait3A_329 = tpu.memref_slice %arg9[%dma_wait3A_327, %dma_wait3A_328] : memref<10240x64xf32, #tpu.memory_space<vmem_shared>> -> memref<10240x64xf32, #tpu.memory_space<vmem_shared>>
        tpu.wait_indirect_dma semaphore(%arg19 : memref<!tpu.dma_semaphore, #tpu.memory_space<semaphore_mem>>) src(%dma_wait3A_323 : memref<80x64xf32, #tpu.memory_space<vmem>>) dst(%dma_wait3A_329 : memref<10240x64xf32, #tpu.memory_space<vmem_shared>>)
        %add3A_330 = arith.constant 5 : i32
        %add3A_331 = arith.addi %add3A_289, %add3A_330 : i32
        %dma_start3A_332 = arith.constant 4 : i32
        %dma_start3A_333 = arith.constant 0 : i32
        %dma_start3A_334 = arith.constant 0 : i32
        %dma_start3A_335 = tpu.memref_slice %arg7[%dma_start3A_332, %dma_start3A_333, %dma_start3A_334] : memref<5x80x64xf32, #tpu.memory_space<vmem>> -> memref<1x80x64xf32, #tpu.memory_space<vmem>>
        %dma_start3A_336 = tpu.memref_squeeze %dma_start3A_335 : memref<1x80x64xf32, #tpu.memory_space<vmem>> -> memref<80x64xf32, #tpu.memory_space<vmem>>
        %dma_start3A_337 = arith.constant 0 : i32
        %dma_start3A_338 = tpu.memref_slice %arg5[%add3A_331, %dma_start3A_337] : memref<250x80xi32, #tpu.memory_space<vmem>> -> memref<1x80xi32, #tpu.memory_space<vmem>>
        %dma_start3A_339 = tpu.memref_squeeze %dma_start3A_338 : memref<1x80xi32, #tpu.memory_space<vmem>> -> memref<80xi32, #tpu.memory_space<vmem>>
        %dma_start3A_340 = arith.constant 0 : i32
        %dma_start3A_341 = arith.constant 0 : i32
        %dma_start3A_342 = tpu.memref_slice %arg2[%dma_start3A_340, %dma_start3A_341] : memref<20000x64xf32, #tpu.memory_space<hbm>> -> memref<20000x64xf32, #tpu.memory_space<hbm>>
        tpu.enqueue_indirect_dma source(%dma_start3A_342 : memref<20000x64xf32, #tpu.memory_space<hbm>>) target(%dma_start3A_336 : memref<80x64xf32, #tpu.memory_space<vmem>>) offsets(%dma_start3A_339 : memref<80xi32, #tpu.memory_space<vmem>>) semaphore(%arg14 : memref<!tpu.dma_semaphore, #tpu.memory_space<semaphore_mem>>)
      } else {
      }
    }
    %scan3A_93 = arith.constant 50 : i32
    %dma_wait3A = arith.constant 0 : i32
    %dma_wait3A_94 = arith.constant 0 : i32
    %dma_wait3A_95 = arith.constant 0 : i32
    %dma_wait3A_96 = arith.constant 0 : i32
    %dma_wait3A_97 = tpu.memref_slice %arg7[%dma_wait3A, %dma_wait3A_95, %dma_wait3A_96] : memref<5x80x64xf32, #tpu.memory_space<vmem>> -> memref<1x80x64xf32, #tpu.memory_space<vmem>>
    %dma_wait3A_98 = tpu.memref_squeeze %dma_wait3A_97 : memref<1x80x64xf32, #tpu.memory_space<vmem>> -> memref<80x64xf32, #tpu.memory_space<vmem>>
    %dma_wait3A_99 = arith.constant 0 : i32
    %dma_wait3A_100 = tpu.memref_slice %arg6[%dma_wait3A_94, %dma_wait3A_99] : memref<250x80xi32, #tpu.memory_space<vmem>> -> memref<1x80xi32, #tpu.memory_space<vmem>>
    %dma_wait3A_101 = tpu.memref_squeeze %dma_wait3A_100 : memref<1x80xi32, #tpu.memory_space<vmem>> -> memref<80xi32, #tpu.memory_space<vmem>>
    %dma_wait3A_102 = arith.constant 0 : i32
    %dma_wait3A_103 = arith.constant 0 : i32
    %dma_wait3A_104 = tpu.memref_slice %arg9[%dma_wait3A_102, %dma_wait3A_103] : memref<10240x64xf32, #tpu.memory_space<vmem_shared>> -> memref<10240x64xf32, #tpu.memory_space<vmem_shared>>
    tpu.wait_indirect_dma semaphore(%arg15 : memref<!tpu.dma_semaphore, #tpu.memory_space<semaphore_mem>>) src(%dma_wait3A_98 : memref<80x64xf32, #tpu.memory_space<vmem>>) dst(%dma_wait3A_104 : memref<10240x64xf32, #tpu.memory_space<vmem_shared>>)
    %dma_wait3A_105 = arith.constant 1 : i32
    %dma_wait3A_106 = arith.constant 1 : i32
    %dma_wait3A_107 = arith.constant 0 : i32
    %dma_wait3A_108 = arith.constant 0 : i32
    %dma_wait3A_109 = tpu.memref_slice %arg7[%dma_wait3A_105, %dma_wait3A_107, %dma_wait3A_108] : memref<5x80x64xf32, #tpu.memory_space<vmem>> -> memref<1x80x64xf32, #tpu.memory_space<vmem>>
    %dma_wait3A_110 = tpu.memref_squeeze %dma_wait3A_109 : memref<1x80x64xf32, #tpu.memory_space<vmem>> -> memref<80x64xf32, #tpu.memory_space<vmem>>
    %dma_wait3A_111 = arith.constant 0 : i32
    %dma_wait3A_112 = tpu.memref_slice %arg6[%dma_wait3A_106, %dma_wait3A_111] : memref<250x80xi32, #tpu.memory_space<vmem>> -> memref<1x80xi32, #tpu.memory_space<vmem>>
    %dma_wait3A_113 = tpu.memref_squeeze %dma_wait3A_112 : memref<1x80xi32, #tpu.memory_space<vmem>> -> memref<80xi32, #tpu.memory_space<vmem>>
    %dma_wait3A_114 = arith.constant 0 : i32
    %dma_wait3A_115 = arith.constant 0 : i32
    %dma_wait3A_116 = tpu.memref_slice %arg9[%dma_wait3A_114, %dma_wait3A_115] : memref<10240x64xf32, #tpu.memory_space<vmem_shared>> -> memref<10240x64xf32, #tpu.memory_space<vmem_shared>>
    tpu.wait_indirect_dma semaphore(%arg16 : memref<!tpu.dma_semaphore, #tpu.memory_space<semaphore_mem>>) src(%dma_wait3A_110 : memref<80x64xf32, #tpu.memory_space<vmem>>) dst(%dma_wait3A_116 : memref<10240x64xf32, #tpu.memory_space<vmem_shared>>)
    %dma_wait3A_117 = arith.constant 2 : i32
    %dma_wait3A_118 = arith.constant 2 : i32
    %dma_wait3A_119 = arith.constant 0 : i32
    %dma_wait3A_120 = arith.constant 0 : i32
    %dma_wait3A_121 = tpu.memref_slice %arg7[%dma_wait3A_117, %dma_wait3A_119, %dma_wait3A_120] : memref<5x80x64xf32, #tpu.memory_space<vmem>> -> memref<1x80x64xf32, #tpu.memory_space<vmem>>
    %dma_wait3A_122 = tpu.memref_squeeze %dma_wait3A_121 : memref<1x80x64xf32, #tpu.memory_space<vmem>> -> memref<80x64xf32, #tpu.memory_space<vmem>>
    %dma_wait3A_123 = arith.constant 0 : i32
    %dma_wait3A_124 = tpu.memref_slice %arg6[%dma_wait3A_118, %dma_wait3A_123] : memref<250x80xi32, #tpu.memory_space<vmem>> -> memref<1x80xi32, #tpu.memory_space<vmem>>
    %dma_wait3A_125 = tpu.memref_squeeze %dma_wait3A_124 : memref<1x80xi32, #tpu.memory_space<vmem>> -> memref<80xi32, #tpu.memory_space<vmem>>
    %dma_wait3A_126 = arith.constant 0 : i32
    %dma_wait3A_127 = arith.constant 0 : i32
    %dma_wait3A_128 = tpu.memref_slice %arg9[%dma_wait3A_126, %dma_wait3A_127] : memref<10240x64xf32, #tpu.memory_space<vmem_shared>> -> memref<10240x64xf32, #tpu.memory_space<vmem_shared>>
    tpu.wait_indirect_dma semaphore(%arg17 : memref<!tpu.dma_semaphore, #tpu.memory_space<semaphore_mem>>) src(%dma_wait3A_122 : memref<80x64xf32, #tpu.memory_space<vmem>>) dst(%dma_wait3A_128 : memref<10240x64xf32, #tpu.memory_space<vmem_shared>>)
    %dma_wait3A_129 = arith.constant 3 : i32
    %dma_wait3A_130 = arith.constant 3 : i32
    %dma_wait3A_131 = arith.constant 0 : i32
    %dma_wait3A_132 = arith.constant 0 : i32
    %dma_wait3A_133 = tpu.memref_slice %arg7[%dma_wait3A_129, %dma_wait3A_131, %dma_wait3A_132] : memref<5x80x64xf32, #tpu.memory_space<vmem>> -> memref<1x80x64xf32, #tpu.memory_space<vmem>>
    %dma_wait3A_134 = tpu.memref_squeeze %dma_wait3A_133 : memref<1x80x64xf32, #tpu.memory_space<vmem>> -> memref<80x64xf32, #tpu.memory_space<vmem>>
    %dma_wait3A_135 = arith.constant 0 : i32
    %dma_wait3A_136 = tpu.memref_slice %arg6[%dma_wait3A_130, %dma_wait3A_135] : memref<250x80xi32, #tpu.memory_space<vmem>> -> memref<1x80xi32, #tpu.memory_space<vmem>>
    %dma_wait3A_137 = tpu.memref_squeeze %dma_wait3A_136 : memref<1x80xi32, #tpu.memory_space<vmem>> -> memref<80xi32, #tpu.memory_space<vmem>>
    %dma_wait3A_138 = arith.constant 0 : i32
    %dma_wait3A_139 = arith.constant 0 : i32
    %dma_wait3A_140 = tpu.memref_slice %arg9[%dma_wait3A_138, %dma_wait3A_139] : memref<10240x64xf32, #tpu.memory_space<vmem_shared>> -> memref<10240x64xf32, #tpu.memory_space<vmem_shared>>
    tpu.wait_indirect_dma semaphore(%arg18 : memref<!tpu.dma_semaphore, #tpu.memory_space<semaphore_mem>>) src(%dma_wait3A_134 : memref<80x64xf32, #tpu.memory_space<vmem>>) dst(%dma_wait3A_140 : memref<10240x64xf32, #tpu.memory_space<vmem_shared>>)
    %dma_wait3A_141 = arith.constant 4 : i32
    %dma_wait3A_142 = arith.constant 4 : i32
    %dma_wait3A_143 = arith.constant 0 : i32
    %dma_wait3A_144 = arith.constant 0 : i32
    %dma_wait3A_145 = tpu.memref_slice %arg7[%dma_wait3A_141, %dma_wait3A_143, %dma_wait3A_144] : memref<5x80x64xf32, #tpu.memory_space<vmem>> -> memref<1x80x64xf32, #tpu.memory_space<vmem>>
    %dma_wait3A_146 = tpu.memref_squeeze %dma_wait3A_145 : memref<1x80x64xf32, #tpu.memory_space<vmem>> -> memref<80x64xf32, #tpu.memory_space<vmem>>
    %dma_wait3A_147 = arith.constant 0 : i32
    %dma_wait3A_148 = tpu.memref_slice %arg6[%dma_wait3A_142, %dma_wait3A_147] : memref<250x80xi32, #tpu.memory_space<vmem>> -> memref<1x80xi32, #tpu.memory_space<vmem>>
    %dma_wait3A_149 = tpu.memref_squeeze %dma_wait3A_148 : memref<1x80xi32, #tpu.memory_space<vmem>> -> memref<80xi32, #tpu.memory_space<vmem>>
    %dma_wait3A_150 = arith.constant 0 : i32
    %dma_wait3A_151 = arith.constant 0 : i32
    %dma_wait3A_152 = tpu.memref_slice %arg9[%dma_wait3A_150, %dma_wait3A_151] : memref<10240x64xf32, #tpu.memory_space<vmem_shared>> -> memref<10240x64xf32, #tpu.memory_space<vmem_shared>>
    tpu.wait_indirect_dma semaphore(%arg19 : memref<!tpu.dma_semaphore, #tpu.memory_space<semaphore_mem>>) src(%dma_wait3A_146 : memref<80x64xf32, #tpu.memory_space<vmem>>) dst(%dma_wait3A_152 : memref<10240x64xf32, #tpu.memory_space<vmem_shared>>)
    %barrier3A_153 = arith.constant 0 : index
    tpu.barrier barrier_id(%barrier3A_153)
    %mul3A_154 = arith.constant 64 : i32
    %mul3A_155 = arith.muli %arg0, %mul3A_154 : i32
    "tpu.region"() ({
      %run_scoped3A_156 = tpu.sem_alloc : memref<!tpu.dma_semaphore, #tpu.memory_space<semaphore_mem>>
      %dma_start3A_157 = tpu.memref_slice %arg4[%mul3A_0, %mul3A_155] : memref<10240x128xf32, #tpu.memory_space<hbm>> -> memref<640x64xf32, #tpu.memory_space<hbm>>
      %dma_start3A_158 = arith.constant 0 : i32
      %dma_start3A_159 = tpu.memref_slice %arg9[%mul3A_0, %dma_start3A_158] : memref<10240x64xf32, #tpu.memory_space<vmem_shared>> -> memref<640x64xf32, #tpu.memory_space<vmem_shared>>
      tpu.enqueue_dma source(%dma_start3A_159 : memref<640x64xf32, #tpu.memory_space<vmem_shared>>) target(%dma_start3A_157 : memref<640x64xf32, #tpu.memory_space<hbm>>) target_semaphore(%run_scoped3A_156 : memref<!tpu.dma_semaphore, #tpu.memory_space<semaphore_mem>>)
      %dma_wait3A_160 = tpu.memref_slice %arg4[%mul3A_0, %mul3A_155] : memref<10240x128xf32, #tpu.memory_space<hbm>> -> memref<640x64xf32, #tpu.memory_space<hbm>>
      %dma_wait3A_161 = arith.constant 0 : i32
      %dma_wait3A_162 = tpu.memref_slice %arg9[%mul3A_0, %dma_wait3A_161] : memref<10240x64xf32, #tpu.memory_space<vmem_shared>> -> memref<640x64xf32, #tpu.memory_space<vmem_shared>>
      tpu.wait_dma2 semaphore(%run_scoped3A_156 : memref<!tpu.dma_semaphore, #tpu.memory_space<semaphore_mem>>) src(%dma_wait3A_162 : memref<640x64xf32, #tpu.memory_space<vmem_shared>>) dst(%dma_wait3A_160 : memref<640x64xf32, #tpu.memory_space<hbm>>)
      tpu.yield
    }) : () -> ()
    return
  }
}

#map = affine_map<(d0, d1) -> (0, 0)>
#map1 = affine_map<(d0, d1) -> (0, 0, 0, 0)>
module attributes {stable_mosaic.version = 14 : i64} {
  func.func @body(%arg0: i32, %arg1: i32, %arg2: memref<20000x64xf32, #tpu.memory_space<hbm>>, %arg3: memref<2x16x250x80xi32, #tpu.memory_space<hbm>>, %arg4: memref<10240x128xf32, #tpu.memory_space<hbm>>, %arg5: memref<250x80xi32, #tpu.memory_space<vmem>>, %arg6: memref<250x80xi32, #tpu.memory_space<vmem>>, %arg7: memref<5x80x64xf32, #tpu.memory_space<vmem>>, %arg8: memref<128x64xf32, #tpu.memory_space<vmem>>, %arg9: memref<10240x64xf32, #tpu.memory_space<vmem_shared>>, %arg10: memref<!tpu.dma_semaphore, #tpu.memory_space<semaphore_mem>>, %arg11: memref<!tpu.dma_semaphore, #tpu.memory_space<semaphore_mem>>, %arg12: memref<!tpu.dma_semaphore, #tpu.memory_space<semaphore_mem>>, %arg13: memref<!tpu.dma_semaphore, #tpu.memory_space<semaphore_mem>>, %arg14: memref<!tpu.dma_semaphore, #tpu.memory_space<semaphore_mem>>, %arg15: memref<!tpu.dma_semaphore, #tpu.memory_space<semaphore_mem>>, %arg16: memref<!tpu.dma_semaphore, #tpu.memory_space<semaphore_mem>>, %arg17: memref<!tpu.dma_semaphore, #tpu.memory_space<semaphore_mem>>, %arg18: memref<!tpu.dma_semaphore, #tpu.memory_space<semaphore_mem>>, %arg19: memref<!tpu.dma_semaphore, #tpu.memory_space<semaphore_mem>>) attributes {dimension_semantics = [#tpu.dimension_semantics<core_parallel>, #tpu.dimension_semantics<subcore_parallel>], iteration_bounds = array<i64: 2, 16>, scalar_prefetch = 0 : i64, scratch_operands = 15 : i64, tpu.core_type = #tpu.core_type<sc_vector_subcore>, window_params = [{transform_indices = #map}, {transform_indices = #map1}, {transform_indices = #map}]} {
    %mul3A = arith.constant 640 : i32
    %mul3A_0 = arith.muli %arg1, %mul3A : i32
    %scan3A = arith.constant 0 : i32
    %scan3A_1 = arith.constant 128 : i32
    %scan3A_2 = arith.addi %scan3A, %scan3A_1 : i32
    %scan3A_3 = arith.constant 1 : i32
    scf.for %scan3A_156 = %scan3A to %scan3A_2 step %scan3A_3  : i32 {
      %mul3A_157 = arith.constant 1 : i32
      %mul3A_158 = arith.muli %scan3A_156, %mul3A_157 : i32
      %add3A_159 = arith.constant 0 : i32
      %add3A_160 = arith.addi %add3A_159, %mul3A_158 : i32
      %broadcast_in_dim3A = arith.constant 0.000000e+00 : f32
      %broadcast_in_dim3A_161 = vector.broadcast %broadcast_in_dim3A : f32 to vector<1x16xf32>
      %swap3A = arith.index_cast %add3A_160 : i32 to index
      %swap3A_162 = arith.constant 0 : index
      %swap3A_163 = tpu.vector_load %arg8[%swap3A, %swap3A_162] {strides = array<i32>} : memref<128x64xf32, #tpu.memory_space<vmem>>, vector<1x16xf32>,
      %swap3A_164 = vector.shape_cast %swap3A_163 : vector<1x16xf32> to vector<1x16xf32>
      %swap3A_165 = vector.shape_cast %broadcast_in_dim3A_161 : vector<1x16xf32> to vector<1x16xf32>
      tpu.vector_store %arg8[%swap3A, %swap3A_162], %swap3A_165 {strides = array<i32>} : memref<128x64xf32, #tpu.memory_space<vmem>>, vector<1x16xf32>,
      %broadcast_in_dim3A_166 = arith.constant 0.000000e+00 : f32
      %broadcast_in_dim3A_167 = vector.broadcast %broadcast_in_dim3A_166 : f32 to vector<1x16xf32>
      %swap3A_168 = arith.index_cast %add3A_160 : i32 to index
      %swap3A_169 = arith.constant 16 : index
      %swap3A_170 = tpu.vector_load %arg8[%swap3A_168, %swap3A_169] {strides = array<i32>} : memref<128x64xf32, #tpu.memory_space<vmem>>, vector<1x16xf32>,
      %swap3A_171 = vector.shape_cast %swap3A_170 : vector<1x16xf32> to vector<1x16xf32>
      %swap3A_172 = vector.shape_cast %broadcast_in_dim3A_167 : vector<1x16xf32> to vector<1x16xf32>
      tpu.vector_store %arg8[%swap3A_168, %swap3A_169], %swap3A_172 {strides = array<i32>} : memref<128x64xf32, #tpu.memory_space<vmem>>, vector<1x16xf32>,
      %broadcast_in_dim3A_173 = arith.constant 0.000000e+00 : f32
      %broadcast_in_dim3A_174 = vector.broadcast %broadcast_in_dim3A_173 : f32 to vector<1x16xf32>
      %swap3A_175 = arith.index_cast %add3A_160 : i32 to index
      %swap3A_176 = arith.constant 32 : index
      %swap3A_177 = tpu.vector_load %arg8[%swap3A_175, %swap3A_176] {strides = array<i32>} : memref<128x64xf32, #tpu.memory_space<vmem>>, vector<1x16xf32>,
      %swap3A_178 = vector.shape_cast %swap3A_177 : vector<1x16xf32> to vector<1x16xf32>
      %swap3A_179 = vector.shape_cast %broadcast_in_dim3A_174 : vector<1x16xf32> to vector<1x16xf32>
      tpu.vector_store %arg8[%swap3A_175, %swap3A_176], %swap3A_179 {strides = array<i32>} : memref<128x64xf32, #tpu.memory_space<vmem>>, vector<1x16xf32>,
      %broadcast_in_dim3A_180 = arith.constant 0.000000e+00 : f32
      %broadcast_in_dim3A_181 = vector.broadcast %broadcast_in_dim3A_180 : f32 to vector<1x16xf32>
      %swap3A_182 = arith.index_cast %add3A_160 : i32 to index
      %swap3A_183 = arith.constant 48 : index
      %swap3A_184 = tpu.vector_load %arg8[%swap3A_182, %swap3A_183] {strides = array<i32>} : memref<128x64xf32, #tpu.memory_space<vmem>>, vector<1x16xf32>,
      %swap3A_185 = vector.shape_cast %swap3A_184 : vector<1x16xf32> to vector<1x16xf32>
      %swap3A_186 = vector.shape_cast %broadcast_in_dim3A_181 : vector<1x16xf32> to vector<1x16xf32>
      tpu.vector_store %arg8[%swap3A_182, %swap3A_183], %swap3A_186 {strides = array<i32>} : memref<128x64xf32, #tpu.memory_space<vmem>>, vector<1x16xf32>,
    }
    %scan3A_4 = arith.constant 128 : i32
    %mul3A_5 = arith.constant 640 : i32
    %mul3A_6 = arith.muli %arg1, %mul3A_5 : i32
    %add3A = arith.constant 0 : i32
    %add3A_7 = arith.addi %mul3A_6, %add3A : i32
    "tpu.region"() ({
      %run_scoped3A_156 = tpu.sem_alloc : memref<!tpu.dma_semaphore, #tpu.memory_space<semaphore_mem>>
      %dma_start3A_157 = arith.constant 0 : i32
      %dma_start3A_158 = tpu.memref_slice %arg9[%add3A_7, %dma_start3A_157] : memref<10240x64xf32, #tpu.memory_space<vmem_shared>> -> memref<128x64xf32, #tpu.memory_space<vmem_shared>>
      %dma_start3A_159 = arith.constant 0 : i32
      %dma_start3A_160 = tpu.memref_slice %arg9[%add3A_7, %dma_start3A_159] : memref<10240x64xf32, #tpu.memory_space<vmem_shared>> -> memref<128x64xf32, #tpu.memory_space<vmem_shared>>
      tpu.enqueue_dma source(%arg8 : memref<128x64xf32, #tpu.memory_space<vmem>>) target(%dma_start3A_160 : memref<128x64xf32, #tpu.memory_space<vmem_shared>>) target_semaphore(%run_scoped3A_156 : memref<!tpu.dma_semaphore, #tpu.memory_space<semaphore_mem>>)
      %dma_wait3A_161 = arith.constant 0 : i32
      %dma_wait3A_162 = tpu.memref_slice %arg9[%add3A_7, %dma_wait3A_161] : memref<10240x64xf32, #tpu.memory_space<vmem_shared>> -> memref<128x64xf32, #tpu.memory_space<vmem_shared>>
      %dma_wait3A_163 = arith.constant 0 : i32
      %dma_wait3A_164 = tpu.memref_slice %arg9[%add3A_7, %dma_wait3A_163] : memref<10240x64xf32, #tpu.memory_space<vmem_shared>> -> memref<128x64xf32, #tpu.memory_space<vmem_shared>>
      tpu.wait_dma2 semaphore(%run_scoped3A_156 : memref<!tpu.dma_semaphore, #tpu.memory_space<semaphore_mem>>) src(%arg8 : memref<128x64xf32, #tpu.memory_space<vmem>>) dst(%dma_wait3A_164 : memref<128x64xf32, #tpu.memory_space<vmem_shared>>)
      tpu.yield
    }) : () -> ()
    %mul3A_8 = arith.constant 640 : i32
    %mul3A_9 = arith.muli %arg1, %mul3A_8 : i32
    %add3A_10 = arith.constant 128 : i32
    %add3A_11 = arith.addi %mul3A_9, %add3A_10 : i32
    "tpu.region"() ({
      %run_scoped3A_156 = tpu.sem_alloc : memref<!tpu.dma_semaphore, #tpu.memory_space<semaphore_mem>>
      %dma_start3A_157 = arith.constant 0 : i32
      %dma_start3A_158 = tpu.memref_slice %arg9[%add3A_11, %dma_start3A_157] : memref<10240x64xf32, #tpu.memory_space<vmem_shared>> -> memref<128x64xf32, #tpu.memory_space<vmem_shared>>
      %dma_start3A_159 = arith.constant 0 : i32
      %dma_start3A_160 = tpu.memref_slice %arg9[%add3A_11, %dma_start3A_159] : memref<10240x64xf32, #tpu.memory_space<vmem_shared>> -> memref<128x64xf32, #tpu.memory_space<vmem_shared>>
      tpu.enqueue_dma source(%arg8 : memref<128x64xf32, #tpu.memory_space<vmem>>) target(%dma_start3A_160 : memref<128x64xf32, #tpu.memory_space<vmem_shared>>) target_semaphore(%run_scoped3A_156 : memref<!tpu.dma_semaphore, #tpu.memory_space<semaphore_mem>>)
      %dma_wait3A_161 = arith.constant 0 : i32
      %dma_wait3A_162 = tpu.memref_slice %arg9[%add3A_11, %dma_wait3A_161] : memref<10240x64xf32, #tpu.memory_space<vmem_shared>> -> memref<128x64xf32, #tpu.memory_space<vmem_shared>>
      %dma_wait3A_163 = arith.constant 0 : i32
      %dma_wait3A_164 = tpu.memref_slice %arg9[%add3A_11, %dma_wait3A_163] : memref<10240x64xf32, #tpu.memory_space<vmem_shared>> -> memref<128x64xf32, #tpu.memory_space<vmem_shared>>
      tpu.wait_dma2 semaphore(%run_scoped3A_156 : memref<!tpu.dma_semaphore, #tpu.memory_space<semaphore_mem>>) src(%arg8 : memref<128x64xf32, #tpu.memory_space<vmem>>) dst(%dma_wait3A_164 : memref<128x64xf32, #tpu.memory_space<vmem_shared>>)
      tpu.yield
    }) : () -> ()
    %mul3A_12 = arith.constant 640 : i32
    %mul3A_13 = arith.muli %arg1, %mul3A_12 : i32
    %add3A_14 = arith.constant 256 : i32
    %add3A_15 = arith.addi %mul3A_13, %add3A_14 : i32
    "tpu.region"() ({
      %run_scoped3A_156 = tpu.sem_alloc : memref<!tpu.dma_semaphore, #tpu.memory_space<semaphore_mem>>
      %dma_start3A_157 = arith.constant 0 : i32
      %dma_start3A_158 = tpu.memref_slice %arg9[%add3A_15, %dma_start3A_157] : memref<10240x64xf32, #tpu.memory_space<vmem_shared>> -> memref<128x64xf32, #tpu.memory_space<vmem_shared>>
      %dma_start3A_159 = arith.constant 0 : i32
      %dma_start3A_160 = tpu.memref_slice %arg9[%add3A_15, %dma_start3A_159] : memref<10240x64xf32, #tpu.memory_space<vmem_shared>> -> memref<128x64xf32, #tpu.memory_space<vmem_shared>>
      tpu.enqueue_dma source(%arg8 : memref<128x64xf32, #tpu.memory_space<vmem>>) target(%dma_start3A_160 : memref<128x64xf32, #tpu.memory_space<vmem_shared>>) target_semaphore(%run_scoped3A_156 : memref<!tpu.dma_semaphore, #tpu.memory_space<semaphore_mem>>)
      %dma_wait3A_161 = arith.constant 0 : i32
      %dma_wait3A_162 = tpu.memref_slice %arg9[%add3A_15, %dma_wait3A_161] : memref<10240x64xf32, #tpu.memory_space<vmem_shared>> -> memref<128x64xf32, #tpu.memory_space<vmem_shared>>
      %dma_wait3A_163 = arith.constant 0 : i32
      %dma_wait3A_164 = tpu.memref_slice %arg9[%add3A_15, %dma_wait3A_163] : memref<10240x64xf32, #tpu.memory_space<vmem_shared>> -> memref<128x64xf32, #tpu.memory_space<vmem_shared>>
      tpu.wait_dma2 semaphore(%run_scoped3A_156 : memref<!tpu.dma_semaphore, #tpu.memory_space<semaphore_mem>>) src(%arg8 : memref<128x64xf32, #tpu.memory_space<vmem>>) dst(%dma_wait3A_164 : memref<128x64xf32, #tpu.memory_space<vmem_shared>>)
      tpu.yield
    }) : () -> ()
    %mul3A_16 = arith.constant 640 : i32
    %mul3A_17 = arith.muli %arg1, %mul3A_16 : i32
    %add3A_18 = arith.constant 384 : i32
    %add3A_19 = arith.addi %mul3A_17, %add3A_18 : i32
    "tpu.region"() ({
      %run_scoped3A_156 = tpu.sem_alloc : memref<!tpu.dma_semaphore, #tpu.memory_space<semaphore_mem>>
      %dma_start3A_157 = arith.constant 0 : i32
      %dma_start3A_158 = tpu.memref_slice %arg9[%add3A_19, %dma_start3A_157] : memref<10240x64xf32, #tpu.memory_space<vmem_shared>> -> memref<128x64xf32, #tpu.memory_space<vmem_shared>>
      %dma_start3A_159 = arith.constant 0 : i32
      %dma_start3A_160 = tpu.memref_slice %arg9[%add3A_19, %dma_start3A_159] : memref<10240x64xf32, #tpu.memory_space<vmem_shared>> -> memref<128x64xf32, #tpu.memory_space<vmem_shared>>
      tpu.enqueue_dma source(%arg8 : memref<128x64xf32, #tpu.memory_space<vmem>>) target(%dma_start3A_160 : memref<128x64xf32, #tpu.memory_space<vmem_shared>>) target_semaphore(%run_scoped3A_156 : memref<!tpu.dma_semaphore, #tpu.memory_space<semaphore_mem>>)
      %dma_wait3A_161 = arith.constant 0 : i32
      %dma_wait3A_162 = tpu.memref_slice %arg9[%add3A_19, %dma_wait3A_161] : memref<10240x64xf32, #tpu.memory_space<vmem_shared>> -> memref<128x64xf32, #tpu.memory_space<vmem_shared>>
      %dma_wait3A_163 = arith.constant 0 : i32
      %dma_wait3A_164 = tpu.memref_slice %arg9[%add3A_19, %dma_wait3A_163] : memref<10240x64xf32, #tpu.memory_space<vmem_shared>> -> memref<128x64xf32, #tpu.memory_space<vmem_shared>>
      tpu.wait_dma2 semaphore(%run_scoped3A_156 : memref<!tpu.dma_semaphore, #tpu.memory_space<semaphore_mem>>) src(%arg8 : memref<128x64xf32, #tpu.memory_space<vmem>>) dst(%dma_wait3A_164 : memref<128x64xf32, #tpu.memory_space<vmem_shared>>)
      tpu.yield
    }) : () -> ()
    %mul3A_20 = arith.constant 640 : i32
    %mul3A_21 = arith.muli %arg1, %mul3A_20 : i32
    %add3A_22 = arith.constant 512 : i32
    %add3A_23 = arith.addi %mul3A_21, %add3A_22 : i32
    "tpu.region"() ({
      %run_scoped3A_156 = tpu.sem_alloc : memref<!tpu.dma_semaphore, #tpu.memory_space<semaphore_mem>>
      %dma_start3A_157 = arith.constant 0 : i32
      %dma_start3A_158 = tpu.memref_slice %arg9[%add3A_23, %dma_start3A_157] : memref<10240x64xf32, #tpu.memory_space<vmem_shared>> -> memref<128x64xf32, #tpu.memory_space<vmem_shared>>
      %dma_start3A_159 = arith.constant 0 : i32
      %dma_start3A_160 = tpu.memref_slice %arg9[%add3A_23, %dma_start3A_159] : memref<10240x64xf32, #tpu.memory_space<vmem_shared>> -> memref<128x64xf32, #tpu.memory_space<vmem_shared>>
      tpu.enqueue_dma source(%arg8 : memref<128x64xf32, #tpu.memory_space<vmem>>) target(%dma_start3A_160 : memref<128x64xf32, #tpu.memory_space<vmem_shared>>) target_semaphore(%run_scoped3A_156 : memref<!tpu.dma_semaphore, #tpu.memory_space<semaphore_mem>>)
      %dma_wait3A_161 = arith.constant 0 : i32
      %dma_wait3A_162 = tpu.memref_slice %arg9[%add3A_23, %dma_wait3A_161] : memref<10240x64xf32, #tpu.memory_space<vmem_shared>> -> memref<128x64xf32, #tpu.memory_space<vmem_shared>>
      %dma_wait3A_163 = arith.constant 0 : i32
      %dma_wait3A_164 = tpu.memref_slice %arg9[%add3A_23, %dma_wait3A_163] : memref<10240x64xf32, #tpu.memory_space<vmem_shared>> -> memref<128x64xf32, #tpu.memory_space<vmem_shared>>
      tpu.wait_dma2 semaphore(%run_scoped3A_156 : memref<!tpu.dma_semaphore, #tpu.memory_space<semaphore_mem>>) src(%arg8 : memref<128x64xf32, #tpu.memory_space<vmem>>) dst(%dma_wait3A_164 : memref<128x64xf32, #tpu.memory_space<vmem_shared>>)
      tpu.yield
    }) : () -> ()
    %run_scoped3A = arith.constant 0 : i32
    "tpu.region"() ({
      %run_scoped3A_156 = tpu.sem_alloc : memref<!tpu.dma_semaphore, #tpu.memory_space<semaphore_mem>>
      %dma_start3A_157 = arith.constant 0 : i32
      %dma_start3A_158 = arith.constant 0 : i32
      %dma_start3A_159 = tpu.memref_slice %arg3[%run_scoped3A, %arg1, %dma_start3A_157, %dma_start3A_158] : memref<2x16x250x80xi32, #tpu.memory_space<hbm>> -> memref<1x1x250x80xi32, #tpu.memory_space<hbm>>
      %dma_start3A_160 = tpu.memref_squeeze %dma_start3A_159 : memref<1x1x250x80xi32, #tpu.memory_space<hbm>> -> memref<250x80xi32, #tpu.memory_space<hbm>>
      %dma_start3A_161 = arith.constant 0 : i32
      %dma_start3A_162 = arith.constant 0 : i32
      %dma_start3A_163 = tpu.memref_slice %arg3[%run_scoped3A, %arg1, %dma_start3A_161, %dma_start3A_162] : memref<2x16x250x80xi32, #tpu.memory_space<hbm>> -> memref<1x1x250x80xi32, #tpu.memory_space<hbm>>
      %dma_start3A_164 = tpu.memref_squeeze %dma_start3A_163 : memref<1x1x250x80xi32, #tpu.memory_space<hbm>> -> memref<250x80xi32, #tpu.memory_space<hbm>>
      tpu.enqueue_dma source(%dma_start3A_164 : memref<250x80xi32, #tpu.memory_space<hbm>>) target(%arg5 : memref<250x80xi32, #tpu.memory_space<vmem>>) target_semaphore(%run_scoped3A_156 : memref<!tpu.dma_semaphore, #tpu.memory_space<semaphore_mem>>)
      %dma_wait3A_165 = arith.constant 0 : i32
      %dma_wait3A_166 = arith.constant 0 : i32
      %dma_wait3A_167 = tpu.memref_slice %arg3[%run_scoped3A, %arg1, %dma_wait3A_165, %dma_wait3A_166] : memref<2x16x250x80xi32, #tpu.memory_space<hbm>> -> memref<1x1x250x80xi32, #tpu.memory_space<hbm>>
      %dma_wait3A_168 = tpu.memref_squeeze %dma_wait3A_167 : memref<1x1x250x80xi32, #tpu.memory_space<hbm>> -> memref<250x80xi32, #tpu.memory_space<hbm>>
      %dma_wait3A_169 = arith.constant 0 : i32
      %dma_wait3A_170 = arith.constant 0 : i32
      %dma_wait3A_171 = tpu.memref_slice %arg3[%run_scoped3A, %arg1, %dma_wait3A_169, %dma_wait3A_170] : memref<2x16x250x80xi32, #tpu.memory_space<hbm>> -> memref<1x1x250x80xi32, #tpu.memory_space<hbm>>
      %dma_wait3A_172 = tpu.memref_squeeze %dma_wait3A_171 : memref<1x1x250x80xi32, #tpu.memory_space<hbm>> -> memref<250x80xi32, #tpu.memory_space<hbm>>
      tpu.wait_dma2 semaphore(%run_scoped3A_156 : memref<!tpu.dma_semaphore, #tpu.memory_space<semaphore_mem>>) src(%dma_wait3A_172 : memref<250x80xi32, #tpu.memory_space<hbm>>) dst(%arg5 : memref<250x80xi32, #tpu.memory_space<vmem>>)
      tpu.yield
    }) : () -> ()
    %run_scoped3A_24 = arith.constant 1 : i32
    "tpu.region"() ({
      %run_scoped3A_156 = tpu.sem_alloc : memref<!tpu.dma_semaphore, #tpu.memory_space<semaphore_mem>>
      %dma_start3A_157 = arith.constant 0 : i32
      %dma_start3A_158 = arith.constant 0 : i32
      %dma_start3A_159 = tpu.memref_slice %arg3[%run_scoped3A_24, %arg1, %dma_start3A_157, %dma_start3A_158] : memref<2x16x250x80xi32, #tpu.memory_space<hbm>> -> memref<1x1x250x80xi32, #tpu.memory_space<hbm>>
      %dma_start3A_160 = tpu.memref_squeeze %dma_start3A_159 : memref<1x1x250x80xi32, #tpu.memory_space<hbm>> -> memref<250x80xi32, #tpu.memory_space<hbm>>
      %dma_start3A_161 = arith.constant 0 : i32
      %dma_start3A_162 = arith.constant 0 : i32
      %dma_start3A_163 = tpu.memref_slice %arg3[%run_scoped3A_24, %arg1, %dma_start3A_161, %dma_start3A_162] : memref<2x16x250x80xi32, #tpu.memory_space<hbm>> -> memref<1x1x250x80xi32, #tpu.memory_space<hbm>>
      %dma_start3A_164 = tpu.memref_squeeze %dma_start3A_163 : memref<1x1x250x80xi32, #tpu.memory_space<hbm>> -> memref<250x80xi32, #tpu.memory_space<hbm>>
      tpu.enqueue_dma source(%dma_start3A_164 : memref<250x80xi32, #tpu.memory_space<hbm>>) target(%arg6 : memref<250x80xi32, #tpu.memory_space<vmem>>) target_semaphore(%run_scoped3A_156 : memref<!tpu.dma_semaphore, #tpu.memory_space<semaphore_mem>>)
      %dma_wait3A_165 = arith.constant 0 : i32
      %dma_wait3A_166 = arith.constant 0 : i32
      %dma_wait3A_167 = tpu.memref_slice %arg3[%run_scoped3A_24, %arg1, %dma_wait3A_165, %dma_wait3A_166] : memref<2x16x250x80xi32, #tpu.memory_space<hbm>> -> memref<1x1x250x80xi32, #tpu.memory_space<hbm>>
      %dma_wait3A_168 = tpu.memref_squeeze %dma_wait3A_167 : memref<1x1x250x80xi32, #tpu.memory_space<hbm>> -> memref<250x80xi32, #tpu.memory_space<hbm>>
      %dma_wait3A_169 = arith.constant 0 : i32
      %dma_wait3A_170 = arith.constant 0 : i32
      %dma_wait3A_171 = tpu.memref_slice %arg3[%run_scoped3A_24, %arg1, %dma_wait3A_169, %dma_wait3A_170] : memref<2x16x250x80xi32, #tpu.memory_space<hbm>> -> memref<1x1x250x80xi32, #tpu.memory_space<hbm>>
      %dma_wait3A_172 = tpu.memref_squeeze %dma_wait3A_171 : memref<1x1x250x80xi32, #tpu.memory_space<hbm>> -> memref<250x80xi32, #tpu.memory_space<hbm>>
      tpu.wait_dma2 semaphore(%run_scoped3A_156 : memref<!tpu.dma_semaphore, #tpu.memory_space<semaphore_mem>>) src(%dma_wait3A_172 : memref<250x80xi32, #tpu.memory_space<hbm>>) dst(%arg6 : memref<250x80xi32, #tpu.memory_space<vmem>>)
      tpu.yield
    }) : () -> ()
    %scan3A_25 = arith.constant 0 : i32
    %scan3A_26 = arith.constant 250 : i32
    %scan3A_27 = arith.addi %scan3A_25, %scan3A_26 : i32
    %scan3A_28 = arith.constant 1 : i32
    scf.for %scan3A_156 = %scan3A_25 to %scan3A_27 step %scan3A_28  : i32 {
      %mul3A_157 = arith.constant 1 : i32
      %mul3A_158 = arith.muli %scan3A_156, %mul3A_157 : i32
      %add3A_159 = arith.constant 0 : i32
      %add3A_160 = arith.addi %add3A_159, %mul3A_158 : i32
      %get3A = arith.index_cast %add3A_160 : i32 to index
      %get3A_161 = arith.constant 0 : index
      %get3A_162 = tpu.vector_load %arg5[%get3A, %get3A_161] {strides = array<i32>} : memref<250x80xi32, #tpu.memory_space<vmem>>, vector<1x16xi32>,
      %get3A_163 = vector.shape_cast %get3A_162 : vector<1x16xi32> to vector<1x16xi32>
      %mul3A_164 = arith.constant 2 : i32
      %mul3A_165 = vector.broadcast %mul3A_164 : i32 to vector<1x16xi32>
      %mul3A_166 = arith.muli %get3A_163, %mul3A_165 : vector<1x16xi32>
      %add3A_167 = vector.broadcast %arg0 : i32 to vector<1x16xi32>
      %add3A_168 = arith.addi %mul3A_166, %add3A_167 : vector<1x16xi32>
      %swap3A = arith.index_cast %add3A_160 : i32 to index
      %swap3A_169 = arith.constant 0 : index
      %swap3A_170 = tpu.vector_load %arg5[%swap3A, %swap3A_169] {strides = array<i32>} : memref<250x80xi32, #tpu.memory_space<vmem>>, vector<1x16xi32>,
      %swap3A_171 = vector.shape_cast %swap3A_170 : vector<1x16xi32> to vector<1x16xi32>
      %swap3A_172 = vector.shape_cast %add3A_168 : vector<1x16xi32> to vector<1x16xi32>
      tpu.vector_store %arg5[%swap3A, %swap3A_169], %swap3A_172 {strides = array<i32>} : memref<250x80xi32, #tpu.memory_space<vmem>>, vector<1x16xi32>,
      %get3A_173 = arith.index_cast %add3A_160 : i32 to index
      %get3A_174 = arith.constant 16 : index
      %get3A_175 = tpu.vector_load %arg5[%get3A_173, %get3A_174] {strides = array<i32>} : memref<250x80xi32, #tpu.memory_space<vmem>>, vector<1x16xi32>,
      %get3A_176 = vector.shape_cast %get3A_175 : vector<1x16xi32> to vector<1x16xi32>
      %mul3A_177 = arith.constant 2 : i32
      %mul3A_178 = vector.broadcast %mul3A_177 : i32 to vector<1x16xi32>
      %mul3A_179 = arith.muli %get3A_176, %mul3A_178 : vector<1x16xi32>
      %add3A_180 = vector.broadcast %arg0 : i32 to vector<1x16xi32>
      %add3A_181 = arith.addi %mul3A_179, %add3A_180 : vector<1x16xi32>
      %swap3A_182 = arith.index_cast %add3A_160 : i32 to index
      %swap3A_183 = arith.constant 16 : index
      %swap3A_184 = tpu.vector_load %arg5[%swap3A_182, %swap3A_183] {strides = array<i32>} : memref<250x80xi32, #tpu.memory_space<vmem>>, vector<1x16xi32>,
      %swap3A_185 = vector.shape_cast %swap3A_184 : vector<1x16xi32> to vector<1x16xi32>
      %swap3A_186 = vector.shape_cast %add3A_181 : vector<1x16xi32> to vector<1x16xi32>
      tpu.vector_store %arg5[%swap3A_182, %swap3A_183], %swap3A_186 {strides = array<i32>} : memref<250x80xi32, #tpu.memory_space<vmem>>, vector<1x16xi32>,
      %get3A_187 = arith.index_cast %add3A_160 : i32 to index
      %get3A_188 = arith.constant 32 : index
      %get3A_189 = tpu.vector_load %arg5[%get3A_187, %get3A_188] {strides = array<i32>} : memref<250x80xi32, #tpu.memory_space<vmem>>, vector<1x16xi32>,
      %get3A_190 = vector.shape_cast %get3A_189 : vector<1x16xi32> to vector<1x16xi32>
      %mul3A_191 = arith.constant 2 : i32
      %mul3A_192 = vector.broadcast %mul3A_191 : i32 to vector<1x16xi32>
      %mul3A_193 = arith.muli %get3A_190, %mul3A_192 : vector<1x16xi32>
      %add3A_194 = vector.broadcast %arg0 : i32 to vector<1x16xi32>
      %add3A_195 = arith.addi %mul3A_193, %add3A_194 : vector<1x16xi32>
      %swap3A_196 = arith.index_cast %add3A_160 : i32 to index
      %swap3A_197 = arith.constant 32 : index
      %swap3A_198 = tpu.vector_load %arg5[%swap3A_196, %swap3A_197] {strides = array<i32>} : memref<250x80xi32, #tpu.memory_space<vmem>>, vector<1x16xi32>,
      %swap3A_199 = vector.shape_cast %swap3A_198 : vector<1x16xi32> to vector<1x16xi32>
      %swap3A_200 = vector.shape_cast %add3A_195 : vector<1x16xi32> to vector<1x16xi32>
      tpu.vector_store %arg5[%swap3A_196, %swap3A_197], %swap3A_200 {strides = array<i32>} : memref<250x80xi32, #tpu.memory_space<vmem>>, vector<1x16xi32>,
      %get3A_201 = arith.index_cast %add3A_160 : i32 to index
      %get3A_202 = arith.constant 48 : index
      %get3A_203 = tpu.vector_load %arg5[%get3A_201, %get3A_202] {strides = array<i32>} : memref<250x80xi32, #tpu.memory_space<vmem>>, vector<1x16xi32>,
      %get3A_204 = vector.shape_cast %get3A_203 : vector<1x16xi32> to vector<1x16xi32>
      %mul3A_205 = arith.constant 2 : i32
      %mul3A_206 = vector.broadcast %mul3A_205 : i32 to vector<1x16xi32>
      %mul3A_207 = arith.muli %get3A_204, %mul3A_206 : vector<1x16xi32>
      %add3A_208 = vector.broadcast %arg0 : i32 to vector<1x16xi32>
      %add3A_209 = arith.addi %mul3A_207, %add3A_208 : vector<1x16xi32>
      %swap3A_210 = arith.index_cast %add3A_160 : i32 to index
      %swap3A_211 = arith.constant 48 : index
      %swap3A_212 = tpu.vector_load %arg5[%swap3A_210, %swap3A_211] {strides = array<i32>} : memref<250x80xi32, #tpu.memory_space<vmem>>, vector<1x16xi32>,
      %swap3A_213 = vector.shape_cast %swap3A_212 : vector<1x16xi32> to vector<1x16xi32>
      %swap3A_214 = vector.shape_cast %add3A_209 : vector<1x16xi32> to vector<1x16xi32>
      tpu.vector_store %arg5[%swap3A_210, %swap3A_211], %swap3A_214 {strides = array<i32>} : memref<250x80xi32, #tpu.memory_space<vmem>>, vector<1x16xi32>,
      %get3A_215 = arith.index_cast %add3A_160 : i32 to index
      %get3A_216 = arith.constant 64 : index
      %get3A_217 = tpu.vector_load %arg5[%get3A_215, %get3A_216] {strides = array<i32>} : memref<250x80xi32, #tpu.memory_space<vmem>>, vector<1x16xi32>,
      %get3A_218 = vector.shape_cast %get3A_217 : vector<1x16xi32> to vector<1x16xi32>
      %mul3A_219 = arith.constant 2 : i32
      %mul3A_220 = vector.broadcast %mul3A_219 : i32 to vector<1x16xi32>
      %mul3A_221 = arith.muli %get3A_218, %mul3A_220 : vector<1x16xi32>
      %add3A_222 = vector.broadcast %arg0 : i32 to vector<1x16xi32>
      %add3A_223 = arith.addi %mul3A_221, %add3A_222 : vector<1x16xi32>
      %swap3A_224 = arith.index_cast %add3A_160 : i32 to index
      %swap3A_225 = arith.constant 64 : index
      %swap3A_226 = tpu.vector_load %arg5[%swap3A_224, %swap3A_225] {strides = array<i32>} : memref<250x80xi32, #tpu.memory_space<vmem>>, vector<1x16xi32>,
      %swap3A_227 = vector.shape_cast %swap3A_226 : vector<1x16xi32> to vector<1x16xi32>
      %swap3A_228 = vector.shape_cast %add3A_223 : vector<1x16xi32> to vector<1x16xi32>
      tpu.vector_store %arg5[%swap3A_224, %swap3A_225], %swap3A_228 {strides = array<i32>} : memref<250x80xi32, #tpu.memory_space<vmem>>, vector<1x16xi32>,
    }
    %scan3A_29 = arith.constant 250 : i32
    %barrier3A = arith.constant 0 : index
    tpu.barrier barrier_id(%barrier3A)
    %dma_start3A = arith.constant 0 : i32
    %dma_start3A_30 = arith.constant 0 : i32
    %dma_start3A_31 = arith.constant 0 : i32
    %dma_start3A_32 = arith.constant 0 : i32
    %dma_start3A_33 = tpu.memref_slice %arg7[%dma_start3A_30, %dma_start3A_31, %dma_start3A_32] : memref<5x80x64xf32, #tpu.memory_space<vmem>> -> memref<1x80x64xf32, #tpu.memory_space<vmem>>
    %dma_start3A_34 = tpu.memref_squeeze %dma_start3A_33 : memref<1x80x64xf32, #tpu.memory_space<vmem>> -> memref<80x64xf32, #tpu.memory_space<vmem>>
    %dma_start3A_35 = arith.constant 0 : i32
    %dma_start3A_36 = tpu.memref_slice %arg5[%dma_start3A, %dma_start3A_35] : memref<250x80xi32, #tpu.memory_space<vmem>> -> memref<1x80xi32, #tpu.memory_space<vmem>>
    %dma_start3A_37 = tpu.memref_squeeze %dma_start3A_36 : memref<1x80xi32, #tpu.memory_space<vmem>> -> memref<80xi32, #tpu.memory_space<vmem>>
    %dma_start3A_38 = arith.constant 0 : i32
    %dma_start3A_39 = arith.constant 0 : i32
    %dma_start3A_40 = tpu.memref_slice %arg2[%dma_start3A_38, %dma_start3A_39] : memref<20000x64xf32, #tpu.memory_space<hbm>> -> memref<20000x64xf32, #tpu.memory_space<hbm>>
    tpu.enqueue_indirect_dma source(%dma_start3A_40 : memref<20000x64xf32, #tpu.memory_space<hbm>>) target(%dma_start3A_34 : memref<80x64xf32, #tpu.memory_space<vmem>>) offsets(%dma_start3A_37 : memref<80xi32, #tpu.memory_space<vmem>>) semaphore(%arg10 : memref<!tpu.dma_semaphore, #tpu.memory_space<semaphore_mem>>)
    %dma_start3A_41 = arith.constant 1 : i32
    %dma_start3A_42 = arith.constant 1 : i32
    %dma_start3A_43 = arith.constant 0 : i32
    %dma_start3A_44 = arith.constant 0 : i32
    %dma_start3A_45 = tpu.memref_slice %arg7[%dma_start3A_42, %dma_start3A_43, %dma_start3A_44] : memref<5x80x64xf32, #tpu.memory_space<vmem>> -> memref<1x80x64xf32, #tpu.memory_space<vmem>>
    %dma_start3A_46 = tpu.memref_squeeze %dma_start3A_45 : memref<1x80x64xf32, #tpu.memory_space<vmem>> -> memref<80x64xf32, #tpu.memory_space<vmem>>
    %dma_start3A_47 = arith.constant 0 : i32
    %dma_start3A_48 = tpu.memref_slice %arg5[%dma_start3A_41, %dma_start3A_47] : memref<250x80xi32, #tpu.memory_space<vmem>> -> memref<1x80xi32, #tpu.memory_space<vmem>>
    %dma_start3A_49 = tpu.memref_squeeze %dma_start3A_48 : memref<1x80xi32, #tpu.memory_space<vmem>> -> memref<80xi32, #tpu.memory_space<vmem>>
    %dma_start3A_50 = arith.constant 0 : i32
    %dma_start3A_51 = arith.constant 0 : i32
    %dma_start3A_52 = tpu.memref_slice %arg2[%dma_start3A_50, %dma_start3A_51] : memref<20000x64xf32, #tpu.memory_space<hbm>> -> memref<20000x64xf32, #tpu.memory_space<hbm>>
    tpu.enqueue_indirect_dma source(%dma_start3A_52 : memref<20000x64xf32, #tpu.memory_space<hbm>>) target(%dma_start3A_46 : memref<80x64xf32, #tpu.memory_space<vmem>>) offsets(%dma_start3A_49 : memref<80xi32, #tpu.memory_space<vmem>>) semaphore(%arg11 : memref<!tpu.dma_semaphore, #tpu.memory_space<semaphore_mem>>)
    %dma_start3A_53 = arith.constant 2 : i32
    %dma_start3A_54 = arith.constant 2 : i32
    %dma_start3A_55 = arith.constant 0 : i32
    %dma_start3A_56 = arith.constant 0 : i32
    %dma_start3A_57 = tpu.memref_slice %arg7[%dma_start3A_54, %dma_start3A_55, %dma_start3A_56] : memref<5x80x64xf32, #tpu.memory_space<vmem>> -> memref<1x80x64xf32, #tpu.memory_space<vmem>>
    %dma_start3A_58 = tpu.memref_squeeze %dma_start3A_57 : memref<1x80x64xf32, #tpu.memory_space<vmem>> -> memref<80x64xf32, #tpu.memory_space<vmem>>
    %dma_start3A_59 = arith.constant 0 : i32
    %dma_start3A_60 = tpu.memref_slice %arg5[%dma_start3A_53, %dma_start3A_59] : memref<250x80xi32, #tpu.memory_space<vmem>> -> memref<1x80xi32, #tpu.memory_space<vmem>>
    %dma_start3A_61 = tpu.memref_squeeze %dma_start3A_60 : memref<1x80xi32, #tpu.memory_space<vmem>> -> memref<80xi32, #tpu.memory_space<vmem>>
    %dma_start3A_62 = arith.constant 0 : i32
    %dma_start3A_63 = arith.constant 0 : i32
    %dma_start3A_64 = tpu.memref_slice %arg2[%dma_start3A_62, %dma_start3A_63] : memref<20000x64xf32, #tpu.memory_space<hbm>> -> memref<20000x64xf32, #tpu.memory_space<hbm>>
    tpu.enqueue_indirect_dma source(%dma_start3A_64 : memref<20000x64xf32, #tpu.memory_space<hbm>>) target(%dma_start3A_58 : memref<80x64xf32, #tpu.memory_space<vmem>>) offsets(%dma_start3A_61 : memref<80xi32, #tpu.memory_space<vmem>>) semaphore(%arg12 : memref<!tpu.dma_semaphore, #tpu.memory_space<semaphore_mem>>)
    %dma_start3A_65 = arith.constant 3 : i32
    %dma_start3A_66 = arith.constant 3 : i32
    %dma_start3A_67 = arith.constant 0 : i32
    %dma_start3A_68 = arith.constant 0 : i32
    %dma_start3A_69 = tpu.memref_slice %arg7[%dma_start3A_66, %dma_start3A_67, %dma_start3A_68] : memref<5x80x64xf32, #tpu.memory_space<vmem>> -> memref<1x80x64xf32, #tpu.memory_space<vmem>>
    %dma_start3A_70 = tpu.memref_squeeze %dma_start3A_69 : memref<1x80x64xf32, #tpu.memory_space<vmem>> -> memref<80x64xf32, #tpu.memory_space<vmem>>
    %dma_start3A_71 = arith.constant 0 : i32
    %dma_start3A_72 = tpu.memref_slice %arg5[%dma_start3A_65, %dma_start3A_71] : memref<250x80xi32, #tpu.memory_space<vmem>> -> memref<1x80xi32, #tpu.memory_space<vmem>>
    %dma_start3A_73 = tpu.memref_squeeze %dma_start3A_72 : memref<1x80xi32, #tpu.memory_space<vmem>> -> memref<80xi32, #tpu.memory_space<vmem>>
    %dma_start3A_74 = arith.constant 0 : i32
    %dma_start3A_75 = arith.constant 0 : i32
    %dma_start3A_76 = tpu.memref_slice %arg2[%dma_start3A_74, %dma_start3A_75] : memref<20000x64xf32, #tpu.memory_space<hbm>> -> memref<20000x64xf32, #tpu.memory_space<hbm>>
    tpu.enqueue_indirect_dma source(%dma_start3A_76 : memref<20000x64xf32, #tpu.memory_space<hbm>>) target(%dma_start3A_70 : memref<80x64xf32, #tpu.memory_space<vmem>>) offsets(%dma_start3A_73 : memref<80xi32, #tpu.memory_space<vmem>>) semaphore(%arg13 : memref<!tpu.dma_semaphore, #tpu.memory_space<semaphore_mem>>)
    %dma_start3A_77 = arith.constant 4 : i32
    %dma_start3A_78 = arith.constant 4 : i32
    %dma_start3A_79 = arith.constant 0 : i32
    %dma_start3A_80 = arith.constant 0 : i32
    %dma_start3A_81 = tpu.memref_slice %arg7[%dma_start3A_78, %dma_start3A_79, %dma_start3A_80] : memref<5x80x64xf32, #tpu.memory_space<vmem>> -> memref<1x80x64xf32, #tpu.memory_space<vmem>>
    %dma_start3A_82 = tpu.memref_squeeze %dma_start3A_81 : memref<1x80x64xf32, #tpu.memory_space<vmem>> -> memref<80x64xf32, #tpu.memory_space<vmem>>
    %dma_start3A_83 = arith.constant 0 : i32
    %dma_start3A_84 = tpu.memref_slice %arg5[%dma_start3A_77, %dma_start3A_83] : memref<250x80xi32, #tpu.memory_space<vmem>> -> memref<1x80xi32, #tpu.memory_space<vmem>>
    %dma_start3A_85 = tpu.memref_squeeze %dma_start3A_84 : memref<1x80xi32, #tpu.memory_space<vmem>> -> memref<80xi32, #tpu.memory_space<vmem>>
    %dma_start3A_86 = arith.constant 0 : i32
    %dma_start3A_87 = arith.constant 0 : i32
    %dma_start3A_88 = tpu.memref_slice %arg2[%dma_start3A_86, %dma_start3A_87] : memref<20000x64xf32, #tpu.memory_space<hbm>> -> memref<20000x64xf32, #tpu.memory_space<hbm>>
    tpu.enqueue_indirect_dma source(%dma_start3A_88 : memref<20000x64xf32, #tpu.memory_space<hbm>>) target(%dma_start3A_82 : memref<80x64xf32, #tpu.memory_space<vmem>>) offsets(%dma_start3A_85 : memref<80xi32, #tpu.memory_space<vmem>>) semaphore(%arg14 : memref<!tpu.dma_semaphore, #tpu.memory_space<semaphore_mem>>)
    %scan3A_89 = arith.constant 0 : i32
    %scan3A_90 = arith.constant 50 : i32
    %scan3A_91 = arith.addi %scan3A_89, %scan3A_90 : i32
    %scan3A_92 = arith.constant 1 : i32
    scf.for %scan3A_156 = %scan3A_89 to %scan3A_91 step %scan3A_92  : i32 {
      %mul3A_157 = arith.constant 1 : i32
      %mul3A_158 = arith.muli %scan3A_156, %mul3A_157 : i32
      %add3A_159 = arith.constant 0 : i32
      %add3A_160 = arith.addi %add3A_159, %mul3A_158 : i32
      %mul3A_161 = arith.constant 5 : i32
      %mul3A_162 = arith.muli %add3A_160, %mul3A_161 : i32
      %add3A_163 = arith.constant 0 : i32
      %add3A_164 = arith.addi %mul3A_162, %add3A_163 : i32
      %dma_wait3A_165 = arith.constant 0 : i32
      %dma_wait3A_166 = arith.constant 0 : i32
      %dma_wait3A_167 = arith.constant 0 : i32
      %dma_wait3A_168 = arith.constant 0 : i32
      %dma_wait3A_169 = tpu.memref_slice %arg7[%dma_wait3A_166, %dma_wait3A_167, %dma_wait3A_168] : memref<5x80x64xf32, #tpu.memory_space<vmem>> -> memref<1x80x64xf32, #tpu.memory_space<vmem>>
      %dma_wait3A_170 = tpu.memref_squeeze %dma_wait3A_169 : memref<1x80x64xf32, #tpu.memory_space<vmem>> -> memref<80x64xf32, #tpu.memory_space<vmem>>
      %dma_wait3A_171 = arith.constant 0 : i32
      %dma_wait3A_172 = tpu.memref_slice %arg5[%dma_wait3A_165, %dma_wait3A_171] : memref<250x80xi32, #tpu.memory_space<vmem>> -> memref<1x80xi32, #tpu.memory_space<vmem>>
      %dma_wait3A_173 = tpu.memref_squeeze %dma_wait3A_172 : memref<1x80xi32, #tpu.memory_space<vmem>> -> memref<80xi32, #tpu.memory_space<vmem>>
      %dma_wait3A_174 = arith.constant 0 : i32
      %dma_wait3A_175 = arith.constant 0 : i32
      %dma_wait3A_176 = tpu.memref_slice %arg2[%dma_wait3A_174, %dma_wait3A_175] : memref<20000x64xf32, #tpu.memory_space<hbm>> -> memref<20000x64xf32, #tpu.memory_space<hbm>>
      tpu.wait_indirect_dma semaphore(%arg10 : memref<!tpu.dma_semaphore, #tpu.memory_space<semaphore_mem>>) src(%dma_wait3A_176 : memref<20000x64xf32, #tpu.memory_space<hbm>>) dst(%dma_wait3A_170 : memref<80x64xf32, #tpu.memory_space<vmem>>)
      %dma_start3A_177 = arith.constant 0 : i32
      %dma_start3A_178 = arith.constant 0 : i32
      %dma_start3A_179 = arith.constant 0 : i32
      %dma_start3A_180 = tpu.memref_slice %arg7[%dma_start3A_177, %dma_start3A_178, %dma_start3A_179] : memref<5x80x64xf32, #tpu.memory_space<vmem>> -> memref<1x80x64xf32, #tpu.memory_space<vmem>>
      %dma_start3A_181 = tpu.memref_squeeze %dma_start3A_180 : memref<1x80x64xf32, #tpu.memory_space<vmem>> -> memref<80x64xf32, #tpu.memory_space<vmem>>
      %dma_start3A_182 = arith.constant 0 : i32
      %dma_start3A_183 = tpu.memref_slice %arg6[%add3A_164, %dma_start3A_182] : memref<250x80xi32, #tpu.memory_space<vmem>> -> memref<1x80xi32, #tpu.memory_space<vmem>>
      %dma_start3A_184 = tpu.memref_squeeze %dma_start3A_183 : memref<1x80xi32, #tpu.memory_space<vmem>> -> memref<80xi32, #tpu.memory_space<vmem>>
      %dma_start3A_185 = arith.constant 0 : i32
      %dma_start3A_186 = arith.constant 0 : i32
      %dma_start3A_187 = tpu.memref_slice %arg9[%dma_start3A_185, %dma_start3A_186] : memref<10240x64xf32, #tpu.memory_space<vmem_shared>> -> memref<10240x64xf32, #tpu.memory_space<vmem_shared>>
      tpu.enqueue_indirect_dma source(%dma_start3A_181 : memref<80x64xf32, #tpu.memory_space<vmem>>) target(%dma_start3A_187 : memref<10240x64xf32, #tpu.memory_space<vmem_shared>>) offsets(%dma_start3A_184 : memref<80xi32, #tpu.memory_space<vmem>>) semaphore(%arg15 : memref<!tpu.dma_semaphore, #tpu.memory_space<semaphore_mem>>) {add = true}
      %lt3A = arith.constant 49 : i32
      %lt3A_188 = arith.cmpi slt, %add3A_160, %lt3A : i32
      %convert_element_type3A = arith.extui %lt3A_188 : i1 to i32
      %cond3A = arith.constant 0 : i32
      %cond3A_189 = arith.cmpi ne, %convert_element_type3A, %cond3A : i32
      scf.if %cond3A_189 {
        %dma_wait3A_318 = arith.constant 0 : i32
        %dma_wait3A_319 = arith.constant 0 : i32
        %dma_wait3A_320 = arith.constant 0 : i32
        %dma_wait3A_321 = arith.constant 0 : i32
        %dma_wait3A_322 = tpu.memref_slice %arg7[%dma_wait3A_318, %dma_wait3A_320, %dma_wait3A_321] : memref<5x80x64xf32, #tpu.memory_space<vmem>> -> memref<1x80x64xf32, #tpu.memory_space<vmem>>
        %dma_wait3A_323 = tpu.memref_squeeze %dma_wait3A_322 : memref<1x80x64xf32, #tpu.memory_space<vmem>> -> memref<80x64xf32, #tpu.memory_space<vmem>>
        %dma_wait3A_324 = arith.constant 0 : i32
        %dma_wait3A_325 = tpu.memref_slice %arg6[%dma_wait3A_319, %dma_wait3A_324] : memref<250x80xi32, #tpu.memory_space<vmem>> -> memref<1x80xi32, #tpu.memory_space<vmem>>
        %dma_wait3A_326 = tpu.memref_squeeze %dma_wait3A_325 : memref<1x80xi32, #tpu.memory_space<vmem>> -> memref<80xi32, #tpu.memory_space<vmem>>
        %dma_wait3A_327 = arith.constant 0 : i32
        %dma_wait3A_328 = arith.constant 0 : i32
        %dma_wait3A_329 = tpu.memref_slice %arg9[%dma_wait3A_327, %dma_wait3A_328] : memref<10240x64xf32, #tpu.memory_space<vmem_shared>> -> memref<10240x64xf32, #tpu.memory_space<vmem_shared>>
        tpu.wait_indirect_dma semaphore(%arg15 : memref<!tpu.dma_semaphore, #tpu.memory_space<semaphore_mem>>) src(%dma_wait3A_323 : memref<80x64xf32, #tpu.memory_space<vmem>>) dst(%dma_wait3A_329 : memref<10240x64xf32, #tpu.memory_space<vmem_shared>>)
        %add3A_330 = arith.constant 5 : i32
        %add3A_331 = arith.addi %add3A_164, %add3A_330 : i32
        %dma_start3A_332 = arith.constant 0 : i32
        %dma_start3A_333 = arith.constant 0 : i32
        %dma_start3A_334 = arith.constant 0 : i32
        %dma_start3A_335 = tpu.memref_slice %arg7[%dma_start3A_332, %dma_start3A_333, %dma_start3A_334] : memref<5x80x64xf32, #tpu.memory_space<vmem>> -> memref<1x80x64xf32, #tpu.memory_space<vmem>>
        %dma_start3A_336 = tpu.memref_squeeze %dma_start3A_335 : memref<1x80x64xf32, #tpu.memory_space<vmem>> -> memref<80x64xf32, #tpu.memory_space<vmem>>
        %dma_start3A_337 = arith.constant 0 : i32
        %dma_start3A_338 = tpu.memref_slice %arg5[%add3A_331, %dma_start3A_337] : memref<250x80xi32, #tpu.memory_space<vmem>> -> memref<1x80xi32, #tpu.memory_space<vmem>>
        %dma_start3A_339 = tpu.memref_squeeze %dma_start3A_338 : memref<1x80xi32, #tpu.memory_space<vmem>> -> memref<80xi32, #tpu.memory_space<vmem>>
        %dma_start3A_340 = arith.constant 0 : i32
        %dma_start3A_341 = arith.constant 0 : i32
        %dma_start3A_342 = tpu.memref_slice %arg2[%dma_start3A_340, %dma_start3A_341] : memref<20000x64xf32, #tpu.memory_space<hbm>> -> memref<20000x64xf32, #tpu.memory_space<hbm>>
        tpu.enqueue_indirect_dma source(%dma_start3A_342 : memref<20000x64xf32, #tpu.memory_space<hbm>>) target(%dma_start3A_336 : memref<80x64xf32, #tpu.memory_space<vmem>>) offsets(%dma_start3A_339 : memref<80xi32, #tpu.memory_space<vmem>>) semaphore(%arg10 : memref<!tpu.dma_semaphore, #tpu.memory_space<semaphore_mem>>)
      } else {
      }
      %mul3A_190 = arith.constant 5 : i32
      %mul3A_191 = arith.muli %add3A_160, %mul3A_190 : i32
      %add3A_192 = arith.constant 1 : i32
      %add3A_193 = arith.addi %mul3A_191, %add3A_192 : i32
      %dma_wait3A_194 = arith.constant 1 : i32
      %dma_wait3A_195 = arith.constant 1 : i32
      %dma_wait3A_196 = arith.constant 0 : i32
      %dma_wait3A_197 = arith.constant 0 : i32
      %dma_wait3A_198 = tpu.memref_slice %arg7[%dma_wait3A_195, %dma_wait3A_196, %dma_wait3A_197] : memref<5x80x64xf32, #tpu.memory_space<vmem>> -> memref<1x80x64xf32, #tpu.memory_space<vmem>>
      %dma_wait3A_199 = tpu.memref_squeeze %dma_wait3A_198 : memref<1x80x64xf32, #tpu.memory_space<vmem>> -> memref<80x64xf32, #tpu.memory_space<vmem>>
      %dma_wait3A_200 = arith.constant 0 : i32
      %dma_wait3A_201 = tpu.memref_slice %arg5[%dma_wait3A_194, %dma_wait3A_200] : memref<250x80xi32, #tpu.memory_space<vmem>> -> memref<1x80xi32, #tpu.memory_space<vmem>>
      %dma_wait3A_202 = tpu.memref_squeeze %dma_wait3A_201 : memref<1x80xi32, #tpu.memory_space<vmem>> -> memref<80xi32, #tpu.memory_space<vmem>>
      %dma_wait3A_203 = arith.constant 0 : i32
      %dma_wait3A_204 = arith.constant 0 : i32
      %dma_wait3A_205 = tpu.memref_slice %arg2[%dma_wait3A_203, %dma_wait3A_204] : memref<20000x64xf32, #tpu.memory_space<hbm>> -> memref<20000x64xf32, #tpu.memory_space<hbm>>
      tpu.wait_indirect_dma semaphore(%arg11 : memref<!tpu.dma_semaphore, #tpu.memory_space<semaphore_mem>>) src(%dma_wait3A_205 : memref<20000x64xf32, #tpu.memory_space<hbm>>) dst(%dma_wait3A_199 : memref<80x64xf32, #tpu.memory_space<vmem>>)
      %dma_start3A_206 = arith.constant 1 : i32
      %dma_start3A_207 = arith.constant 0 : i32
      %dma_start3A_208 = arith.constant 0 : i32
      %dma_start3A_209 = tpu.memref_slice %arg7[%dma_start3A_206, %dma_start3A_207, %dma_start3A_208] : memref<5x80x64xf32, #tpu.memory_space<vmem>> -> memref<1x80x64xf32, #tpu.memory_space<vmem>>
      %dma_start3A_210 = tpu.memref_squeeze %dma_start3A_209 : memref<1x80x64xf32, #tpu.memory_space<vmem>> -> memref<80x64xf32, #tpu.memory_space<vmem>>
      %dma_start3A_211 = arith.constant 0 : i32
      %dma_start3A_212 = tpu.memref_slice %arg6[%add3A_193, %dma_start3A_211] : memref<250x80xi32, #tpu.memory_space<vmem>> -> memref<1x80xi32, #tpu.memory_space<vmem>>
      %dma_start3A_213 = tpu.memref_squeeze %dma_start3A_212 : memref<1x80xi32, #tpu.memory_space<vmem>> -> memref<80xi32, #tpu.memory_space<vmem>>
      %dma_start3A_214 = arith.constant 0 : i32
      %dma_start3A_215 = arith.constant 0 : i32
      %dma_start3A_216 = tpu.memref_slice %arg9[%dma_start3A_214, %dma_start3A_215] : memref<10240x64xf32, #tpu.memory_space<vmem_shared>> -> memref<10240x64xf32, #tpu.memory_space<vmem_shared>>
      tpu.enqueue_indirect_dma source(%dma_start3A_210 : memref<80x64xf32, #tpu.memory_space<vmem>>) target(%dma_start3A_216 : memref<10240x64xf32, #tpu.memory_space<vmem_shared>>) offsets(%dma_start3A_213 : memref<80xi32, #tpu.memory_space<vmem>>) semaphore(%arg16 : memref<!tpu.dma_semaphore, #tpu.memory_space<semaphore_mem>>) {add = true}
      %lt3A_217 = arith.constant 49 : i32
      %lt3A_218 = arith.cmpi slt, %add3A_160, %lt3A_217 : i32
      %convert_element_type3A_219 = arith.extui %lt3A_218 : i1 to i32
      %cond3A_220 = arith.constant 0 : i32
      %cond3A_221 = arith.cmpi ne, %convert_element_type3A_219, %cond3A_220 : i32
      scf.if %cond3A_221 {
        %dma_wait3A_318 = arith.constant 1 : i32
        %dma_wait3A_319 = arith.constant 1 : i32
        %dma_wait3A_320 = arith.constant 0 : i32
        %dma_wait3A_321 = arith.constant 0 : i32
        %dma_wait3A_322 = tpu.memref_slice %arg7[%dma_wait3A_318, %dma_wait3A_320, %dma_wait3A_321] : memref<5x80x64xf32, #tpu.memory_space<vmem>> -> memref<1x80x64xf32, #tpu.memory_space<vmem>>
        %dma_wait3A_323 = tpu.memref_squeeze %dma_wait3A_322 : memref<1x80x64xf32, #tpu.memory_space<vmem>> -> memref<80x64xf32, #tpu.memory_space<vmem>>
        %dma_wait3A_324 = arith.constant 0 : i32
        %dma_wait3A_325 = tpu.memref_slice %arg6[%dma_wait3A_319, %dma_wait3A_324] : memref<250x80xi32, #tpu.memory_space<vmem>> -> memref<1x80xi32, #tpu.memory_space<vmem>>
        %dma_wait3A_326 = tpu.memref_squeeze %dma_wait3A_325 : memref<1x80xi32, #tpu.memory_space<vmem>> -> memref<80xi32, #tpu.memory_space<vmem>>
        %dma_wait3A_327 = arith.constant 0 : i32
        %dma_wait3A_328 = arith.constant 0 : i32
        %dma_wait3A_329 = tpu.memref_slice %arg9[%dma_wait3A_327, %dma_wait3A_328] : memref<10240x64xf32, #tpu.memory_space<vmem_shared>> -> memref<10240x64xf32, #tpu.memory_space<vmem_shared>>
        tpu.wait_indirect_dma semaphore(%arg16 : memref<!tpu.dma_semaphore, #tpu.memory_space<semaphore_mem>>) src(%dma_wait3A_323 : memref<80x64xf32, #tpu.memory_space<vmem>>) dst(%dma_wait3A_329 : memref<10240x64xf32, #tpu.memory_space<vmem_shared>>)
        %add3A_330 = arith.constant 5 : i32
        %add3A_331 = arith.addi %add3A_193, %add3A_330 : i32
        %dma_start3A_332 = arith.constant 1 : i32
        %dma_start3A_333 = arith.constant 0 : i32
        %dma_start3A_334 = arith.constant 0 : i32
        %dma_start3A_335 = tpu.memref_slice %arg7[%dma_start3A_332, %dma_start3A_333, %dma_start3A_334] : memref<5x80x64xf32, #tpu.memory_space<vmem>> -> memref<1x80x64xf32, #tpu.memory_space<vmem>>
        %dma_start3A_336 = tpu.memref_squeeze %dma_start3A_335 : memref<1x80x64xf32, #tpu.memory_space<vmem>> -> memref<80x64xf32, #tpu.memory_space<vmem>>
        %dma_start3A_337 = arith.constant 0 : i32
        %dma_start3A_338 = tpu.memref_slice %arg5[%add3A_331, %dma_start3A_337] : memref<250x80xi32, #tpu.memory_space<vmem>> -> memref<1x80xi32, #tpu.memory_space<vmem>>
        %dma_start3A_339 = tpu.memref_squeeze %dma_start3A_338 : memref<1x80xi32, #tpu.memory_space<vmem>> -> memref<80xi32, #tpu.memory_space<vmem>>
        %dma_start3A_340 = arith.constant 0 : i32
        %dma_start3A_341 = arith.constant 0 : i32
        %dma_start3A_342 = tpu.memref_slice %arg2[%dma_start3A_340, %dma_start3A_341] : memref<20000x64xf32, #tpu.memory_space<hbm>> -> memref<20000x64xf32, #tpu.memory_space<hbm>>
        tpu.enqueue_indirect_dma source(%dma_start3A_342 : memref<20000x64xf32, #tpu.memory_space<hbm>>) target(%dma_start3A_336 : memref<80x64xf32, #tpu.memory_space<vmem>>) offsets(%dma_start3A_339 : memref<80xi32, #tpu.memory_space<vmem>>) semaphore(%arg11 : memref<!tpu.dma_semaphore, #tpu.memory_space<semaphore_mem>>)
      } else {
      }
      %mul3A_222 = arith.constant 5 : i32
      %mul3A_223 = arith.muli %add3A_160, %mul3A_222 : i32
      %add3A_224 = arith.constant 2 : i32
      %add3A_225 = arith.addi %mul3A_223, %add3A_224 : i32
      %dma_wait3A_226 = arith.constant 2 : i32
      %dma_wait3A_227 = arith.constant 2 : i32
      %dma_wait3A_228 = arith.constant 0 : i32
      %dma_wait3A_229 = arith.constant 0 : i32
      %dma_wait3A_230 = tpu.memref_slice %arg7[%dma_wait3A_227, %dma_wait3A_228, %dma_wait3A_229] : memref<5x80x64xf32, #tpu.memory_space<vmem>> -> memref<1x80x64xf32, #tpu.memory_space<vmem>>
      %dma_wait3A_231 = tpu.memref_squeeze %dma_wait3A_230 : memref<1x80x64xf32, #tpu.memory_space<vmem>> -> memref<80x64xf32, #tpu.memory_space<vmem>>
      %dma_wait3A_232 = arith.constant 0 : i32
      %dma_wait3A_233 = tpu.memref_slice %arg5[%dma_wait3A_226, %dma_wait3A_232] : memref<250x80xi32, #tpu.memory_space<vmem>> -> memref<1x80xi32, #tpu.memory_space<vmem>>
      %dma_wait3A_234 = tpu.memref_squeeze %dma_wait3A_233 : memref<1x80xi32, #tpu.memory_space<vmem>> -> memref<80xi32, #tpu.memory_space<vmem>>
      %dma_wait3A_235 = arith.constant 0 : i32
      %dma_wait3A_236 = arith.constant 0 : i32
      %dma_wait3A_237 = tpu.memref_slice %arg2[%dma_wait3A_235, %dma_wait3A_236] : memref<20000x64xf32, #tpu.memory_space<hbm>> -> memref<20000x64xf32, #tpu.memory_space<hbm>>
      tpu.wait_indirect_dma semaphore(%arg12 : memref<!tpu.dma_semaphore, #tpu.memory_space<semaphore_mem>>) src(%dma_wait3A_237 : memref<20000x64xf32, #tpu.memory_space<hbm>>) dst(%dma_wait3A_231 : memref<80x64xf32, #tpu.memory_space<vmem>>)
      %dma_start3A_238 = arith.constant 2 : i32
      %dma_start3A_239 = arith.constant 0 : i32
      %dma_start3A_240 = arith.constant 0 : i32
      %dma_start3A_241 = tpu.memref_slice %arg7[%dma_start3A_238, %dma_start3A_239, %dma_start3A_240] : memref<5x80x64xf32, #tpu.memory_space<vmem>> -> memref<1x80x64xf32, #tpu.memory_space<vmem>>
      %dma_start3A_242 = tpu.memref_squeeze %dma_start3A_241 : memref<1x80x64xf32, #tpu.memory_space<vmem>> -> memref<80x64xf32, #tpu.memory_space<vmem>>
      %dma_start3A_243 = arith.constant 0 : i32
      %dma_start3A_244 = tpu.memref_slice %arg6[%add3A_225, %dma_start3A_243] : memref<250x80xi32, #tpu.memory_space<vmem>> -> memref<1x80xi32, #tpu.memory_space<vmem>>
      %dma_start3A_245 = tpu.memref_squeeze %dma_start3A_244 : memref<1x80xi32, #tpu.memory_space<vmem>> -> memref<80xi32, #tpu.memory_space<vmem>>
      %dma_start3A_246 = arith.constant 0 : i32
      %dma_start3A_247 = arith.constant 0 : i32
      %dma_start3A_248 = tpu.memref_slice %arg9[%dma_start3A_246, %dma_start3A_247] : memref<10240x64xf32, #tpu.memory_space<vmem_shared>> -> memref<10240x64xf32, #tpu.memory_space<vmem_shared>>
      tpu.enqueue_indirect_dma source(%dma_start3A_242 : memref<80x64xf32, #tpu.memory_space<vmem>>) target(%dma_start3A_248 : memref<10240x64xf32, #tpu.memory_space<vmem_shared>>) offsets(%dma_start3A_245 : memref<80xi32, #tpu.memory_space<vmem>>) semaphore(%arg17 : memref<!tpu.dma_semaphore, #tpu.memory_space<semaphore_mem>>) {add = true}
      %lt3A_249 = arith.constant 49 : i32
      %lt3A_250 = arith.cmpi slt, %add3A_160, %lt3A_249 : i32
      %convert_element_type3A_251 = arith.extui %lt3A_250 : i1 to i32
      %cond3A_252 = arith.constant 0 : i32
      %cond3A_253 = arith.cmpi ne, %convert_element_type3A_251, %cond3A_252 : i32
      scf.if %cond3A_253 {
        %dma_wait3A_318 = arith.constant 2 : i32
        %dma_wait3A_319 = arith.constant 2 : i32
        %dma_wait3A_320 = arith.constant 0 : i32
        %dma_wait3A_321 = arith.constant 0 : i32
        %dma_wait3A_322 = tpu.memref_slice %arg7[%dma_wait3A_318, %dma_wait3A_320, %dma_wait3A_321] : memref<5x80x64xf32, #tpu.memory_space<vmem>> -> memref<1x80x64xf32, #tpu.memory_space<vmem>>
        %dma_wait3A_323 = tpu.memref_squeeze %dma_wait3A_322 : memref<1x80x64xf32, #tpu.memory_space<vmem>> -> memref<80x64xf32, #tpu.memory_space<vmem>>
        %dma_wait3A_324 = arith.constant 0 : i32
        %dma_wait3A_325 = tpu.memref_slice %arg6[%dma_wait3A_319, %dma_wait3A_324] : memref<250x80xi32, #tpu.memory_space<vmem>> -> memref<1x80xi32, #tpu.memory_space<vmem>>
        %dma_wait3A_326 = tpu.memref_squeeze %dma_wait3A_325 : memref<1x80xi32, #tpu.memory_space<vmem>> -> memref<80xi32, #tpu.memory_space<vmem>>
        %dma_wait3A_327 = arith.constant 0 : i32
        %dma_wait3A_328 = arith.constant 0 : i32
        %dma_wait3A_329 = tpu.memref_slice %arg9[%dma_wait3A_327, %dma_wait3A_328] : memref<10240x64xf32, #tpu.memory_space<vmem_shared>> -> memref<10240x64xf32, #tpu.memory_space<vmem_shared>>
        tpu.wait_indirect_dma semaphore(%arg17 : memref<!tpu.dma_semaphore, #tpu.memory_space<semaphore_mem>>) src(%dma_wait3A_323 : memref<80x64xf32, #tpu.memory_space<vmem>>) dst(%dma_wait3A_329 : memref<10240x64xf32, #tpu.memory_space<vmem_shared>>)
        %add3A_330 = arith.constant 5 : i32
        %add3A_331 = arith.addi %add3A_225, %add3A_330 : i32
        %dma_start3A_332 = arith.constant 2 : i32
        %dma_start3A_333 = arith.constant 0 : i32
        %dma_start3A_334 = arith.constant 0 : i32
        %dma_start3A_335 = tpu.memref_slice %arg7[%dma_start3A_332, %dma_start3A_333, %dma_start3A_334] : memref<5x80x64xf32, #tpu.memory_space<vmem>> -> memref<1x80x64xf32, #tpu.memory_space<vmem>>
        %dma_start3A_336 = tpu.memref_squeeze %dma_start3A_335 : memref<1x80x64xf32, #tpu.memory_space<vmem>> -> memref<80x64xf32, #tpu.memory_space<vmem>>
        %dma_start3A_337 = arith.constant 0 : i32
        %dma_start3A_338 = tpu.memref_slice %arg5[%add3A_331, %dma_start3A_337] : memref<250x80xi32, #tpu.memory_space<vmem>> -> memref<1x80xi32, #tpu.memory_space<vmem>>
        %dma_start3A_339 = tpu.memref_squeeze %dma_start3A_338 : memref<1x80xi32, #tpu.memory_space<vmem>> -> memref<80xi32, #tpu.memory_space<vmem>>
        %dma_start3A_340 = arith.constant 0 : i32
        %dma_start3A_341 = arith.constant 0 : i32
        %dma_start3A_342 = tpu.memref_slice %arg2[%dma_start3A_340, %dma_start3A_341] : memref<20000x64xf32, #tpu.memory_space<hbm>> -> memref<20000x64xf32, #tpu.memory_space<hbm>>
        tpu.enqueue_indirect_dma source(%dma_start3A_342 : memref<20000x64xf32, #tpu.memory_space<hbm>>) target(%dma_start3A_336 : memref<80x64xf32, #tpu.memory_space<vmem>>) offsets(%dma_start3A_339 : memref<80xi32, #tpu.memory_space<vmem>>) semaphore(%arg12 : memref<!tpu.dma_semaphore, #tpu.memory_space<semaphore_mem>>)
      } else {
      }
      %mul3A_254 = arith.constant 5 : i32
      %mul3A_255 = arith.muli %add3A_160, %mul3A_254 : i32
      %add3A_256 = arith.constant 3 : i32
      %add3A_257 = arith.addi %mul3A_255, %add3A_256 : i32
      %dma_wait3A_258 = arith.constant 3 : i32
      %dma_wait3A_259 = arith.constant 3 : i32
      %dma_wait3A_260 = arith.constant 0 : i32
      %dma_wait3A_261 = arith.constant 0 : i32
      %dma_wait3A_262 = tpu.memref_slice %arg7[%dma_wait3A_259, %dma_wait3A_260, %dma_wait3A_261] : memref<5x80x64xf32, #tpu.memory_space<vmem>> -> memref<1x80x64xf32, #tpu.memory_space<vmem>>
      %dma_wait3A_263 = tpu.memref_squeeze %dma_wait3A_262 : memref<1x80x64xf32, #tpu.memory_space<vmem>> -> memref<80x64xf32, #tpu.memory_space<vmem>>
      %dma_wait3A_264 = arith.constant 0 : i32
      %dma_wait3A_265 = tpu.memref_slice %arg5[%dma_wait3A_258, %dma_wait3A_264] : memref<250x80xi32, #tpu.memory_space<vmem>> -> memref<1x80xi32, #tpu.memory_space<vmem>>
      %dma_wait3A_266 = tpu.memref_squeeze %dma_wait3A_265 : memref<1x80xi32, #tpu.memory_space<vmem>> -> memref<80xi32, #tpu.memory_space<vmem>>
      %dma_wait3A_267 = arith.constant 0 : i32
      %dma_wait3A_268 = arith.constant 0 : i32
      %dma_wait3A_269 = tpu.memref_slice %arg2[%dma_wait3A_267, %dma_wait3A_268] : memref<20000x64xf32, #tpu.memory_space<hbm>> -> memref<20000x64xf32, #tpu.memory_space<hbm>>
      tpu.wait_indirect_dma semaphore(%arg13 : memref<!tpu.dma_semaphore, #tpu.memory_space<semaphore_mem>>) src(%dma_wait3A_269 : memref<20000x64xf32, #tpu.memory_space<hbm>>) dst(%dma_wait3A_263 : memref<80x64xf32, #tpu.memory_space<vmem>>)
      %dma_start3A_270 = arith.constant 3 : i32
      %dma_start3A_271 = arith.constant 0 : i32
      %dma_start3A_272 = arith.constant 0 : i32
      %dma_start3A_273 = tpu.memref_slice %arg7[%dma_start3A_270, %dma_start3A_271, %dma_start3A_272] : memref<5x80x64xf32, #tpu.memory_space<vmem>> -> memref<1x80x64xf32, #tpu.memory_space<vmem>>
      %dma_start3A_274 = tpu.memref_squeeze %dma_start3A_273 : memref<1x80x64xf32, #tpu.memory_space<vmem>> -> memref<80x64xf32, #tpu.memory_space<vmem>>
      %dma_start3A_275 = arith.constant 0 : i32
      %dma_start3A_276 = tpu.memref_slice %arg6[%add3A_257, %dma_start3A_275] : memref<250x80xi32, #tpu.memory_space<vmem>> -> memref<1x80xi32, #tpu.memory_space<vmem>>
      %dma_start3A_277 = tpu.memref_squeeze %dma_start3A_276 : memref<1x80xi32, #tpu.memory_space<vmem>> -> memref<80xi32, #tpu.memory_space<vmem>>
      %dma_start3A_278 = arith.constant 0 : i32
      %dma_start3A_279 = arith.constant 0 : i32
      %dma_start3A_280 = tpu.memref_slice %arg9[%dma_start3A_278, %dma_start3A_279] : memref<10240x64xf32, #tpu.memory_space<vmem_shared>> -> memref<10240x64xf32, #tpu.memory_space<vmem_shared>>
      tpu.enqueue_indirect_dma source(%dma_start3A_274 : memref<80x64xf32, #tpu.memory_space<vmem>>) target(%dma_start3A_280 : memref<10240x64xf32, #tpu.memory_space<vmem_shared>>) offsets(%dma_start3A_277 : memref<80xi32, #tpu.memory_space<vmem>>) semaphore(%arg18 : memref<!tpu.dma_semaphore, #tpu.memory_space<semaphore_mem>>) {add = true}
      %lt3A_281 = arith.constant 49 : i32
      %lt3A_282 = arith.cmpi slt, %add3A_160, %lt3A_281 : i32
      %convert_element_type3A_283 = arith.extui %lt3A_282 : i1 to i32
      %cond3A_284 = arith.constant 0 : i32
      %cond3A_285 = arith.cmpi ne, %convert_element_type3A_283, %cond3A_284 : i32
      scf.if %cond3A_285 {
        %dma_wait3A_318 = arith.constant 3 : i32
        %dma_wait3A_319 = arith.constant 3 : i32
        %dma_wait3A_320 = arith.constant 0 : i32
        %dma_wait3A_321 = arith.constant 0 : i32
        %dma_wait3A_322 = tpu.memref_slice %arg7[%dma_wait3A_318, %dma_wait3A_320, %dma_wait3A_321] : memref<5x80x64xf32, #tpu.memory_space<vmem>> -> memref<1x80x64xf32, #tpu.memory_space<vmem>>
        %dma_wait3A_323 = tpu.memref_squeeze %dma_wait3A_322 : memref<1x80x64xf32, #tpu.memory_space<vmem>> -> memref<80x64xf32, #tpu.memory_space<vmem>>
        %dma_wait3A_324 = arith.constant 0 : i32
        %dma_wait3A_325 = tpu.memref_slice %arg6[%dma_wait3A_319, %dma_wait3A_324] : memref<250x80xi32, #tpu.memory_space<vmem>> -> memref<1x80xi32, #tpu.memory_space<vmem>>
        %dma_wait3A_326 = tpu.memref_squeeze %dma_wait3A_325 : memref<1x80xi32, #tpu.memory_space<vmem>> -> memref<80xi32, #tpu.memory_space<vmem>>
        %dma_wait3A_327 = arith.constant 0 : i32
        %dma_wait3A_328 = arith.constant 0 : i32
        %dma_wait3A_329 = tpu.memref_slice %arg9[%dma_wait3A_327, %dma_wait3A_328] : memref<10240x64xf32, #tpu.memory_space<vmem_shared>> -> memref<10240x64xf32, #tpu.memory_space<vmem_shared>>
        tpu.wait_indirect_dma semaphore(%arg18 : memref<!tpu.dma_semaphore, #tpu.memory_space<semaphore_mem>>) src(%dma_wait3A_323 : memref<80x64xf32, #tpu.memory_space<vmem>>) dst(%dma_wait3A_329 : memref<10240x64xf32, #tpu.memory_space<vmem_shared>>)
        %add3A_330 = arith.constant 5 : i32
        %add3A_331 = arith.addi %add3A_257, %add3A_330 : i32
        %dma_start3A_332 = arith.constant 3 : i32
        %dma_start3A_333 = arith.constant 0 : i32
        %dma_start3A_334 = arith.constant 0 : i32
        %dma_start3A_335 = tpu.memref_slice %arg7[%dma_start3A_332, %dma_start3A_333, %dma_start3A_334] : memref<5x80x64xf32, #tpu.memory_space<vmem>> -> memref<1x80x64xf32, #tpu.memory_space<vmem>>
        %dma_start3A_336 = tpu.memref_squeeze %dma_start3A_335 : memref<1x80x64xf32, #tpu.memory_space<vmem>> -> memref<80x64xf32, #tpu.memory_space<vmem>>
        %dma_start3A_337 = arith.constant 0 : i32
        %dma_start3A_338 = tpu.memref_slice %arg5[%add3A_331, %dma_start3A_337] : memref<250x80xi32, #tpu.memory_space<vmem>> -> memref<1x80xi32, #tpu.memory_space<vmem>>
        %dma_start3A_339 = tpu.memref_squeeze %dma_start3A_338 : memref<1x80xi32, #tpu.memory_space<vmem>> -> memref<80xi32, #tpu.memory_space<vmem>>
        %dma_start3A_340 = arith.constant 0 : i32
        %dma_start3A_341 = arith.constant 0 : i32
        %dma_start3A_342 = tpu.memref_slice %arg2[%dma_start3A_340, %dma_start3A_341] : memref<20000x64xf32, #tpu.memory_space<hbm>> -> memref<20000x64xf32, #tpu.memory_space<hbm>>
        tpu.enqueue_indirect_dma source(%dma_start3A_342 : memref<20000x64xf32, #tpu.memory_space<hbm>>) target(%dma_start3A_336 : memref<80x64xf32, #tpu.memory_space<vmem>>) offsets(%dma_start3A_339 : memref<80xi32, #tpu.memory_space<vmem>>) semaphore(%arg13 : memref<!tpu.dma_semaphore, #tpu.memory_space<semaphore_mem>>)
      } else {
      }
      %mul3A_286 = arith.constant 5 : i32
      %mul3A_287 = arith.muli %add3A_160, %mul3A_286 : i32
      %add3A_288 = arith.constant 4 : i32
      %add3A_289 = arith.addi %mul3A_287, %add3A_288 : i32
      %dma_wait3A_290 = arith.constant 4 : i32
      %dma_wait3A_291 = arith.constant 4 : i32
      %dma_wait3A_292 = arith.constant 0 : i32
      %dma_wait3A_293 = arith.constant 0 : i32
      %dma_wait3A_294 = tpu.memref_slice %arg7[%dma_wait3A_291, %dma_wait3A_292, %dma_wait3A_293] : memref<5x80x64xf32, #tpu.memory_space<vmem>> -> memref<1x80x64xf32, #tpu.memory_space<vmem>>
      %dma_wait3A_295 = tpu.memref_squeeze %dma_wait3A_294 : memref<1x80x64xf32, #tpu.memory_space<vmem>> -> memref<80x64xf32, #tpu.memory_space<vmem>>
      %dma_wait3A_296 = arith.constant 0 : i32
      %dma_wait3A_297 = tpu.memref_slice %arg5[%dma_wait3A_290, %dma_wait3A_296] : memref<250x80xi32, #tpu.memory_space<vmem>> -> memref<1x80xi32, #tpu.memory_space<vmem>>
      %dma_wait3A_298 = tpu.memref_squeeze %dma_wait3A_297 : memref<1x80xi32, #tpu.memory_space<vmem>> -> memref<80xi32, #tpu.memory_space<vmem>>
      %dma_wait3A_299 = arith.constant 0 : i32
      %dma_wait3A_300 = arith.constant 0 : i32
      %dma_wait3A_301 = tpu.memref_slice %arg2[%dma_wait3A_299, %dma_wait3A_300] : memref<20000x64xf32, #tpu.memory_space<hbm>> -> memref<20000x64xf32, #tpu.memory_space<hbm>>
      tpu.wait_indirect_dma semaphore(%arg14 : memref<!tpu.dma_semaphore, #tpu.memory_space<semaphore_mem>>) src(%dma_wait3A_301 : memref<20000x64xf32, #tpu.memory_space<hbm>>) dst(%dma_wait3A_295 : memref<80x64xf32, #tpu.memory_space<vmem>>)
      %dma_start3A_302 = arith.constant 4 : i32
      %dma_start3A_303 = arith.constant 0 : i32
      %dma_start3A_304 = arith.constant 0 : i32
      %dma_start3A_305 = tpu.memref_slice %arg7[%dma_start3A_302, %dma_start3A_303, %dma_start3A_304] : memref<5x80x64xf32, #tpu.memory_space<vmem>> -> memref<1x80x64xf32, #tpu.memory_space<vmem>>
      %dma_start3A_306 = tpu.memref_squeeze %dma_start3A_305 : memref<1x80x64xf32, #tpu.memory_space<vmem>> -> memref<80x64xf32, #tpu.memory_space<vmem>>
      %dma_start3A_307 = arith.constant 0 : i32
      %dma_start3A_308 = tpu.memref_slice %arg6[%add3A_289, %dma_start3A_307] : memref<250x80xi32, #tpu.memory_space<vmem>> -> memref<1x80xi32, #tpu.memory_space<vmem>>
      %dma_start3A_309 = tpu.memref_squeeze %dma_start3A_308 : memref<1x80xi32, #tpu.memory_space<vmem>> -> memref<80xi32, #tpu.memory_space<vmem>>
      %dma_start3A_310 = arith.constant 0 : i32
      %dma_start3A_311 = arith.constant 0 : i32
      %dma_start3A_312 = tpu.memref_slice %arg9[%dma_start3A_310, %dma_start3A_311] : memref<10240x64xf32, #tpu.memory_space<vmem_shared>> -> memref<10240x64xf32, #tpu.memory_space<vmem_shared>>
      tpu.enqueue_indirect_dma source(%dma_start3A_306 : memref<80x64xf32, #tpu.memory_space<vmem>>) target(%dma_start3A_312 : memref<10240x64xf32, #tpu.memory_space<vmem_shared>>) offsets(%dma_start3A_309 : memref<80xi32, #tpu.memory_space<vmem>>) semaphore(%arg19 : memref<!tpu.dma_semaphore, #tpu.memory_space<semaphore_mem>>) {add = true}
      %lt3A_313 = arith.constant 49 : i32
      %lt3A_314 = arith.cmpi slt, %add3A_160, %lt3A_313 : i32
      %convert_element_type3A_315 = arith.extui %lt3A_314 : i1 to i32
      %cond3A_316 = arith.constant 0 : i32
      %cond3A_317 = arith.cmpi ne, %convert_element_type3A_315, %cond3A_316 : i32
      scf.if %cond3A_317 {
        %dma_wait3A_318 = arith.constant 4 : i32
        %dma_wait3A_319 = arith.constant 4 : i32
        %dma_wait3A_320 = arith.constant 0 : i32
        %dma_wait3A_321 = arith.constant 0 : i32
        %dma_wait3A_322 = tpu.memref_slice %arg7[%dma_wait3A_318, %dma_wait3A_320, %dma_wait3A_321] : memref<5x80x64xf32, #tpu.memory_space<vmem>> -> memref<1x80x64xf32, #tpu.memory_space<vmem>>
        %dma_wait3A_323 = tpu.memref_squeeze %dma_wait3A_322 : memref<1x80x64xf32, #tpu.memory_space<vmem>> -> memref<80x64xf32, #tpu.memory_space<vmem>>
        %dma_wait3A_324 = arith.constant 0 : i32
        %dma_wait3A_325 = tpu.memref_slice %arg6[%dma_wait3A_319, %dma_wait3A_324] : memref<250x80xi32, #tpu.memory_space<vmem>> -> memref<1x80xi32, #tpu.memory_space<vmem>>
        %dma_wait3A_326 = tpu.memref_squeeze %dma_wait3A_325 : memref<1x80xi32, #tpu.memory_space<vmem>> -> memref<80xi32, #tpu.memory_space<vmem>>
        %dma_wait3A_327 = arith.constant 0 : i32
        %dma_wait3A_328 = arith.constant 0 : i32
        %dma_wait3A_329 = tpu.memref_slice %arg9[%dma_wait3A_327, %dma_wait3A_328] : memref<10240x64xf32, #tpu.memory_space<vmem_shared>> -> memref<10240x64xf32, #tpu.memory_space<vmem_shared>>
        tpu.wait_indirect_dma semaphore(%arg19 : memref<!tpu.dma_semaphore, #tpu.memory_space<semaphore_mem>>) src(%dma_wait3A_323 : memref<80x64xf32, #tpu.memory_space<vmem>>) dst(%dma_wait3A_329 : memref<10240x64xf32, #tpu.memory_space<vmem_shared>>)
        %add3A_330 = arith.constant 5 : i32
        %add3A_331 = arith.addi %add3A_289, %add3A_330 : i32
        %dma_start3A_332 = arith.constant 4 : i32
        %dma_start3A_333 = arith.constant 0 : i32
        %dma_start3A_334 = arith.constant 0 : i32
        %dma_start3A_335 = tpu.memref_slice %arg7[%dma_start3A_332, %dma_start3A_333, %dma_start3A_334] : memref<5x80x64xf32, #tpu.memory_space<vmem>> -> memref<1x80x64xf32, #tpu.memory_space<vmem>>
        %dma_start3A_336 = tpu.memref_squeeze %dma_start3A_335 : memref<1x80x64xf32, #tpu.memory_space<vmem>> -> memref<80x64xf32, #tpu.memory_space<vmem>>
        %dma_start3A_337 = arith.constant 0 : i32
        %dma_start3A_338 = tpu.memref_slice %arg5[%add3A_331, %dma_start3A_337] : memref<250x80xi32, #tpu.memory_space<vmem>> -> memref<1x80xi32, #tpu.memory_space<vmem>>
        %dma_start3A_339 = tpu.memref_squeeze %dma_start3A_338 : memref<1x80xi32, #tpu.memory_space<vmem>> -> memref<80xi32, #tpu.memory_space<vmem>>
        %dma_start3A_340 = arith.constant 0 : i32
        %dma_start3A_341 = arith.constant 0 : i32
        %dma_start3A_342 = tpu.memref_slice %arg2[%dma_start3A_340, %dma_start3A_341] : memref<20000x64xf32, #tpu.memory_space<hbm>> -> memref<20000x64xf32, #tpu.memory_space<hbm>>
        tpu.enqueue_indirect_dma source(%dma_start3A_342 : memref<20000x64xf32, #tpu.memory_space<hbm>>) target(%dma_start3A_336 : memref<80x64xf32, #tpu.memory_space<vmem>>) offsets(%dma_start3A_339 : memref<80xi32, #tpu.memory_space<vmem>>) semaphore(%arg14 : memref<!tpu.dma_semaphore, #tpu.memory_space<semaphore_mem>>)
      } else {
      }
    }
    %scan3A_93 = arith.constant 50 : i32
    %dma_wait3A = arith.constant 0 : i32
    %dma_wait3A_94 = arith.constant 0 : i32
    %dma_wait3A_95 = arith.constant 0 : i32
    %dma_wait3A_96 = arith.constant 0 : i32
    %dma_wait3A_97 = tpu.memref_slice %arg7[%dma_wait3A, %dma_wait3A_95, %dma_wait3A_96] : memref<5x80x64xf32, #tpu.memory_space<vmem>> -> memref<1x80x64xf32, #tpu.memory_space<vmem>>
    %dma_wait3A_98 = tpu.memref_squeeze %dma_wait3A_97 : memref<1x80x64xf32, #tpu.memory_space<vmem>> -> memref<80x64xf32, #tpu.memory_space<vmem>>
    %dma_wait3A_99 = arith.constant 0 : i32
    %dma_wait3A_100 = tpu.memref_slice %arg6[%dma_wait3A_94, %dma_wait3A_99] : memref<250x80xi32, #tpu.memory_space<vmem>> -> memref<1x80xi32, #tpu.memory_space<vmem>>
    %dma_wait3A_101 = tpu.memref_squeeze %dma_wait3A_100 : memref<1x80xi32, #tpu.memory_space<vmem>> -> memref<80xi32, #tpu.memory_space<vmem>>
    %dma_wait3A_102 = arith.constant 0 : i32
    %dma_wait3A_103 = arith.constant 0 : i32
    %dma_wait3A_104 = tpu.memref_slice %arg9[%dma_wait3A_102, %dma_wait3A_103] : memref<10240x64xf32, #tpu.memory_space<vmem_shared>> -> memref<10240x64xf32, #tpu.memory_space<vmem_shared>>
    tpu.wait_indirect_dma semaphore(%arg15 : memref<!tpu.dma_semaphore, #tpu.memory_space<semaphore_mem>>) src(%dma_wait3A_98 : memref<80x64xf32, #tpu.memory_space<vmem>>) dst(%dma_wait3A_104 : memref<10240x64xf32, #tpu.memory_space<vmem_shared>>)
    %dma_wait3A_105 = arith.constant 1 : i32
    %dma_wait3A_106 = arith.constant 1 : i32
    %dma_wait3A_107 = arith.constant 0 : i32
    %dma_wait3A_108 = arith.constant 0 : i32
    %dma_wait3A_109 = tpu.memref_slice %arg7[%dma_wait3A_105, %dma_wait3A_107, %dma_wait3A_108] : memref<5x80x64xf32, #tpu.memory_space<vmem>> -> memref<1x80x64xf32, #tpu.memory_space<vmem>>
    %dma_wait3A_110 = tpu.memref_squeeze %dma_wait3A_109 : memref<1x80x64xf32, #tpu.memory_space<vmem>> -> memref<80x64xf32, #tpu.memory_space<vmem>>
    %dma_wait3A_111 = arith.constant 0 : i32
    %dma_wait3A_112 = tpu.memref_slice %arg6[%dma_wait3A_106, %dma_wait3A_111] : memref<250x80xi32, #tpu.memory_space<vmem>> -> memref<1x80xi32, #tpu.memory_space<vmem>>
    %dma_wait3A_113 = tpu.memref_squeeze %dma_wait3A_112 : memref<1x80xi32, #tpu.memory_space<vmem>> -> memref<80xi32, #tpu.memory_space<vmem>>
    %dma_wait3A_114 = arith.constant 0 : i32
    %dma_wait3A_115 = arith.constant 0 : i32
    %dma_wait3A_116 = tpu.memref_slice %arg9[%dma_wait3A_114, %dma_wait3A_115] : memref<10240x64xf32, #tpu.memory_space<vmem_shared>> -> memref<10240x64xf32, #tpu.memory_space<vmem_shared>>
    tpu.wait_indirect_dma semaphore(%arg16 : memref<!tpu.dma_semaphore, #tpu.memory_space<semaphore_mem>>) src(%dma_wait3A_110 : memref<80x64xf32, #tpu.memory_space<vmem>>) dst(%dma_wait3A_116 : memref<10240x64xf32, #tpu.memory_space<vmem_shared>>)
    %dma_wait3A_117 = arith.constant 2 : i32
    %dma_wait3A_118 = arith.constant 2 : i32
    %dma_wait3A_119 = arith.constant 0 : i32
    %dma_wait3A_120 = arith.constant 0 : i32
    %dma_wait3A_121 = tpu.memref_slice %arg7[%dma_wait3A_117, %dma_wait3A_119, %dma_wait3A_120] : memref<5x80x64xf32, #tpu.memory_space<vmem>> -> memref<1x80x64xf32, #tpu.memory_space<vmem>>
    %dma_wait3A_122 = tpu.memref_squeeze %dma_wait3A_121 : memref<1x80x64xf32, #tpu.memory_space<vmem>> -> memref<80x64xf32, #tpu.memory_space<vmem>>
    %dma_wait3A_123 = arith.constant 0 : i32
    %dma_wait3A_124 = tpu.memref_slice %arg6[%dma_wait3A_118, %dma_wait3A_123] : memref<250x80xi32, #tpu.memory_space<vmem>> -> memref<1x80xi32, #tpu.memory_space<vmem>>
    %dma_wait3A_125 = tpu.memref_squeeze %dma_wait3A_124 : memref<1x80xi32, #tpu.memory_space<vmem>> -> memref<80xi32, #tpu.memory_space<vmem>>
    %dma_wait3A_126 = arith.constant 0 : i32
    %dma_wait3A_127 = arith.constant 0 : i32
    %dma_wait3A_128 = tpu.memref_slice %arg9[%dma_wait3A_126, %dma_wait3A_127] : memref<10240x64xf32, #tpu.memory_space<vmem_shared>> -> memref<10240x64xf32, #tpu.memory_space<vmem_shared>>
    tpu.wait_indirect_dma semaphore(%arg17 : memref<!tpu.dma_semaphore, #tpu.memory_space<semaphore_mem>>) src(%dma_wait3A_122 : memref<80x64xf32, #tpu.memory_space<vmem>>) dst(%dma_wait3A_128 : memref<10240x64xf32, #tpu.memory_space<vmem_shared>>)
    %dma_wait3A_129 = arith.constant 3 : i32
    %dma_wait3A_130 = arith.constant 3 : i32
    %dma_wait3A_131 = arith.constant 0 : i32
    %dma_wait3A_132 = arith.constant 0 : i32
    %dma_wait3A_133 = tpu.memref_slice %arg7[%dma_wait3A_129, %dma_wait3A_131, %dma_wait3A_132] : memref<5x80x64xf32, #tpu.memory_space<vmem>> -> memref<1x80x64xf32, #tpu.memory_space<vmem>>
    %dma_wait3A_134 = tpu.memref_squeeze %dma_wait3A_133 : memref<1x80x64xf32, #tpu.memory_space<vmem>> -> memref<80x64xf32, #tpu.memory_space<vmem>>
    %dma_wait3A_135 = arith.constant 0 : i32
    %dma_wait3A_136 = tpu.memref_slice %arg6[%dma_wait3A_130, %dma_wait3A_135] : memref<250x80xi32, #tpu.memory_space<vmem>> -> memref<1x80xi32, #tpu.memory_space<vmem>>
    %dma_wait3A_137 = tpu.memref_squeeze %dma_wait3A_136 : memref<1x80xi32, #tpu.memory_space<vmem>> -> memref<80xi32, #tpu.memory_space<vmem>>
    %dma_wait3A_138 = arith.constant 0 : i32
    %dma_wait3A_139 = arith.constant 0 : i32
    %dma_wait3A_140 = tpu.memref_slice %arg9[%dma_wait3A_138, %dma_wait3A_139] : memref<10240x64xf32, #tpu.memory_space<vmem_shared>> -> memref<10240x64xf32, #tpu.memory_space<vmem_shared>>
    tpu.wait_indirect_dma semaphore(%arg18 : memref<!tpu.dma_semaphore, #tpu.memory_space<semaphore_mem>>) src(%dma_wait3A_134 : memref<80x64xf32, #tpu.memory_space<vmem>>) dst(%dma_wait3A_140 : memref<10240x64xf32, #tpu.memory_space<vmem_shared>>)
    %dma_wait3A_141 = arith.constant 4 : i32
    %dma_wait3A_142 = arith.constant 4 : i32
    %dma_wait3A_143 = arith.constant 0 : i32
    %dma_wait3A_144 = arith.constant 0 : i32
    %dma_wait3A_145 = tpu.memref_slice %arg7[%dma_wait3A_141, %dma_wait3A_143, %dma_wait3A_144] : memref<5x80x64xf32, #tpu.memory_space<vmem>> -> memref<1x80x64xf32, #tpu.memory_space<vmem>>
    %dma_wait3A_146 = tpu.memref_squeeze %dma_wait3A_145 : memref<1x80x64xf32, #tpu.memory_space<vmem>> -> memref<80x64xf32, #tpu.memory_space<vmem>>
    %dma_wait3A_147 = arith.constant 0 : i32
    %dma_wait3A_148 = tpu.memref_slice %arg6[%dma_wait3A_142, %dma_wait3A_147] : memref<250x80xi32, #tpu.memory_space<vmem>> -> memref<1x80xi32, #tpu.memory_space<vmem>>
    %dma_wait3A_149 = tpu.memref_squeeze %dma_wait3A_148 : memref<1x80xi32, #tpu.memory_space<vmem>> -> memref<80xi32, #tpu.memory_space<vmem>>
    %dma_wait3A_150 = arith.constant 0 : i32
    %dma_wait3A_151 = arith.constant 0 : i32
    %dma_wait3A_152 = tpu.memref_slice %arg9[%dma_wait3A_150, %dma_wait3A_151] : memref<10240x64xf32, #tpu.memory_space<vmem_shared>> -> memref<10240x64xf32, #tpu.memory_space<vmem_shared>>
    tpu.wait_indirect_dma semaphore(%arg19 : memref<!tpu.dma_semaphore, #tpu.memory_space<semaphore_mem>>) src(%dma_wait3A_146 : memref<80x64xf32, #tpu.memory_space<vmem>>) dst(%dma_wait3A_152 : memref<10240x64xf32, #tpu.memory_space<vmem_shared>>)
    %barrier3A_153 = arith.constant 0 : index
    tpu.barrier barrier_id(%barrier3A_153)
    %mul3A_154 = arith.constant 64 : i32
    %mul3A_155 = arith.muli %arg0, %mul3A_154 : i32
    "tpu.region"() ({
      %run_scoped3A_156 = tpu.sem_alloc : memref<!tpu.dma_semaphore, #tpu.memory_space<semaphore_mem>>
      %dma_start3A_157 = tpu.memref_slice %arg4[%mul3A_0, %mul3A_155] : memref<10240x128xf32, #tpu.memory_space<hbm>> -> memref<640x64xf32, #tpu.memory_space<hbm>>
      %dma_start3A_158 = arith.constant 0 : i32
      %dma_start3A_159 = tpu.memref_slice %arg9[%mul3A_0, %dma_start3A_158] : memref<10240x64xf32, #tpu.memory_space<vmem_shared>> -> memref<640x64xf32, #tpu.memory_space<vmem_shared>>
      tpu.enqueue_dma source(%dma_start3A_159 : memref<640x64xf32, #tpu.memory_space<vmem_shared>>) target(%dma_start3A_157 : memref<640x64xf32, #tpu.memory_space<hbm>>) target_semaphore(%run_scoped3A_156 : memref<!tpu.dma_semaphore, #tpu.memory_space<semaphore_mem>>)
      %dma_wait3A_160 = tpu.memref_slice %arg4[%mul3A_0, %mul3A_155] : memref<10240x128xf32, #tpu.memory_space<hbm>> -> memref<640x64xf32, #tpu.memory_space<hbm>>
      %dma_wait3A_161 = arith.constant 0 : i32
      %dma_wait3A_162 = tpu.memref_slice %arg9[%mul3A_0, %dma_wait3A_161] : memref<10240x64xf32, #tpu.memory_space<vmem_shared>> -> memref<640x64xf32, #tpu.memory_space<vmem_shared>>
      tpu.wait_dma2 semaphore(%run_scoped3A_156 : memref<!tpu.dma_semaphore, #tpu.memory_space<semaphore_mem>>) src(%dma_wait3A_162 : memref<640x64xf32, #tpu.memory_space<vmem_shared>>) dst(%dma_wait3A_160 : memref<640x64xf32, #tpu.memory_space<hbm>>)
      tpu.yield
    }) : () -> ()
    return
  }
}

#map = affine_map<(d0, d1) -> (0, 0, 0, 0)>
#map1 = affine_map<(d0, d1) -> (0, 0, 0)>
module attributes {stable_mosaic.version = 14 : i64} {
  func.func @body(%arg0: i32, %arg1: i32, %arg2: memref<2x16x250x80xi32, #tpu.memory_space<hbm>>, %arg3: memref<2x10240x16xf32, #tpu.memory_space<hbm>>, %arg4: memref<125x80xi32, #tpu.memory_space<vmem>>, %arg5: memref<80x16xf32, #tpu.memory_space<vmem>>, %arg6: memref<128x16xf32, #tpu.memory_space<vmem>>, %arg7: memref<10240x16xf32, #tpu.memory_space<vmem_shared>>, %arg8: memref<!tpu.dma_semaphore, #tpu.memory_space<semaphore_mem>>, %arg9: memref<!tpu.dma_semaphore, #tpu.memory_space<semaphore_mem>>, %arg10: memref<!tpu.dma_semaphore, #tpu.memory_space<semaphore_mem>>, %arg11: memref<!tpu.dma_semaphore, #tpu.memory_space<semaphore_mem>>, %arg12: memref<!tpu.dma_semaphore, #tpu.memory_space<semaphore_mem>>) attributes {dimension_semantics = [#tpu.dimension_semantics<core_parallel>, #tpu.dimension_semantics<subcore_parallel>], iteration_bounds = array<i64: 2, 16>, scalar_prefetch = 0 : i64, scratch_operands = 9 : i64, tpu.core_type = #tpu.core_type<sc_vector_subcore>, window_params = [{transform_indices = #map}, {transform_indices = #map1}]} {
    %mul3A = arith.constant 640 : i32
    %mul3A_0 = arith.muli %arg1, %mul3A : i32
    %scan3A = arith.constant 0 : i32
    %scan3A_1 = arith.constant 128 : i32
    %scan3A_2 = arith.addi %scan3A, %scan3A_1 : i32
    %scan3A_3 = arith.constant 1 : i32
    scf.for %scan3A_71 = %scan3A to %scan3A_2 step %scan3A_3  : i32 {
      %mul3A_72 = arith.constant 1 : i32
      %mul3A_73 = arith.muli %scan3A_71, %mul3A_72 : i32
      %add3A_74 = arith.constant 0 : i32
      %add3A_75 = arith.addi %add3A_74, %mul3A_73 : i32
      %broadcast_in_dim3A = arith.constant 0.000000e+00 : f32
      %broadcast_in_dim3A_76 = vector.broadcast %broadcast_in_dim3A : f32 to vector<1x16xf32>
      %swap3A = arith.index_cast %add3A_75 : i32 to index
      %swap3A_77 = arith.constant 0 : index
      %swap3A_78 = tpu.vector_load %arg6[%swap3A, %swap3A_77] {strides = array<i32>} : memref<128x16xf32, #tpu.memory_space<vmem>>, vector<1x16xf32>,
      %swap3A_79 = vector.shape_cast %swap3A_78 : vector<1x16xf32> to vector<1x16xf32>
      %swap3A_80 = vector.shape_cast %broadcast_in_dim3A_76 : vector<1x16xf32> to vector<1x16xf32>
      tpu.vector_store %arg6[%swap3A, %swap3A_77], %swap3A_80 {strides = array<i32>} : memref<128x16xf32, #tpu.memory_space<vmem>>, vector<1x16xf32>,
    }
    %scan3A_4 = arith.constant 128 : i32
    %scan3A_5 = arith.constant 0 : i32
    %scan3A_6 = arith.constant 80 : i32
    %scan3A_7 = arith.addi %scan3A_5, %scan3A_6 : i32
    %scan3A_8 = arith.constant 1 : i32
    scf.for %scan3A_71 = %scan3A_5 to %scan3A_7 step %scan3A_8  : i32 {
      %mul3A_72 = arith.constant 1 : i32
      %mul3A_73 = arith.muli %scan3A_71, %mul3A_72 : i32
      %add3A_74 = arith.constant 0 : i32
      %add3A_75 = arith.addi %add3A_74, %mul3A_73 : i32
      %broadcast_in_dim3A = arith.constant 1.000000e+00 : f32
      %broadcast_in_dim3A_76 = vector.broadcast %broadcast_in_dim3A : f32 to vector<1x16xf32>
      %swap3A = arith.index_cast %add3A_75 : i32 to index
      %swap3A_77 = arith.constant 0 : index
      %swap3A_78 = tpu.vector_load %arg5[%swap3A, %swap3A_77] {strides = array<i32>} : memref<80x16xf32, #tpu.memory_space<vmem>>, vector<1x16xf32>,
      %swap3A_79 = vector.shape_cast %swap3A_78 : vector<1x16xf32> to vector<1x16xf32>
      %swap3A_80 = vector.shape_cast %broadcast_in_dim3A_76 : vector<1x16xf32> to vector<1x16xf32>
      tpu.vector_store %arg5[%swap3A, %swap3A_77], %swap3A_80 {strides = array<i32>} : memref<80x16xf32, #tpu.memory_space<vmem>>, vector<1x16xf32>,
    }
    %scan3A_9 = arith.constant 80 : i32
    %mul3A_10 = arith.constant 640 : i32
    %mul3A_11 = arith.muli %arg1, %mul3A_10 : i32
    %add3A = arith.constant 0 : i32
    %add3A_12 = arith.addi %mul3A_11, %add3A : i32
    "tpu.region"() ({
      %run_scoped3A_71 = tpu.sem_alloc : memref<!tpu.dma_semaphore, #tpu.memory_space<semaphore_mem>>
      %dma_start3A = arith.constant 0 : i32
      %dma_start3A_72 = tpu.memref_slice %arg7[%add3A_12, %dma_start3A] : memref<10240x16xf32, #tpu.memory_space<vmem_shared>> -> memref<128x16xf32, #tpu.memory_space<vmem_shared>>
      %dma_start3A_73 = arith.constant 0 : i32
      %dma_start3A_74 = tpu.memref_slice %arg7[%add3A_12, %dma_start3A_73] : memref<10240x16xf32, #tpu.memory_space<vmem_shared>> -> memref<128x16xf32, #tpu.memory_space<vmem_shared>>
      tpu.enqueue_dma source(%arg6 : memref<128x16xf32, #tpu.memory_space<vmem>>) target(%dma_start3A_74 : memref<128x16xf32, #tpu.memory_space<vmem_shared>>) target_semaphore(%run_scoped3A_71 : memref<!tpu.dma_semaphore, #tpu.memory_space<semaphore_mem>>)
      %dma_wait3A_75 = arith.constant 0 : i32
      %dma_wait3A_76 = tpu.memref_slice %arg7[%add3A_12, %dma_wait3A_75] : memref<10240x16xf32, #tpu.memory_space<vmem_shared>> -> memref<128x16xf32, #tpu.memory_space<vmem_shared>>
      %dma_wait3A_77 = arith.constant 0 : i32
      %dma_wait3A_78 = tpu.memref_slice %arg7[%add3A_12, %dma_wait3A_77] : memref<10240x16xf32, #tpu.memory_space<vmem_shared>> -> memref<128x16xf32, #tpu.memory_space<vmem_shared>>
      tpu.wait_dma2 semaphore(%run_scoped3A_71 : memref<!tpu.dma_semaphore, #tpu.memory_space<semaphore_mem>>) src(%arg6 : memref<128x16xf32, #tpu.memory_space<vmem>>) dst(%dma_wait3A_78 : memref<128x16xf32, #tpu.memory_space<vmem_shared>>)
      tpu.yield
    }) : () -> ()
    %mul3A_13 = arith.constant 640 : i32
    %mul3A_14 = arith.muli %arg1, %mul3A_13 : i32
    %add3A_15 = arith.constant 128 : i32
    %add3A_16 = arith.addi %mul3A_14, %add3A_15 : i32
    "tpu.region"() ({
      %run_scoped3A_71 = tpu.sem_alloc : memref<!tpu.dma_semaphore, #tpu.memory_space<semaphore_mem>>
      %dma_start3A = arith.constant 0 : i32
      %dma_start3A_72 = tpu.memref_slice %arg7[%add3A_16, %dma_start3A] : memref<10240x16xf32, #tpu.memory_space<vmem_shared>> -> memref<128x16xf32, #tpu.memory_space<vmem_shared>>
      %dma_start3A_73 = arith.constant 0 : i32
      %dma_start3A_74 = tpu.memref_slice %arg7[%add3A_16, %dma_start3A_73] : memref<10240x16xf32, #tpu.memory_space<vmem_shared>> -> memref<128x16xf32, #tpu.memory_space<vmem_shared>>
      tpu.enqueue_dma source(%arg6 : memref<128x16xf32, #tpu.memory_space<vmem>>) target(%dma_start3A_74 : memref<128x16xf32, #tpu.memory_space<vmem_shared>>) target_semaphore(%run_scoped3A_71 : memref<!tpu.dma_semaphore, #tpu.memory_space<semaphore_mem>>)
      %dma_wait3A_75 = arith.constant 0 : i32
      %dma_wait3A_76 = tpu.memref_slice %arg7[%add3A_16, %dma_wait3A_75] : memref<10240x16xf32, #tpu.memory_space<vmem_shared>> -> memref<128x16xf32, #tpu.memory_space<vmem_shared>>
      %dma_wait3A_77 = arith.constant 0 : i32
      %dma_wait3A_78 = tpu.memref_slice %arg7[%add3A_16, %dma_wait3A_77] : memref<10240x16xf32, #tpu.memory_space<vmem_shared>> -> memref<128x16xf32, #tpu.memory_space<vmem_shared>>
      tpu.wait_dma2 semaphore(%run_scoped3A_71 : memref<!tpu.dma_semaphore, #tpu.memory_space<semaphore_mem>>) src(%arg6 : memref<128x16xf32, #tpu.memory_space<vmem>>) dst(%dma_wait3A_78 : memref<128x16xf32, #tpu.memory_space<vmem_shared>>)
      tpu.yield
    }) : () -> ()
    %mul3A_17 = arith.constant 640 : i32
    %mul3A_18 = arith.muli %arg1, %mul3A_17 : i32
    %add3A_19 = arith.constant 256 : i32
    %add3A_20 = arith.addi %mul3A_18, %add3A_19 : i32
    "tpu.region"() ({
      %run_scoped3A_71 = tpu.sem_alloc : memref<!tpu.dma_semaphore, #tpu.memory_space<semaphore_mem>>
      %dma_start3A = arith.constant 0 : i32
      %dma_start3A_72 = tpu.memref_slice %arg7[%add3A_20, %dma_start3A] : memref<10240x16xf32, #tpu.memory_space<vmem_shared>> -> memref<128x16xf32, #tpu.memory_space<vmem_shared>>
      %dma_start3A_73 = arith.constant 0 : i32
      %dma_start3A_74 = tpu.memref_slice %arg7[%add3A_20, %dma_start3A_73] : memref<10240x16xf32, #tpu.memory_space<vmem_shared>> -> memref<128x16xf32, #tpu.memory_space<vmem_shared>>
      tpu.enqueue_dma source(%arg6 : memref<128x16xf32, #tpu.memory_space<vmem>>) target(%dma_start3A_74 : memref<128x16xf32, #tpu.memory_space<vmem_shared>>) target_semaphore(%run_scoped3A_71 : memref<!tpu.dma_semaphore, #tpu.memory_space<semaphore_mem>>)
      %dma_wait3A_75 = arith.constant 0 : i32
      %dma_wait3A_76 = tpu.memref_slice %arg7[%add3A_20, %dma_wait3A_75] : memref<10240x16xf32, #tpu.memory_space<vmem_shared>> -> memref<128x16xf32, #tpu.memory_space<vmem_shared>>
      %dma_wait3A_77 = arith.constant 0 : i32
      %dma_wait3A_78 = tpu.memref_slice %arg7[%add3A_20, %dma_wait3A_77] : memref<10240x16xf32, #tpu.memory_space<vmem_shared>> -> memref<128x16xf32, #tpu.memory_space<vmem_shared>>
      tpu.wait_dma2 semaphore(%run_scoped3A_71 : memref<!tpu.dma_semaphore, #tpu.memory_space<semaphore_mem>>) src(%arg6 : memref<128x16xf32, #tpu.memory_space<vmem>>) dst(%dma_wait3A_78 : memref<128x16xf32, #tpu.memory_space<vmem_shared>>)
      tpu.yield
    }) : () -> ()
    %mul3A_21 = arith.constant 640 : i32
    %mul3A_22 = arith.muli %arg1, %mul3A_21 : i32
    %add3A_23 = arith.constant 384 : i32
    %add3A_24 = arith.addi %mul3A_22, %add3A_23 : i32
    "tpu.region"() ({
      %run_scoped3A_71 = tpu.sem_alloc : memref<!tpu.dma_semaphore, #tpu.memory_space<semaphore_mem>>
      %dma_start3A = arith.constant 0 : i32
      %dma_start3A_72 = tpu.memref_slice %arg7[%add3A_24, %dma_start3A] : memref<10240x16xf32, #tpu.memory_space<vmem_shared>> -> memref<128x16xf32, #tpu.memory_space<vmem_shared>>
      %dma_start3A_73 = arith.constant 0 : i32
      %dma_start3A_74 = tpu.memref_slice %arg7[%add3A_24, %dma_start3A_73] : memref<10240x16xf32, #tpu.memory_space<vmem_shared>> -> memref<128x16xf32, #tpu.memory_space<vmem_shared>>
      tpu.enqueue_dma source(%arg6 : memref<128x16xf32, #tpu.memory_space<vmem>>) target(%dma_start3A_74 : memref<128x16xf32, #tpu.memory_space<vmem_shared>>) target_semaphore(%run_scoped3A_71 : memref<!tpu.dma_semaphore, #tpu.memory_space<semaphore_mem>>)
      %dma_wait3A_75 = arith.constant 0 : i32
      %dma_wait3A_76 = tpu.memref_slice %arg7[%add3A_24, %dma_wait3A_75] : memref<10240x16xf32, #tpu.memory_space<vmem_shared>> -> memref<128x16xf32, #tpu.memory_space<vmem_shared>>
      %dma_wait3A_77 = arith.constant 0 : i32
      %dma_wait3A_78 = tpu.memref_slice %arg7[%add3A_24, %dma_wait3A_77] : memref<10240x16xf32, #tpu.memory_space<vmem_shared>> -> memref<128x16xf32, #tpu.memory_space<vmem_shared>>
      tpu.wait_dma2 semaphore(%run_scoped3A_71 : memref<!tpu.dma_semaphore, #tpu.memory_space<semaphore_mem>>) src(%arg6 : memref<128x16xf32, #tpu.memory_space<vmem>>) dst(%dma_wait3A_78 : memref<128x16xf32, #tpu.memory_space<vmem_shared>>)
      tpu.yield
    }) : () -> ()
    %mul3A_25 = arith.constant 640 : i32
    %mul3A_26 = arith.muli %arg1, %mul3A_25 : i32
    %add3A_27 = arith.constant 512 : i32
    %add3A_28 = arith.addi %mul3A_26, %add3A_27 : i32
    "tpu.region"() ({
      %run_scoped3A_71 = tpu.sem_alloc : memref<!tpu.dma_semaphore, #tpu.memory_space<semaphore_mem>>
      %dma_start3A = arith.constant 0 : i32
      %dma_start3A_72 = tpu.memref_slice %arg7[%add3A_28, %dma_start3A] : memref<10240x16xf32, #tpu.memory_space<vmem_shared>> -> memref<128x16xf32, #tpu.memory_space<vmem_shared>>
      %dma_start3A_73 = arith.constant 0 : i32
      %dma_start3A_74 = tpu.memref_slice %arg7[%add3A_28, %dma_start3A_73] : memref<10240x16xf32, #tpu.memory_space<vmem_shared>> -> memref<128x16xf32, #tpu.memory_space<vmem_shared>>
      tpu.enqueue_dma source(%arg6 : memref<128x16xf32, #tpu.memory_space<vmem>>) target(%dma_start3A_74 : memref<128x16xf32, #tpu.memory_space<vmem_shared>>) target_semaphore(%run_scoped3A_71 : memref<!tpu.dma_semaphore, #tpu.memory_space<semaphore_mem>>)
      %dma_wait3A_75 = arith.constant 0 : i32
      %dma_wait3A_76 = tpu.memref_slice %arg7[%add3A_28, %dma_wait3A_75] : memref<10240x16xf32, #tpu.memory_space<vmem_shared>> -> memref<128x16xf32, #tpu.memory_space<vmem_shared>>
      %dma_wait3A_77 = arith.constant 0 : i32
      %dma_wait3A_78 = tpu.memref_slice %arg7[%add3A_28, %dma_wait3A_77] : memref<10240x16xf32, #tpu.memory_space<vmem_shared>> -> memref<128x16xf32, #tpu.memory_space<vmem_shared>>
      tpu.wait_dma2 semaphore(%run_scoped3A_71 : memref<!tpu.dma_semaphore, #tpu.memory_space<semaphore_mem>>) src(%arg6 : memref<128x16xf32, #tpu.memory_space<vmem>>) dst(%dma_wait3A_78 : memref<128x16xf32, #tpu.memory_space<vmem_shared>>)
      tpu.yield
    }) : () -> ()
    %mul3A_29 = arith.constant 125 : i32
    %mul3A_30 = arith.muli %arg0, %mul3A_29 : i32
    %run_scoped3A = arith.constant 1 : i32
    "tpu.region"() ({
      %run_scoped3A_71 = tpu.sem_alloc : memref<!tpu.dma_semaphore, #tpu.memory_space<semaphore_mem>>
      %dma_start3A = arith.constant 0 : i32
      %dma_start3A_72 = tpu.memref_slice %arg2[%run_scoped3A, %arg1, %mul3A_30, %dma_start3A] : memref<2x16x250x80xi32, #tpu.memory_space<hbm>> -> memref<1x1x125x80xi32, #tpu.memory_space<hbm>>
      %dma_start3A_73 = tpu.memref_squeeze %dma_start3A_72 : memref<1x1x125x80xi32, #tpu.memory_space<hbm>> -> memref<125x80xi32, #tpu.memory_space<hbm>>
      %dma_start3A_74 = arith.constant 0 : i32
      %dma_start3A_75 = tpu.memref_slice %arg2[%run_scoped3A, %arg1, %mul3A_30, %dma_start3A_74] : memref<2x16x250x80xi32, #tpu.memory_space<hbm>> -> memref<1x1x125x80xi32, #tpu.memory_space<hbm>>
      %dma_start3A_76 = tpu.memref_squeeze %dma_start3A_75 : memref<1x1x125x80xi32, #tpu.memory_space<hbm>> -> memref<125x80xi32, #tpu.memory_space<hbm>>
      tpu.enqueue_dma source(%dma_start3A_76 : memref<125x80xi32, #tpu.memory_space<hbm>>) target(%arg4 : memref<125x80xi32, #tpu.memory_space<vmem>>) target_semaphore(%run_scoped3A_71 : memref<!tpu.dma_semaphore, #tpu.memory_space<semaphore_mem>>)
      %dma_wait3A_77 = arith.constant 0 : i32
      %dma_wait3A_78 = tpu.memref_slice %arg2[%run_scoped3A, %arg1, %mul3A_30, %dma_wait3A_77] : memref<2x16x250x80xi32, #tpu.memory_space<hbm>> -> memref<1x1x125x80xi32, #tpu.memory_space<hbm>>
      %dma_wait3A_79 = tpu.memref_squeeze %dma_wait3A_78 : memref<1x1x125x80xi32, #tpu.memory_space<hbm>> -> memref<125x80xi32, #tpu.memory_space<hbm>>
      %dma_wait3A_80 = arith.constant 0 : i32
      %dma_wait3A_81 = tpu.memref_slice %arg2[%run_scoped3A, %arg1, %mul3A_30, %dma_wait3A_80] : memref<2x16x250x80xi32, #tpu.memory_space<hbm>> -> memref<1x1x125x80xi32, #tpu.memory_space<hbm>>
      %dma_wait3A_82 = tpu.memref_squeeze %dma_wait3A_81 : memref<1x1x125x80xi32, #tpu.memory_space<hbm>> -> memref<125x80xi32, #tpu.memory_space<hbm>>
      tpu.wait_dma2 semaphore(%run_scoped3A_71 : memref<!tpu.dma_semaphore, #tpu.memory_space<semaphore_mem>>) src(%dma_wait3A_82 : memref<125x80xi32, #tpu.memory_space<hbm>>) dst(%arg4 : memref<125x80xi32, #tpu.memory_space<vmem>>)
      tpu.yield
    }) : () -> ()
    %barrier3A = arith.constant 0 : index
    tpu.barrier barrier_id(%barrier3A)
    %scan3A_31 = arith.constant 0 : i32
    %scan3A_32 = arith.constant 25 : i32
    %scan3A_33 = arith.addi %scan3A_31, %scan3A_32 : i32
    %scan3A_34 = arith.constant 1 : i32
    scf.for %scan3A_71 = %scan3A_31 to %scan3A_33 step %scan3A_34  : i32 {
      %mul3A_72 = arith.constant 1 : i32
      %mul3A_73 = arith.muli %scan3A_71, %mul3A_72 : i32
      %add3A_74 = arith.constant 0 : i32
      %add3A_75 = arith.addi %add3A_74, %mul3A_73 : i32
      %mul3A_76 = arith.constant 5 : i32
      %mul3A_77 = arith.muli %add3A_75, %mul3A_76 : i32
      %add3A_78 = arith.constant 0 : i32
      %add3A_79 = arith.addi %mul3A_77, %add3A_78 : i32
      %gt3A = arith.constant 0 : i32
      %gt3A_80 = arith.cmpi sgt, %add3A_75, %gt3A : i32
      %convert_element_type3A = arith.extui %gt3A_80 : i1 to i32
      %cond3A = arith.constant 0 : i32
      %cond3A_81 = arith.cmpi ne, %convert_element_type3A, %cond3A : i32
      scf.if %cond3A_81 {
        %dma_wait3A_147 = arith.constant 0 : i32
        %dma_wait3A_148 = arith.constant 0 : i32
        %dma_wait3A_149 = tpu.memref_slice %arg4[%dma_wait3A_147, %dma_wait3A_148] : memref<125x80xi32, #tpu.memory_space<vmem>> -> memref<1x80xi32, #tpu.memory_space<vmem>>
        %dma_wait3A_150 = tpu.memref_squeeze %dma_wait3A_149 : memref<1x80xi32, #tpu.memory_space<vmem>> -> memref<80xi32, #tpu.memory_space<vmem>>
        %dma_wait3A_151 = arith.constant 0 : i32
        %dma_wait3A_152 = arith.constant 0 : i32
        %dma_wait3A_153 = tpu.memref_slice %arg7[%dma_wait3A_151, %dma_wait3A_152] : memref<10240x16xf32, #tpu.memory_space<vmem_shared>> -> memref<10240x16xf32, #tpu.memory_space<vmem_shared>>
        tpu.wait_indirect_dma semaphore(%arg8 : memref<!tpu.dma_semaphore, #tpu.memory_space<semaphore_mem>>) src(%arg5 : memref<80x16xf32, #tpu.memory_space<vmem>>) dst(%dma_wait3A_153 : memref<10240x16xf32, #tpu.memory_space<vmem_shared>>)
      } else {
      }
      %dma_start3A = arith.constant 0 : i32
      %dma_start3A_82 = tpu.memref_slice %arg4[%add3A_79, %dma_start3A] : memref<125x80xi32, #tpu.memory_space<vmem>> -> memref<1x80xi32, #tpu.memory_space<vmem>>
      %dma_start3A_83 = tpu.memref_squeeze %dma_start3A_82 : memref<1x80xi32, #tpu.memory_space<vmem>> -> memref<80xi32, #tpu.memory_space<vmem>>
      %dma_start3A_84 = arith.constant 0 : i32
      %dma_start3A_85 = arith.constant 0 : i32
      %dma_start3A_86 = tpu.memref_slice %arg7[%dma_start3A_84, %dma_start3A_85] : memref<10240x16xf32, #tpu.memory_space<vmem_shared>> -> memref<10240x16xf32, #tpu.memory_space<vmem_shared>>
      tpu.enqueue_indirect_dma source(%arg5 : memref<80x16xf32, #tpu.memory_space<vmem>>) target(%dma_start3A_86 : memref<10240x16xf32, #tpu.memory_space<vmem_shared>>) offsets(%dma_start3A_83 : memref<80xi32, #tpu.memory_space<vmem>>) semaphore(%arg8 : memref<!tpu.dma_semaphore, #tpu.memory_space<semaphore_mem>>) {add = true}
      %mul3A_87 = arith.constant 5 : i32
      %mul3A_88 = arith.muli %add3A_75, %mul3A_87 : i32
      %add3A_89 = arith.constant 1 : i32
      %add3A_90 = arith.addi %mul3A_88, %add3A_89 : i32
      %gt3A_91 = arith.constant 0 : i32
      %gt3A_92 = arith.cmpi sgt, %add3A_75, %gt3A_91 : i32
      %convert_element_type3A_93 = arith.extui %gt3A_92 : i1 to i32
      %cond3A_94 = arith.constant 0 : i32
      %cond3A_95 = arith.cmpi ne, %convert_element_type3A_93, %cond3A_94 : i32
      scf.if %cond3A_95 {
        %dma_wait3A_147 = arith.constant 1 : i32
        %dma_wait3A_148 = arith.constant 0 : i32
        %dma_wait3A_149 = tpu.memref_slice %arg4[%dma_wait3A_147, %dma_wait3A_148] : memref<125x80xi32, #tpu.memory_space<vmem>> -> memref<1x80xi32, #tpu.memory_space<vmem>>
        %dma_wait3A_150 = tpu.memref_squeeze %dma_wait3A_149 : memref<1x80xi32, #tpu.memory_space<vmem>> -> memref<80xi32, #tpu.memory_space<vmem>>
        %dma_wait3A_151 = arith.constant 0 : i32
        %dma_wait3A_152 = arith.constant 0 : i32
        %dma_wait3A_153 = tpu.memref_slice %arg7[%dma_wait3A_151, %dma_wait3A_152] : memref<10240x16xf32, #tpu.memory_space<vmem_shared>> -> memref<10240x16xf32, #tpu.memory_space<vmem_shared>>
        tpu.wait_indirect_dma semaphore(%arg9 : memref<!tpu.dma_semaphore, #tpu.memory_space<semaphore_mem>>) src(%arg5 : memref<80x16xf32, #tpu.memory_space<vmem>>) dst(%dma_wait3A_153 : memref<10240x16xf32, #tpu.memory_space<vmem_shared>>)
      } else {
      }
      %dma_start3A_96 = arith.constant 0 : i32
      %dma_start3A_97 = tpu.memref_slice %arg4[%add3A_90, %dma_start3A_96] : memref<125x80xi32, #tpu.memory_space<vmem>> -> memref<1x80xi32, #tpu.memory_space<vmem>>
      %dma_start3A_98 = tpu.memref_squeeze %dma_start3A_97 : memref<1x80xi32, #tpu.memory_space<vmem>> -> memref<80xi32, #tpu.memory_space<vmem>>
      %dma_start3A_99 = arith.constant 0 : i32
      %dma_start3A_100 = arith.constant 0 : i32
      %dma_start3A_101 = tpu.memref_slice %arg7[%dma_start3A_99, %dma_start3A_100] : memref<10240x16xf32, #tpu.memory_space<vmem_shared>> -> memref<10240x16xf32, #tpu.memory_space<vmem_shared>>
      tpu.enqueue_indirect_dma source(%arg5 : memref<80x16xf32, #tpu.memory_space<vmem>>) target(%dma_start3A_101 : memref<10240x16xf32, #tpu.memory_space<vmem_shared>>) offsets(%dma_start3A_98 : memref<80xi32, #tpu.memory_space<vmem>>) semaphore(%arg9 : memref<!tpu.dma_semaphore, #tpu.memory_space<semaphore_mem>>) {add = true}
      %mul3A_102 = arith.constant 5 : i32
      %mul3A_103 = arith.muli %add3A_75, %mul3A_102 : i32
      %add3A_104 = arith.constant 2 : i32
      %add3A_105 = arith.addi %mul3A_103, %add3A_104 : i32
      %gt3A_106 = arith.constant 0 : i32
      %gt3A_107 = arith.cmpi sgt, %add3A_75, %gt3A_106 : i32
      %convert_element_type3A_108 = arith.extui %gt3A_107 : i1 to i32
      %cond3A_109 = arith.constant 0 : i32
      %cond3A_110 = arith.cmpi ne, %convert_element_type3A_108, %cond3A_109 : i32
      scf.if %cond3A_110 {
        %dma_wait3A_147 = arith.constant 2 : i32
        %dma_wait3A_148 = arith.constant 0 : i32
        %dma_wait3A_149 = tpu.memref_slice %arg4[%dma_wait3A_147, %dma_wait3A_148] : memref<125x80xi32, #tpu.memory_space<vmem>> -> memref<1x80xi32, #tpu.memory_space<vmem>>
        %dma_wait3A_150 = tpu.memref_squeeze %dma_wait3A_149 : memref<1x80xi32, #tpu.memory_space<vmem>> -> memref<80xi32, #tpu.memory_space<vmem>>
        %dma_wait3A_151 = arith.constant 0 : i32
        %dma_wait3A_152 = arith.constant 0 : i32
        %dma_wait3A_153 = tpu.memref_slice %arg7[%dma_wait3A_151, %dma_wait3A_152] : memref<10240x16xf32, #tpu.memory_space<vmem_shared>> -> memref<10240x16xf32, #tpu.memory_space<vmem_shared>>
        tpu.wait_indirect_dma semaphore(%arg10 : memref<!tpu.dma_semaphore, #tpu.memory_space<semaphore_mem>>) src(%arg5 : memref<80x16xf32, #tpu.memory_space<vmem>>) dst(%dma_wait3A_153 : memref<10240x16xf32, #tpu.memory_space<vmem_shared>>)
      } else {
      }
      %dma_start3A_111 = arith.constant 0 : i32
      %dma_start3A_112 = tpu.memref_slice %arg4[%add3A_105, %dma_start3A_111] : memref<125x80xi32, #tpu.memory_space<vmem>> -> memref<1x80xi32, #tpu.memory_space<vmem>>
      %dma_start3A_113 = tpu.memref_squeeze %dma_start3A_112 : memref<1x80xi32, #tpu.memory_space<vmem>> -> memref<80xi32, #tpu.memory_space<vmem>>
      %dma_start3A_114 = arith.constant 0 : i32
      %dma_start3A_115 = arith.constant 0 : i32
      %dma_start3A_116 = tpu.memref_slice %arg7[%dma_start3A_114, %dma_start3A_115] : memref<10240x16xf32, #tpu.memory_space<vmem_shared>> -> memref<10240x16xf32, #tpu.memory_space<vmem_shared>>
      tpu.enqueue_indirect_dma source(%arg5 : memref<80x16xf32, #tpu.memory_space<vmem>>) target(%dma_start3A_116 : memref<10240x16xf32, #tpu.memory_space<vmem_shared>>) offsets(%dma_start3A_113 : memref<80xi32, #tpu.memory_space<vmem>>) semaphore(%arg10 : memref<!tpu.dma_semaphore, #tpu.memory_space<semaphore_mem>>) {add = true}
      %mul3A_117 = arith.constant 5 : i32
      %mul3A_118 = arith.muli %add3A_75, %mul3A_117 : i32
      %add3A_119 = arith.constant 3 : i32
      %add3A_120 = arith.addi %mul3A_118, %add3A_119 : i32
      %gt3A_121 = arith.constant 0 : i32
      %gt3A_122 = arith.cmpi sgt, %add3A_75, %gt3A_121 : i32
      %convert_element_type3A_123 = arith.extui %gt3A_122 : i1 to i32
      %cond3A_124 = arith.constant 0 : i32
      %cond3A_125 = arith.cmpi ne, %convert_element_type3A_123, %cond3A_124 : i32
      scf.if %cond3A_125 {
        %dma_wait3A_147 = arith.constant 3 : i32
        %dma_wait3A_148 = arith.constant 0 : i32
        %dma_wait3A_149 = tpu.memref_slice %arg4[%dma_wait3A_147, %dma_wait3A_148] : memref<125x80xi32, #tpu.memory_space<vmem>> -> memref<1x80xi32, #tpu.memory_space<vmem>>
        %dma_wait3A_150 = tpu.memref_squeeze %dma_wait3A_149 : memref<1x80xi32, #tpu.memory_space<vmem>> -> memref<80xi32, #tpu.memory_space<vmem>>
        %dma_wait3A_151 = arith.constant 0 : i32
        %dma_wait3A_152 = arith.constant 0 : i32
        %dma_wait3A_153 = tpu.memref_slice %arg7[%dma_wait3A_151, %dma_wait3A_152] : memref<10240x16xf32, #tpu.memory_space<vmem_shared>> -> memref<10240x16xf32, #tpu.memory_space<vmem_shared>>
        tpu.wait_indirect_dma semaphore(%arg11 : memref<!tpu.dma_semaphore, #tpu.memory_space<semaphore_mem>>) src(%arg5 : memref<80x16xf32, #tpu.memory_space<vmem>>) dst(%dma_wait3A_153 : memref<10240x16xf32, #tpu.memory_space<vmem_shared>>)
      } else {
      }
      %dma_start3A_126 = arith.constant 0 : i32
      %dma_start3A_127 = tpu.memref_slice %arg4[%add3A_120, %dma_start3A_126] : memref<125x80xi32, #tpu.memory_space<vmem>> -> memref<1x80xi32, #tpu.memory_space<vmem>>
      %dma_start3A_128 = tpu.memref_squeeze %dma_start3A_127 : memref<1x80xi32, #tpu.memory_space<vmem>> -> memref<80xi32, #tpu.memory_space<vmem>>
      %dma_start3A_129 = arith.constant 0 : i32
      %dma_start3A_130 = arith.constant 0 : i32
      %dma_start3A_131 = tpu.memref_slice %arg7[%dma_start3A_129, %dma_start3A_130] : memref<10240x16xf32, #tpu.memory_space<vmem_shared>> -> memref<10240x16xf32, #tpu.memory_space<vmem_shared>>
      tpu.enqueue_indirect_dma source(%arg5 : memref<80x16xf32, #tpu.memory_space<vmem>>) target(%dma_start3A_131 : memref<10240x16xf32, #tpu.memory_space<vmem_shared>>) offsets(%dma_start3A_128 : memref<80xi32, #tpu.memory_space<vmem>>) semaphore(%arg11 : memref<!tpu.dma_semaphore, #tpu.memory_space<semaphore_mem>>) {add = true}
      %mul3A_132 = arith.constant 5 : i32
      %mul3A_133 = arith.muli %add3A_75, %mul3A_132 : i32
      %add3A_134 = arith.constant 4 : i32
      %add3A_135 = arith.addi %mul3A_133, %add3A_134 : i32
      %gt3A_136 = arith.constant 0 : i32
      %gt3A_137 = arith.cmpi sgt, %add3A_75, %gt3A_136 : i32
      %convert_element_type3A_138 = arith.extui %gt3A_137 : i1 to i32
      %cond3A_139 = arith.constant 0 : i32
      %cond3A_140 = arith.cmpi ne, %convert_element_type3A_138, %cond3A_139 : i32
      scf.if %cond3A_140 {
        %dma_wait3A_147 = arith.constant 4 : i32
        %dma_wait3A_148 = arith.constant 0 : i32
        %dma_wait3A_149 = tpu.memref_slice %arg4[%dma_wait3A_147, %dma_wait3A_148] : memref<125x80xi32, #tpu.memory_space<vmem>> -> memref<1x80xi32, #tpu.memory_space<vmem>>
        %dma_wait3A_150 = tpu.memref_squeeze %dma_wait3A_149 : memref<1x80xi32, #tpu.memory_space<vmem>> -> memref<80xi32, #tpu.memory_space<vmem>>
        %dma_wait3A_151 = arith.constant 0 : i32
        %dma_wait3A_152 = arith.constant 0 : i32
        %dma_wait3A_153 = tpu.memref_slice %arg7[%dma_wait3A_151, %dma_wait3A_152] : memref<10240x16xf32, #tpu.memory_space<vmem_shared>> -> memref<10240x16xf32, #tpu.memory_space<vmem_shared>>
        tpu.wait_indirect_dma semaphore(%arg12 : memref<!tpu.dma_semaphore, #tpu.memory_space<semaphore_mem>>) src(%arg5 : memref<80x16xf32, #tpu.memory_space<vmem>>) dst(%dma_wait3A_153 : memref<10240x16xf32, #tpu.memory_space<vmem_shared>>)
      } else {
      }
      %dma_start3A_141 = arith.constant 0 : i32
      %dma_start3A_142 = tpu.memref_slice %arg4[%add3A_135, %dma_start3A_141] : memref<125x80xi32, #tpu.memory_space<vmem>> -> memref<1x80xi32, #tpu.memory_space<vmem>>
      %dma_start3A_143 = tpu.memref_squeeze %dma_start3A_142 : memref<1x80xi32, #tpu.memory_space<vmem>> -> memref<80xi32, #tpu.memory_space<vmem>>
      %dma_start3A_144 = arith.constant 0 : i32
      %dma_start3A_145 = arith.constant 0 : i32
      %dma_start3A_146 = tpu.memref_slice %arg7[%dma_start3A_144, %dma_start3A_145] : memref<10240x16xf32, #tpu.memory_space<vmem_shared>> -> memref<10240x16xf32, #tpu.memory_space<vmem_shared>>
      tpu.enqueue_indirect_dma source(%arg5 : memref<80x16xf32, #tpu.memory_space<vmem>>) target(%dma_start3A_146 : memref<10240x16xf32, #tpu.memory_space<vmem_shared>>) offsets(%dma_start3A_143 : memref<80xi32, #tpu.memory_space<vmem>>) semaphore(%arg12 : memref<!tpu.dma_semaphore, #tpu.memory_space<semaphore_mem>>) {add = true}
    }
    %scan3A_35 = arith.constant 25 : i32
    %dma_wait3A = arith.constant 0 : i32
    %dma_wait3A_36 = arith.constant 0 : i32
    %dma_wait3A_37 = tpu.memref_slice %arg4[%dma_wait3A, %dma_wait3A_36] : memref<125x80xi32, #tpu.memory_space<vmem>> -> memref<1x80xi32, #tpu.memory_space<vmem>>
    %dma_wait3A_38 = tpu.memref_squeeze %dma_wait3A_37 : memref<1x80xi32, #tpu.memory_space<vmem>> -> memref<80xi32, #tpu.memory_space<vmem>>
    %dma_wait3A_39 = arith.constant 0 : i32
    %dma_wait3A_40 = arith.constant 0 : i32
    %dma_wait3A_41 = tpu.memref_slice %arg7[%dma_wait3A_39, %dma_wait3A_40] : memref<10240x16xf32, #tpu.memory_space<vmem_shared>> -> memref<10240x16xf32, #tpu.memory_space<vmem_shared>>
    tpu.wait_indirect_dma semaphore(%arg8 : memref<!tpu.dma_semaphore, #tpu.memory_space<semaphore_mem>>) src(%arg5 : memref<80x16xf32, #tpu.memory_space<vmem>>) dst(%dma_wait3A_41 : memref<10240x16xf32, #tpu.memory_space<vmem_shared>>)
    %dma_wait3A_42 = arith.constant 1 : i32
    %dma_wait3A_43 = arith.constant 0 : i32
    %dma_wait3A_44 = tpu.memref_slice %arg4[%dma_wait3A_42, %dma_wait3A_43] : memref<125x80xi32, #tpu.memory_space<vmem>> -> memref<1x80xi32, #tpu.memory_space<vmem>>
    %dma_wait3A_45 = tpu.memref_squeeze %dma_wait3A_44 : memref<1x80xi32, #tpu.memory_space<vmem>> -> memref<80xi32, #tpu.memory_space<vmem>>
    %dma_wait3A_46 = arith.constant 0 : i32
    %dma_wait3A_47 = arith.constant 0 : i32
    %dma_wait3A_48 = tpu.memref_slice %arg7[%dma_wait3A_46, %dma_wait3A_47] : memref<10240x16xf32, #tpu.memory_space<vmem_shared>> -> memref<10240x16xf32, #tpu.memory_space<vmem_shared>>
    tpu.wait_indirect_dma semaphore(%arg9 : memref<!tpu.dma_semaphore, #tpu.memory_space<semaphore_mem>>) src(%arg5 : memref<80x16xf32, #tpu.memory_space<vmem>>) dst(%dma_wait3A_48 : memref<10240x16xf32, #tpu.memory_space<vmem_shared>>)
    %dma_wait3A_49 = arith.constant 2 : i32
    %dma_wait3A_50 = arith.constant 0 : i32
    %dma_wait3A_51 = tpu.memref_slice %arg4[%dma_wait3A_49, %dma_wait3A_50] : memref<125x80xi32, #tpu.memory_space<vmem>> -> memref<1x80xi32, #tpu.memory_space<vmem>>
    %dma_wait3A_52 = tpu.memref_squeeze %dma_wait3A_51 : memref<1x80xi32, #tpu.memory_space<vmem>> -> memref<80xi32, #tpu.memory_space<vmem>>
    %dma_wait3A_53 = arith.constant 0 : i32
    %dma_wait3A_54 = arith.constant 0 : i32
    %dma_wait3A_55 = tpu.memref_slice %arg7[%dma_wait3A_53, %dma_wait3A_54] : memref<10240x16xf32, #tpu.memory_space<vmem_shared>> -> memref<10240x16xf32, #tpu.memory_space<vmem_shared>>
    tpu.wait_indirect_dma semaphore(%arg10 : memref<!tpu.dma_semaphore, #tpu.memory_space<semaphore_mem>>) src(%arg5 : memref<80x16xf32, #tpu.memory_space<vmem>>) dst(%dma_wait3A_55 : memref<10240x16xf32, #tpu.memory_space<vmem_shared>>)
    %dma_wait3A_56 = arith.constant 3 : i32
    %dma_wait3A_57 = arith.constant 0 : i32
    %dma_wait3A_58 = tpu.memref_slice %arg4[%dma_wait3A_56, %dma_wait3A_57] : memref<125x80xi32, #tpu.memory_space<vmem>> -> memref<1x80xi32, #tpu.memory_space<vmem>>
    %dma_wait3A_59 = tpu.memref_squeeze %dma_wait3A_58 : memref<1x80xi32, #tpu.memory_space<vmem>> -> memref<80xi32, #tpu.memory_space<vmem>>
    %dma_wait3A_60 = arith.constant 0 : i32
    %dma_wait3A_61 = arith.constant 0 : i32
    %dma_wait3A_62 = tpu.memref_slice %arg7[%dma_wait3A_60, %dma_wait3A_61] : memref<10240x16xf32, #tpu.memory_space<vmem_shared>> -> memref<10240x16xf32, #tpu.memory_space<vmem_shared>>
    tpu.wait_indirect_dma semaphore(%arg11 : memref<!tpu.dma_semaphore, #tpu.memory_space<semaphore_mem>>) src(%arg5 : memref<80x16xf32, #tpu.memory_space<vmem>>) dst(%dma_wait3A_62 : memref<10240x16xf32, #tpu.memory_space<vmem_shared>>)
    %dma_wait3A_63 = arith.constant 4 : i32
    %dma_wait3A_64 = arith.constant 0 : i32
    %dma_wait3A_65 = tpu.memref_slice %arg4[%dma_wait3A_63, %dma_wait3A_64] : memref<125x80xi32, #tpu.memory_space<vmem>> -> memref<1x80xi32, #tpu.memory_space<vmem>>
    %dma_wait3A_66 = tpu.memref_squeeze %dma_wait3A_65 : memref<1x80xi32, #tpu.memory_space<vmem>> -> memref<80xi32, #tpu.memory_space<vmem>>
    %dma_wait3A_67 = arith.constant 0 : i32
    %dma_wait3A_68 = arith.constant 0 : i32
    %dma_wait3A_69 = tpu.memref_slice %arg7[%dma_wait3A_67, %dma_wait3A_68] : memref<10240x16xf32, #tpu.memory_space<vmem_shared>> -> memref<10240x16xf32, #tpu.memory_space<vmem_shared>>
    tpu.wait_indirect_dma semaphore(%arg12 : memref<!tpu.dma_semaphore, #tpu.memory_space<semaphore_mem>>) src(%arg5 : memref<80x16xf32, #tpu.memory_space<vmem>>) dst(%dma_wait3A_69 : memref<10240x16xf32, #tpu.memory_space<vmem_shared>>)
    %barrier3A_70 = arith.constant 0 : index
    tpu.barrier barrier_id(%barrier3A_70)
    "tpu.region"() ({
      %run_scoped3A_71 = tpu.sem_alloc : memref<!tpu.dma_semaphore, #tpu.memory_space<semaphore_mem>>
      %dma_start3A = arith.constant 0 : i32
      %dma_start3A_72 = tpu.memref_slice %arg3[%arg0, %mul3A_0, %dma_start3A] : memref<2x10240x16xf32, #tpu.memory_space<hbm>> -> memref<1x640x16xf32, #tpu.memory_space<hbm>>
      %dma_start3A_73 = tpu.memref_squeeze %dma_start3A_72 : memref<1x640x16xf32, #tpu.memory_space<hbm>> -> memref<640x16xf32, #tpu.memory_space<hbm>>
      %dma_start3A_74 = arith.constant 0 : i32
      %dma_start3A_75 = tpu.memref_slice %arg7[%mul3A_0, %dma_start3A_74] : memref<10240x16xf32, #tpu.memory_space<vmem_shared>> -> memref<640x16xf32, #tpu.memory_space<vmem_shared>>
      tpu.enqueue_dma source(%dma_start3A_75 : memref<640x16xf32, #tpu.memory_space<vmem_shared>>) target(%dma_start3A_73 : memref<640x16xf32, #tpu.memory_space<hbm>>) target_semaphore(%run_scoped3A_71 : memref<!tpu.dma_semaphore, #tpu.memory_space<semaphore_mem>>)
      %dma_wait3A_76 = arith.constant 0 : i32
      %dma_wait3A_77 = tpu.memref_slice %arg3[%arg0, %mul3A_0, %dma_wait3A_76] : memref<2x10240x16xf32, #tpu.memory_space<hbm>> -> memref<1x640x16xf32, #tpu.memory_space<hbm>>
      %dma_wait3A_78 = tpu.memref_squeeze %dma_wait3A_77 : memref<1x640x16xf32, #tpu.memory_space<hbm>> -> memref<640x16xf32, #tpu.memory_space<hbm>>
      %dma_wait3A_79 = arith.constant 0 : i32
      %dma_wait3A_80 = tpu.memref_slice %arg7[%mul3A_0, %dma_wait3A_79] : memref<10240x16xf32, #tpu.memory_space<vmem_shared>> -> memref<640x16xf32, #tpu.memory_space<vmem_shared>>
      tpu.wait_dma2 semaphore(%run_scoped3A_71 : memref<!tpu.dma_semaphore, #tpu.memory_space<semaphore_mem>>) src(%dma_wait3A_80 : memref<640x16xf32, #tpu.memory_space<vmem_shared>>) dst(%dma_wait3A_78 : memref<640x16xf32, #tpu.memory_space<hbm>>)
      tpu.yield
    }) : () -> ()
    return
  }
}

module attributes {stable_mosaic.version = 14 : i64} {
  func.func @body(%arg0: i32, %arg1: memref<1000x128xf32, #tpu.memory_space<vmem>>, %arg2: memref<128x128xf32, #tpu.memory_space<vmem>>, %arg3: memref<128x128xf32, #tpu.memory_space<vmem>>, %arg4: memref<1x128xf32, #tpu.memory_space<vmem>>, %arg5: memref<1000x128xf32, #tpu.memory_space<vmem>>, %arg6: memref<1000x128xf32, #tpu.memory_space<vmem>>) attributes {dimension_semantics = [#tpu.dimension_semantics<arbitrary>], iteration_bounds = array<i64: 10>, scalar_prefetch = 0 : i64, scratch_operands = 0 : i64, tpu.core_type = #tpu.core_type<tc>, window_params = [{transform_indices = @transform_0, window_bounds = array<i64: 1000, 128>}, {pipeline_mode = #tpu.pipeline_mode<synchronous>, transform_indices = @transform_1, window_bounds = array<i64: 128, 128>}, {pipeline_mode = #tpu.pipeline_mode<synchronous>, transform_indices = @transform_2, window_bounds = array<i64: 128, 128>}, {pipeline_mode = #tpu.pipeline_mode<synchronous>, transform_indices = @transform_3, window_bounds = array<i64: 1, 128>}, {transform_indices = @transform_4, window_bounds = array<i64: 1000, 128>}, {transform_indices = @transform_5, window_bounds = array<i64: 1000, 128>}]} {
    %get3A = arith.constant 0 : index
    %get3A_0 = arith.constant 0 : index
    %get3A_1 = vector.load %arg1[%get3A, %get3A_0] : memref<1000x128xf32, #tpu.memory_space<vmem>>, vector<1000x128xf32>
    %get3A_2 = arith.constant 0 : index
    %get3A_3 = arith.constant 0 : index
    %get3A_4 = vector.load %arg2[%get3A_2, %get3A_3] : memref<128x128xf32, #tpu.memory_space<vmem>>, vector<128x128xf32>
    %dot_general3A = arith.constant dense<0.000000e+00> : vector<1000x128xf32>
    %dot_general3A_5 = tpu.matmul %get3A_1, %get3A_4, %dot_general3A {dimension_numbers = #tpu.dot_dimension_numbers<[1], [0], [0], [1], [0, 0, 1, 1], [], []>, precision = #tpu.contract_precision<fp32>, transpose_lhs_hint = false} : vector<1000x128xf32>, vector<128x128xf32>, vector<1000x128xf32> -> vector<1000x128xf32>
    %swap3A = arith.constant 0 : index
    %swap3A_6 = arith.constant 0 : index
    %swap3A_7 = vector.load %arg5[%swap3A, %swap3A_6] : memref<1000x128xf32, #tpu.memory_space<vmem>>, vector<1000x128xf32>
    tpu.vector_store %arg5[%swap3A, %swap3A_6], %dot_general3A_5 {strides = array<i32>} : memref<1000x128xf32, #tpu.memory_space<vmem>>, vector<1000x128xf32>,
    %get3A_8 = arith.constant 0 : index
    %get3A_9 = arith.constant 0 : index
    %get3A_10 = vector.load %arg3[%get3A_8, %get3A_9] : memref<128x128xf32, #tpu.memory_space<vmem>>, vector<128x128xf32>
    %dot_general3A_11 = arith.constant dense<0.000000e+00> : vector<1000x128xf32>
    %dot_general3A_12 = tpu.matmul %get3A_1, %get3A_10, %dot_general3A_11 {dimension_numbers = #tpu.dot_dimension_numbers<[1], [0], [0], [1], [0, 0, 1, 1], [], []>, precision = #tpu.contract_precision<fp32>, transpose_lhs_hint = false} : vector<1000x128xf32>, vector<128x128xf32>, vector<1000x128xf32> -> vector<1000x128xf32>
    %get3A_13 = arith.constant 0 : index
    %get3A_14 = arith.constant 0 : index
    %get3A_15 = vector.load %arg4[%get3A_13, %get3A_14] : memref<1x128xf32, #tpu.memory_space<vmem>>, vector<1x128xf32>
    %add3A = vector.broadcast %get3A_15 : vector<1x128xf32> to vector<1000x128xf32>
    %add3A_16 = arith.addf %dot_general3A_12, %add3A : vector<1000x128xf32>
    %swap3A_17 = arith.constant 0 : index
    %swap3A_18 = arith.constant 0 : index
    %swap3A_19 = vector.load %arg6[%swap3A_17, %swap3A_18] : memref<1000x128xf32, #tpu.memory_space<vmem>>, vector<1000x128xf32>
    tpu.vector_store %arg6[%swap3A_17, %swap3A_18], %add3A_16 {strides = array<i32>} : memref<1000x128xf32, #tpu.memory_space<vmem>>, vector<1000x128xf32>,
    return
  }
  func.func @transform_0(%arg0: i32) -> (i32, i32) {
    %c0_i32 = arith.constant 0 : i32
    %c0_i32_0 = arith.constant 0 : i32
    return %arg0, %c0_i32 : i32, i32
  }
  func.func @transform_1(%arg0: i32) -> (i32, i32) {
    %c0_i32 = arith.constant 0 : i32
    %c0_i32_0 = arith.constant 0 : i32
    %c0_i32_1 = arith.constant 0 : i32
    return %c0_i32, %c0_i32_0 : i32, i32
  }
  func.func @transform_2(%arg0: i32) -> (i32, i32) {
    %c0_i32 = arith.constant 0 : i32
    %c0_i32_0 = arith.constant 0 : i32
    %c0_i32_1 = arith.constant 0 : i32
    return %c0_i32, %c0_i32_0 : i32, i32
  }
  func.func @transform_3(%arg0: i32) -> (i32, i32) {
    %c0_i32 = arith.constant 0 : i32
    %c0_i32_0 = arith.constant 0 : i32
    %c0_i32_1 = arith.constant 0 : i32
    return %c0_i32, %c0_i32_0 : i32, i32
  }
  func.func @transform_4(%arg0: i32) -> (i32, i32) {
    %c0_i32 = arith.constant 0 : i32
    %c0_i32_0 = arith.constant 0 : i32
    return %arg0, %c0_i32 : i32, i32
  }
  func.func @transform_5(%arg0: i32) -> (i32, i32) {
    %c0_i32 = arith.constant 0 : i32
    %c0_i32_0 = arith.constant 0 : i32
    return %arg0, %c0_i32 : i32, i32
  }
}

module attributes {stable_mosaic.version = 14 : i64} {
  func.func @body(%arg0: i32, %arg1: memref<1000x128xf32, #tpu.memory_space<vmem>>, %arg2: memref<2x1000x16xf32, #tpu.memory_space<vmem>>, %arg3: memref<1000x128xf32, #tpu.memory_space<vmem>>, %arg4: memref<128x128xf32, #tpu.memory_space<vmem>>, %arg5: memref<128x128xf32, #tpu.memory_space<vmem>>, %arg6: memref<1x128xf32, #tpu.memory_space<vmem>>, %arg7: memref<1000x128xf32, #tpu.memory_space<vmem>>, %arg8: memref<1000x128xf32, #tpu.memory_space<vmem>>) attributes {dimension_semantics = [#tpu.dimension_semantics<arbitrary>], iteration_bounds = array<i64: 10>, scalar_prefetch = 0 : i64, scratch_operands = 0 : i64, tpu.core_type = #tpu.core_type<tc>, window_params = [{transform_indices = @transform_0, window_bounds = array<i64: 1000, 128>}, {transform_indices = @transform_1, window_bounds = array<i64: 2, 1000, 16>}, {transform_indices = @transform_2, window_bounds = array<i64: 1000, 128>}, {pipeline_mode = #tpu.pipeline_mode<synchronous>, transform_indices = @transform_3, window_bounds = array<i64: 128, 128>}, {pipeline_mode = #tpu.pipeline_mode<synchronous>, transform_indices = @transform_4, window_bounds = array<i64: 128, 128>}, {pipeline_mode = #tpu.pipeline_mode<synchronous>, transform_indices = @transform_5, window_bounds = array<i64: 1, 128>}, {transform_indices = @transform_6, window_bounds = array<i64: 1000, 128>}, {transform_indices = @transform_7, window_bounds = array<i64: 1000, 128>}]} {
    %get3A = arith.constant 0 : index
    %get3A_0 = arith.constant 0 : index
    %get3A_1 = vector.load %arg1[%get3A, %get3A_0] : memref<1000x128xf32, #tpu.memory_space<vmem>>, vector<1000x128xf32>
    %get3A_2 = arith.constant 0 : index
    %get3A_3 = arith.constant 0 : index
    %get3A_4 = arith.constant 0 : index
    %get3A_5 = vector.load %arg2[%get3A_2, %get3A_3, %get3A_4] : memref<2x1000x16xf32, #tpu.memory_space<vmem>>, vector<2x1000x16xf32>
    %get3A_6 = arith.constant 0 : index
    %get3A_7 = arith.constant 0 : index
    %get3A_8 = vector.load %arg3[%get3A_6, %get3A_7] : memref<1000x128xf32, #tpu.memory_space<vmem>>, vector<1000x128xf32>
    %slice3A = vector.extract_strided_slice %get3A_5 {offsets = [0, 0, 0], sizes = [1, 1000, 1], strides = [1, 1, 1]} : vector<2x1000x16xf32> to vector<1x1000x1xf32>
    %squeeze3A = vector.shape_cast %slice3A : vector<1x1000x1xf32> to vector<1000x1xf32>
    %slice3A_9 = vector.extract_strided_slice %get3A_5 {offsets = [1, 0, 0], sizes = [1, 1000, 1], strides = [1, 1, 1]} : vector<2x1000x16xf32> to vector<1x1000x1xf32>
    %squeeze3A_10 = vector.shape_cast %slice3A_9 : vector<1x1000x1xf32> to vector<1000x1xf32>
    %add3A = arith.addf %squeeze3A, %squeeze3A_10 : vector<1000x1xf32>
    %max3A = arith.constant 1.000000e+00 : f32
    %max3A_11 = vector.broadcast %max3A : f32 to vector<1000x1xf32>
    %max3A_12 = arith.maximumf %add3A, %max3A_11 : vector<1000x1xf32>
    %div3A = arith.constant 1.000000e+00 : f32
    %div3A_13 = vector.broadcast %div3A : f32 to vector<1000x1xf32>
    %div3A_14 = arith.divf %div3A_13, %max3A_12 : vector<1000x1xf32>
    %mul3A = vector.broadcast %div3A_14 : vector<1000x1xf32> to vector<1000x128xf32>
    %mul3A_15 = arith.mulf %get3A_1, %mul3A : vector<1000x128xf32>
    %add3A_16 = arith.addf %mul3A_15, %get3A_8 : vector<1000x128xf32>
    %max3A_17 = arith.constant 0.000000e+00 : f32
    %max3A_18 = vector.broadcast %max3A_17 : f32 to vector<1000x128xf32>
    %max3A_19 = arith.maximumf %add3A_16, %max3A_18 : vector<1000x128xf32>
    %get3A_20 = arith.constant 0 : index
    %get3A_21 = arith.constant 0 : index
    %get3A_22 = vector.load %arg4[%get3A_20, %get3A_21] : memref<128x128xf32, #tpu.memory_space<vmem>>, vector<128x128xf32>
    %dot_general3A = arith.constant dense<0.000000e+00> : vector<1000x128xf32>
    %dot_general3A_23 = tpu.matmul %max3A_19, %get3A_22, %dot_general3A {dimension_numbers = #tpu.dot_dimension_numbers<[1], [0], [0], [1], [0, 0, 1, 1], [], []>, precision = #tpu.contract_precision<fp32>, transpose_lhs_hint = false} : vector<1000x128xf32>, vector<128x128xf32>, vector<1000x128xf32> -> vector<1000x128xf32>
    %swap3A = arith.constant 0 : index
    %swap3A_24 = arith.constant 0 : index
    %swap3A_25 = vector.load %arg7[%swap3A, %swap3A_24] : memref<1000x128xf32, #tpu.memory_space<vmem>>, vector<1000x128xf32>
    tpu.vector_store %arg7[%swap3A, %swap3A_24], %dot_general3A_23 {strides = array<i32>} : memref<1000x128xf32, #tpu.memory_space<vmem>>, vector<1000x128xf32>,
    %get3A_26 = arith.constant 0 : index
    %get3A_27 = arith.constant 0 : index
    %get3A_28 = vector.load %arg5[%get3A_26, %get3A_27] : memref<128x128xf32, #tpu.memory_space<vmem>>, vector<128x128xf32>
    %dot_general3A_29 = arith.constant dense<0.000000e+00> : vector<1000x128xf32>
    %dot_general3A_30 = tpu.matmul %max3A_19, %get3A_28, %dot_general3A_29 {dimension_numbers = #tpu.dot_dimension_numbers<[1], [0], [0], [1], [0, 0, 1, 1], [], []>, precision = #tpu.contract_precision<fp32>, transpose_lhs_hint = false} : vector<1000x128xf32>, vector<128x128xf32>, vector<1000x128xf32> -> vector<1000x128xf32>
    %get3A_31 = arith.constant 0 : index
    %get3A_32 = arith.constant 0 : index
    %get3A_33 = vector.load %arg6[%get3A_31, %get3A_32] : memref<1x128xf32, #tpu.memory_space<vmem>>, vector<1x128xf32>
    %add3A_34 = vector.broadcast %get3A_33 : vector<1x128xf32> to vector<1000x128xf32>
    %add3A_35 = arith.addf %dot_general3A_30, %add3A_34 : vector<1000x128xf32>
    %swap3A_36 = arith.constant 0 : index
    %swap3A_37 = arith.constant 0 : index
    %swap3A_38 = vector.load %arg8[%swap3A_36, %swap3A_37] : memref<1000x128xf32, #tpu.memory_space<vmem>>, vector<1000x128xf32>
    tpu.vector_store %arg8[%swap3A_36, %swap3A_37], %add3A_35 {strides = array<i32>} : memref<1000x128xf32, #tpu.memory_space<vmem>>, vector<1000x128xf32>,
    return
  }
  func.func @transform_0(%arg0: i32) -> (i32, i32) {
    %c0_i32 = arith.constant 0 : i32
    %c0_i32_0 = arith.constant 0 : i32
    return %arg0, %c0_i32 : i32, i32
  }
  func.func @transform_1(%arg0: i32) -> (i32, i32, i32) {
    %c0_i32 = arith.constant 0 : i32
    %c0_i32_0 = arith.constant 0 : i32
    %c0_i32_1 = arith.constant 0 : i32
    return %c0_i32, %arg0, %c0_i32_0 : i32, i32, i32
  }
  func.func @transform_2(%arg0: i32) -> (i32, i32) {
    %c0_i32 = arith.constant 0 : i32
    %c0_i32_0 = arith.constant 0 : i32
    return %arg0, %c0_i32 : i32, i32
  }
  func.func @transform_3(%arg0: i32) -> (i32, i32) {
    %c0_i32 = arith.constant 0 : i32
    %c0_i32_0 = arith.constant 0 : i32
    %c0_i32_1 = arith.constant 0 : i32
    return %c0_i32, %c0_i32_0 : i32, i32
  }
  func.func @transform_4(%arg0: i32) -> (i32, i32) {
    %c0_i32 = arith.constant 0 : i32
    %c0_i32_0 = arith.constant 0 : i32
    %c0_i32_1 = arith.constant 0 : i32
    return %c0_i32, %c0_i32_0 : i32, i32
  }
  func.func @transform_5(%arg0: i32) -> (i32, i32) {
    %c0_i32 = arith.constant 0 : i32
    %c0_i32_0 = arith.constant 0 : i32
    %c0_i32_1 = arith.constant 0 : i32
    return %c0_i32, %c0_i32_0 : i32, i32
  }
  func.func @transform_6(%arg0: i32) -> (i32, i32) {
    %c0_i32 = arith.constant 0 : i32
    %c0_i32_0 = arith.constant 0 : i32
    return %arg0, %c0_i32 : i32, i32
  }
  func.func @transform_7(%arg0: i32) -> (i32, i32) {
    %c0_i32 = arith.constant 0 : i32
    %c0_i32_0 = arith.constant 0 : i32
    return %arg0, %c0_i32 : i32, i32
  }
}

module attributes {stable_mosaic.version = 14 : i64} {
  func.func @body(%arg0: i32, %arg1: memref<1000x128xf32, #tpu.memory_space<vmem>>, %arg2: memref<2x1000x16xf32, #tpu.memory_space<vmem>>, %arg3: memref<1000x128xf32, #tpu.memory_space<vmem>>, %arg4: memref<1000x128xf32, #tpu.memory_space<vmem>>) attributes {dimension_semantics = [#tpu.dimension_semantics<arbitrary>], iteration_bounds = array<i64: 10>, scalar_prefetch = 0 : i64, scratch_operands = 0 : i64, tpu.core_type = #tpu.core_type<tc>, window_params = [{transform_indices = @transform_0, window_bounds = array<i64: 1000, 128>}, {transform_indices = @transform_1, window_bounds = array<i64: 2, 1000, 16>}, {transform_indices = @transform_2, window_bounds = array<i64: 1000, 128>}, {transform_indices = @transform_3, window_bounds = array<i64: 1000, 128>}]} {
    %get3A = arith.constant 0 : index
    %get3A_0 = arith.constant 0 : index
    %get3A_1 = vector.load %arg1[%get3A, %get3A_0] : memref<1000x128xf32, #tpu.memory_space<vmem>>, vector<1000x128xf32>
    %get3A_2 = arith.constant 0 : index
    %get3A_3 = arith.constant 0 : index
    %get3A_4 = arith.constant 0 : index
    %get3A_5 = vector.load %arg2[%get3A_2, %get3A_3, %get3A_4] : memref<2x1000x16xf32, #tpu.memory_space<vmem>>, vector<2x1000x16xf32>
    %get3A_6 = arith.constant 0 : index
    %get3A_7 = arith.constant 0 : index
    %get3A_8 = vector.load %arg3[%get3A_6, %get3A_7] : memref<1000x128xf32, #tpu.memory_space<vmem>>, vector<1000x128xf32>
    %slice3A = vector.extract_strided_slice %get3A_5 {offsets = [0, 0, 0], sizes = [1, 1000, 1], strides = [1, 1, 1]} : vector<2x1000x16xf32> to vector<1x1000x1xf32>
    %squeeze3A = vector.shape_cast %slice3A : vector<1x1000x1xf32> to vector<1000x1xf32>
    %slice3A_9 = vector.extract_strided_slice %get3A_5 {offsets = [1, 0, 0], sizes = [1, 1000, 1], strides = [1, 1, 1]} : vector<2x1000x16xf32> to vector<1x1000x1xf32>
    %squeeze3A_10 = vector.shape_cast %slice3A_9 : vector<1x1000x1xf32> to vector<1000x1xf32>
    %add3A = arith.addf %squeeze3A, %squeeze3A_10 : vector<1000x1xf32>
    %max3A = arith.constant 1.000000e+00 : f32
    %max3A_11 = vector.broadcast %max3A : f32 to vector<1000x1xf32>
    %max3A_12 = arith.maximumf %add3A, %max3A_11 : vector<1000x1xf32>
    %div3A = arith.constant 1.000000e+00 : f32
    %div3A_13 = vector.broadcast %div3A : f32 to vector<1000x1xf32>
    %div3A_14 = arith.divf %div3A_13, %max3A_12 : vector<1000x1xf32>
    %mul3A = vector.broadcast %div3A_14 : vector<1000x1xf32> to vector<1000x128xf32>
    %mul3A_15 = arith.mulf %get3A_1, %mul3A : vector<1000x128xf32>
    %add3A_16 = arith.addf %mul3A_15, %get3A_8 : vector<1000x128xf32>
    %swap3A = arith.constant 0 : index
    %swap3A_17 = arith.constant 0 : index
    %swap3A_18 = vector.load %arg4[%swap3A, %swap3A_17] : memref<1000x128xf32, #tpu.memory_space<vmem>>, vector<1000x128xf32>
    tpu.vector_store %arg4[%swap3A, %swap3A_17], %add3A_16 {strides = array<i32>} : memref<1000x128xf32, #tpu.memory_space<vmem>>, vector<1000x128xf32>,
    return
  }
  func.func @transform_0(%arg0: i32) -> (i32, i32) {
    %c0_i32 = arith.constant 0 : i32
    %c0_i32_0 = arith.constant 0 : i32
    return %arg0, %c0_i32 : i32, i32
  }
  func.func @transform_1(%arg0: i32) -> (i32, i32, i32) {
    %c0_i32 = arith.constant 0 : i32
    %c0_i32_0 = arith.constant 0 : i32
    %c0_i32_1 = arith.constant 0 : i32
    return %c0_i32, %arg0, %c0_i32_0 : i32, i32, i32
  }
  func.func @transform_2(%arg0: i32) -> (i32, i32) {
    %c0_i32 = arith.constant 0 : i32
    %c0_i32_0 = arith.constant 0 : i32
    return %arg0, %c0_i32 : i32, i32
  }
  func.func @transform_3(%arg0: i32) -> (i32, i32) {
    %c0_i32 = arith.constant 0 : i32
    %c0_i32_0 = arith.constant 0 : i32
    return %arg0, %c0_i32 : i32, i32
  }
}

</mosaic_0001>

<sc_bundles>
// kernel: kernel.11.cloned.1.call-start
scs
__scs_entry_jumppad:
0x0: {  	(pc) =	sbr.rel $0x88, $3  }
0x1: {  	(tag) =	ssettag $0x0;
	lr =	simm.s32 $0x1  }
0x2: {  	[smem:$0x3F99] =	sst lr;
	_ =	strace $0xD0000000  }
0x3: {  	_ = 	snop  }
0x4: {  	_ = 	snop  }
0x5: {  	_ = 	snop  }
0x6: {  	_ = 	snop  }
0x7: {  	_ = 	snop  }
__scs_overlays_trampoline_lowered:
0x8: {  	[smem:$0x3FA8] =	sst s0  }
0x9: {  	[smem:$0x3FA9] =	sst s1  }
0xa: {  	[smem:$0x3FAA] =	sst s2  }
0xb: {  	[smem:$0x3FAB] =	sst s3  }
0xc: {  	[smem:$0x3FAC] =	sst s4  }
0xd: {  	[smem:$0x3FAD] =	sst s5  }
0xe: {  	[smem:$0x3FAE] =	sst s6  }
0xf: {  	[smem:$0x3FAF] =	sst s7  }
0x10: {  	[smem:$0x3FB0] =	sst s8  }
0x11: {  	[smem:$0x3FB1] =	sst s9;
	s0 =	simm.s32 @!p0 $0x0  }
0x12: {  	s1 =	sld [smem:$0x3F97];
	s0 =	simm.s32 @p0 $0x1  }
0x13: {  	[smem:$0x3FB2] =	sst s0;
	s0 =	simm.s32 @!p1 $0x0  }
0x14: {  	s2 =	sld [smem:$0x3F96];
	s0 =	simm.s32 @p1 $0x1  }
0x15: {  	[smem:$0x3FB3] =	sst s0;
	s0 =	simm.s32 @!p2 $0x0  }
0x16: {  	s3 =	sld [smem:$0x3FDB];
	s0 =	simm.s32 @p2 $0x1  }
0x17: {  	s4 =	simm.s32 $0x1BF5;
	[smem:$0x3FB5] =	sst s0  }
0x18: {  	s0 =	sld [smem:$0x3F98];
	_ =	swait.ge [sflag:s4], $0x0  }
0x19: {  	s7 =	sld [smem:$0x3F99]  }
0x1a: {  	s8 =	sadd.s32 $0xFFFFE003, lr  }
0x1b: {  	s9 =	sadd.s32 $0xFFFFFEF7, lr;
	s5 =	simm.s32 $0xFFFFFFFF;
	p2 =	slt.u32 s8, $0xFFFFF086  }
0x1c: {  	p1 =	slt.u32 s9, $0xF7A;
	s5 =	simm.s32 @!p2 $0x0  }
0x1d: {  	s5 =	simm.s32 @p1 $0x1;
	p0 =	seq.s32 s7, s2  }
0x1e: {  	s7 =	smul.u32 @!p0 $0xF7A, s2;
	p2 =	seq.s32 @!p0 s5, $0x0  }
0x1f: {  	s9 =	smul.u32 $0xF7A, s1;
	s8 =	simm.s32 @!p0 $0x1BF5;
	p2 =	por !p2, p0  }
0x20: {  	[sflag:s8] =	ssyncset.s32 @!p0 $0xFFFFF086;
	s6 =	sadd.s32 @!p0 s3, s7;
	s7 =	simm.s32 @!p0 $0x108  }
0x21: {  	s3 =	sadd.s32 s3, s9;
	s6 =	sadd.s32 @!p0 $0x88, s6;
	s7 =	simm.s32 @p2 $0x1082  }
0x22: {  	[simem:s7], [sflag:s8] =	dma.local @!p0 [hbm:s6], $0xF7A  }
0x23: {  	s9 =	sor.u32 $0xD0000000, s2;
	s6 =	simm.s32 $0x108;
	_ =	swait.ge @!p0 [sflag:s8], $0x0  }
0x24: {  	s3 =	sadd.s32 $0x88, s3;
	s6 =	simm.s32 @!p1 $0x1082;
	[sflag:s4] =	ssyncset.s32 $0xFFFFF086  }
0x25: {  	[simem:s6], [sflag:s4] =	dma.local [hbm:s3], $0xF7A  }
0x26: {  	[smem:$0x3F99] =	sst s1;
	(tag) =	ssettag s2;
	_ =	strace s9  }
0x27: {  	s1 =	sld [smem:$0x3FA9]  }
0x28: {  	s2 =	sld [smem:$0x3FAA]  }
0x29: {  	s4 =	sld [smem:$0x3FAC]  }
0x2a: {  	p0 =	seq.s32 s5, $0x0;
	s5 =	sld [smem:$0x3FAD]  }
0x2b: {  	s6 =	sld [smem:$0x3FAE]  }
0x2c: {  	s7 =	sld [smem:$0x3FAF]  }
0x2d: {  	s3 =	simm.s32 $0x108;
	s8 =	sld [smem:$0x3FB0]  }
0x2e: {  	s3 =	simm.s32 @!p0 $0x1082;
	s9 =	sld [smem:$0x3FB1]  }
0x2f: {  	lr =	sadd.s32 s0, s3;
	s0 =	sld [smem:$0x3FA8]  }
0x30: {  	s3 =	sld [smem:$0x3FAB]  }
0x31: {  	[smem:$0x3FB4] =	sst s10  }
0x32: {  	s10 =	sld [smem:$0x3FB2];
	_ =	sdelay $0x3  }
0x33: {  	p0 =	seq.s32 s10, $0x1;
	s10 =	sld [smem:$0x3FB4];
	_ =	sdelay $0x3  }
0x34: {  	[smem:$0x3FB4] =	sst s10  }
0x35: {  	s10 =	sld [smem:$0x3FB3];
	_ =	sdelay $0x3  }
0x36: {  	p1 =	seq.s32 s10, $0x1;
	s10 =	sld [smem:$0x3FB4];
	_ =	sdelay $0x3  }
0x37: {  	[smem:$0x3FB4] =	sst s10  }
0x38: {  	s10 =	sld [smem:$0x3FB5]  }
0x39: {  	_ = 	snop;
	(pc) =	sbr.ind lr, $3  }
0x3a: {  	_ = 	snop  }
0x3b: {  	_ = 	snop  }
0x3c: {  	p2 =	seq.s32 s10, $0x1;
	s10 =	sld [smem:$0x3FB4]  }
0x3d: {  	_ =	shalt  }
0x3e: {  	_ =	shalt  }
0x3f: {  	_ =	shalt  }
0x40: {  	_ =	shalt  }
0x41: {  	_ =	shalt  }
0x42: {  	_ =	shalt  }
0x43: {  	_ =	shalt  }
0x44: {  	_ =	shalt  }
0x45: {  	_ =	shalt  }
0x46: {  	_ =	shalt  }
0x47: {  	_ =	shalt  }
0x48: {  	_ =	shalt  }
0x49: {  	_ =	shalt  }
0x4a: {  	_ =	shalt  }
0x4b: {  	_ =	shalt  }
0x4c: {  	_ =	shalt  }
0x4d: {  	_ =	shalt  }
0x4e: {  	_ =	shalt  }
0x4f: {  	_ =	shalt  }
0x50: {  	_ =	shalt  }
0x51: {  	_ =	shalt  }
0x52: {  	_ =	shalt  }
0x53: {  	_ =	shalt  }
0x54: {  	_ =	shalt  }
0x55: {  	_ =	shalt  }
0x56: {  	_ =	shalt  }
0x57: {  	_ =	shalt  }
0x58: {  	_ =	shalt  }
0x59: {  	_ =	shalt  }
0x5a: {  	_ =	shalt  }
0x5b: {  	_ =	shalt  }
0x5c: {  	_ =	shalt  }
0x5d: {  	_ =	shalt  }
0x5e: {  	_ =	shalt  }
0x5f: {  	_ =	shalt  }
0x60: {  	_ =	shalt  }
0x61: {  	_ =	shalt  }
0x62: {  	_ =	shalt  }
0x63: {  	_ =	shalt  }
0x64: {  	_ =	shalt  }
0x65: {  	_ =	shalt  }
0x66: {  	_ =	shalt  }
0x67: {  	_ =	shalt  }
0x68: {  	_ =	shalt  }
0x69: {  	_ =	shalt  }
0x6a: {  	_ =	shalt  }
0x6b: {  	_ =	shalt  }
0x6c: {  	_ =	shalt  }
0x6d: {  	_ =	shalt  }
0x6e: {  	_ =	shalt  }
0x6f: {  	_ =	shalt  }
0x70: {  	_ =	shalt  }
0x71: {  	_ =	shalt  }
0x72: {  	_ =	shalt  }
0x73: {  	_ =	shalt  }
0x74: {  	_ =	shalt  }
0x75: {  	_ =	shalt  }
0x76: {  	_ =	shalt  }
0x77: {  	_ =	shalt  }
0x78: {  	_ =	shalt  }
0x79: {  	_ =	shalt  }
0x7a: {  	_ =	shalt  }
0x7b: {  	_ =	shalt  }
0x7c: {  	_ =	shalt  }
0x7d: {  	_ =	shalt  }
0x7e: {  	_ =	shalt  }
0x7f: {  	_ =	shalt  }
0x80: {  	_ =	shalt  }
0x81: {  	_ =	shalt  }
0x82: {  	_ =	shalt  }
0x83: {  	_ =	shalt  }
0x84: {  	_ =	shalt  }
0x85: {  	_ =	shalt  }
0x86: {  	_ =	shalt  }
0x87: {  	_ =	shalt  }
.Lfunc_end0:
.L_simem_size_0:
called_computation.1_lowered:
.L_overlay_start_0:
0x88: {  	s2 =	sld [smem:$0x3FD9]  }
0x89: {  	s3 =	sld [smem:$0x3FFE];
	_ =	sdelay $0x1  }
0x8a: {  	s1 =	srdreg.scid  }
0x8b: {  	s0 =	sand.u32 $0x1, s1  }
0x8c: {  	s17 =	sshll.u32 s0, $0xA;
	s2 =	sadd.s32 s3, s2  }
0x8d: {  	s2 =	sadd.s32 s2, s17  }
0x8e: {  	[smem:$0x3FC0] =	sst s2  }
0x8f: {  	_ = 	snop  }
0x90: {  	s18 =	sld [smem:$0x3FD0];
	(tm) =	ssettm $0x1  }
0x91: {  	s19 =	sld [smem:$0x3FFB];
	_ =	sdelay $0x3  }
0x92: {  	_ =	strace s19  }
0x93: {  	s2 =	sld [smem:$0x3FFC];
	_ =	sdelay $0x3  }
0x94: {  	_ =	strace s2  }
0x95: {  	s2 =	sld [smem:$0x3FFD];
	_ =	sdelay $0x3  }
0x96: {  	_ =	strace s2  }
0x97: {  	_ =	strace $0x8FFFFFFF  }
0x98: {  	s20 =	sld [smem:$0x3FDB];
	_ =	sdelay $0x1  }
0x99: {  	s4 =	simm.s32 $_scs_section_size  }
0x9a: {  	s5 =	simm.s32 $_size__tile_overlayer_lowered;
	s6 =	simm.s32 $_tile_overlayer_lowered  }
0x9b: {  	s7 =	simm.s32 $0x1BFF;
	s21 =	sshll.u32 s6, $0x1;
	s4 =	sadd.s32 s4, s20  }
0x9c: {  	s22 =	simm.s32 $0x0;
	s5 =	sshll.u32 s5, $0x1;
	s6 =	sadd.s32 s21, s4  }
0x9d: {  	[timem:s22], [sflag:s7] =	dma.local [hbm:s6], s5  }
0x9e: {  	_ =	swait.ge [sflag:s7], s5  }
0x9f: {  	s5 =	ssub.s32 $0x0, s5;
	[sflag:s7] =	ssyncset.done $0x0  }
0xa0: {  	[sflag:s7] =	ssyncadd.s32 s5;
	_ =	sdelay $0x1  }
0xa1: {  	s23 =	simm.s32 $0x1B8B  }
0xa2: {  	_ =	swait.ge [sflag:s23], $0x1  }
0xa3: {  	[sflag:s23] =	ssyncset.done $0x0  }
0xa4: {  	[sflag:s23] =	ssyncadd.s32 $0xFFFFFFFF  }
0xa5: {  	s5 =	sld [smem:$0x0]  }
0xa6: {  	s6 =	sand.u32 $0xFFFFFFFE, s1  }
0xa7: {  	p0 =	sne.s32 s1, s6  }
0xa8: {  	s6 =	sshll.u32 @p0 s6, $0xE  }
0xa9: {  	s6 =	sadd.s32 @p0 $0x11B8D, s6;
	s7 =	sshll.u32 @p0 s5, $0x11  }
0xaa: {  	s6 =	sor.u32 @p0 s7, s6  }
0xab: {  	[sflag:s6] =	ssyncadd.remote.s32 @p0 $0x1;
	_ =	sdelay $0x1  }
0xac: {  	s6 =	simm.s32 @p0 $0x1B8D  }
0xad: {  	_ =	swait.eq @p0 [sflag:s6], $0x1  }
0xae: {  	[sflag:s6] =	ssyncadd.s32 @p0 $0xFFFFFFFF  }
0xaf: {  	s7 =	sshll.u32 @!p0 s1, $0xE  }
0xb0: {  	s7 =	sor.u32 @!p0 $0x4000, s7;
	s6 =	simm.s32 @!p0 $0x1B8D  }
0xb1: {  	s5 =	sshll.u32 @!p0 s5, $0x11;
	s7 =	sadd.s32 @!p0 $0x11B8D, s7;
	_ =	swait.eq @!p0 [sflag:s6], $0x1  }
0xb2: {  	s5 =	sor.u32 @!p0 s5, s7;
	[sflag:s6] =	ssyncadd.s32 @!p0 $0xFFFFFFFF  }
0xb3: {  	s25 =	simm.s32 $0x1B8E;
	s24 =	sld [smem:$0x3FFE];
	[sflag:s5] =	ssyncadd.remote.s32 @!p0 $0x1  }
0xb4: {  	s26 =	simm.s32 $execute0_lowered;
	[smem:$0x3FD2] =	sst s25  }
0xb5: {  	s6 =	sshll.u32 s26, $0x1;
	_ =	strace $0x80000049;
	[dreg:$0x1] =	wrdreg $0xFFFFFFFF  }
0xb6: {  	s28 =	simm.s32 $_size_execute0_lowered;
	s4 =	sadd.s32 s4, s6;
	[dreg:$0x0] =	wrdreg $0x0  }
0xb7: {  	s6 =	sshll.u32 s28, $0x1;
	[dreg:$0x2] =	wrdreg s4  }
0xb8: {  	[dreg:$0x3] =	wrdreg s6  }
0xb9: {  	[dreg:$0x4] =	wrdreg $0xC0  }
0xba: {  	_ =	task [dreg:s22], $0x5FFFF  }
0xbb: {  	[dreg:$0x1] =	wrdreg $0xFFFFFFFF  }
0xbc: {  	[dreg:$0x0] =	wrdreg $0x60  }
0xbd: {  	[dreg:$0x2] =	wrdreg s18  }
0xbe: {  	[dreg:$0x3] =	wrdreg s24  }
0xbf: {  	[dreg:$0x4] =	wrdreg $0x120400  }
0xc0: {  	[dreg:$0x5] =	wrdreg $0xA  }
0xc1: {  	_ =	task.clear_ibuf [dreg:s22], $0x6FFFF;
	_ =	strace $0x90000049  }
0xc2: {  	s29 =	simm.s32 $0xA;
	_ =	strace $0x8000004B  }
0xc3: {  	_ =	swait.ge [sflag:s29], $0x1  }
0xc4: {  	[sflag:s29] =	ssyncadd.s32 $0xFFFFFFFF  }
0xc5: {  	_ =	strace $0x9000004B  }
0xc6: {  	_ =	sfence  }
0xc7: {  	s30 =	sld [smem:$0x0];
	_ =	sdelay $0x2  }
0xc8: {  	s31 =	sshll.u32 s1, $0xD;
	s1 =	sshrl.u32 s1, $0x2  }
0xc9: {  	s4 =	sand.u32 $0x4000, s31;
	s1 =	sadd.s32 s1, s30  }
0xca: {  	s0 =	sor.u32 s4, s0;
	s1 =	sshll.u32 s1, $0x11  }
0xcb: {  	s0 =	sor.u32 s1, s0  }
0xcc: {  	s0 =	sadd.s32 $0x8F2B, s0  }
0xcd: {  	[sflag:s0] =	ssyncadd.remote.s32 $0x1  }
0xce: {  	_ =	sfence.sel $0xFFFF  }
0xcf: {  	[dreg:$0x0] =	wrdreg $0xFFFFFFFF;
	(pc) =	sbr.abs _section_cstart, $3  }
0xd0: {  	[dreg:$0x1] =	wrdreg $0xFFFFFFFF  }
0xd1: {  	_ =	task.clear_ibuf [dreg:s22], $0x2FFFF;
	_ =	strace $0x9FFFFFFF  }
0xd2: {  	(tm) =	ssettm $0x7FFFFFFF  }
0xd3: {  	_ =	shalt  }
tec
execute0_lowered:
.L_overlay_start_1:
0x0: {  	(tag) =	ssettag $0x1  }
0x1: {  	s1 =	rddreg [dreg:$0x0]  }
0x2: {  	s0 =	rddreg [dreg:$0x1]  }
0x3: {  	s3 =	rddreg [dreg:$0x2]  }
0x4: {  	s4 =	simm.s32 $0x0;
	s8 =	stileid.u32;
	s5 =	srdreg.scid  }
0x5: {  	s14 =	simm.s32 $0x10040;
	s15 =	simm.s32 $0xB;
	s17 =	simm.s32 $0x50  }
0x6: {  	s18 =	simm.s32 $0x9C40;
	s19 =	simm.s32 $0xB040;
	s21 =	simm.s32 $0xC440  }
0x7: {  	s28 =	simm.s32 $0x6;
	s29 =	simm.s32 $0x2;
	s30 =	simm.s32 $0x7  }
0x8: {  	s31 =	simm.s32 $0x3;
	s16 =	simm.s32 $0x4;
	s2 =	smul.u32 $0x4E20, s8  }
0x9: {  	s20 =	simm.s32 $0x9;
	s22 =	simm.s32 $0x5;
	s23 =	smul.u32 $0x14000, s8  }
0xa: {  	[smem:$0x7FF] =	sst s4;
	s6 =	sand.u32 $0x1, s5;
	s8 =	smul.u32 $0x28000, s8  }
0xb: {  	_ =	strace $0x8000004A;
	s7 =	sshll.u32 s6, $0x6;
	s24 =	ssub.s32 $0x2, s6  }
0xc: {  	s2 =	sshrl.u32 s2, $0x3;
	s5 =	sor.u32 s7, s23;
	s9 =	sshrl.u32 s24, $0x1  }
0xd: {  	s8 =	sshrl.u32 s8, $0x2;
	s23 =	simm.s32 $0xD840;
	s2 =	sadd.s32 s2, s0  }
0xe: {  	s5 =	sshrl.u32 s5, $0x3;
	s13 =	ssub.s32 s24, s9;
	s24 =	simm.s32 $0xA  }
0xf: {  	s0 =	sadd.s32 s5, s0;
	s5 =	sadd.s32 s8, s3;
	s10 =	sadd.s32 $0x3800, s2  }
0x10: {  	s11 =	sadd.s32 $0xD440, s2;
	s13 =	smax.u32 s13, $0x1;
	s25 =	sadd.s32 $0x2000, s5  }
0x11: {  	s26 =	sadd.s32 $0x4000, s5;
	s8 =	sadd.s32 $0x6000, s5;
	s9 =	sadd.s32 $0x8000, s5  }
0x12: {  	s12 =	sadd.s32 $0x21200, s0;
	s0 =	simm.s32 $0x8;
	[dreg:$0x4] =	wrdreg s25  }
0x13: {  	v1 =	vimm.f32 $0.0e+00;
	v0 =	vmov s6;
	[dreg:$0x5] =	wrdreg s26;
	s25 =	simm.s32 $0xEC40;
	s26 =	simm.s32 $0x1  }
.LBB2_1:
0x14: {  	s6 =	simm.s32 $0x100;
	s2 =	simm.s32 $0x0  }
.LBB2_2:
0x15: {  	p0 =	sne.s32 s6, $0x7F00;
	[tilespmem:s2+$0x10070] =	vst v1;
	s7 =	smov.u32 s6;
	s6 =	sadd.s32 $0x100, s6  }
.Ltmp0:
0x16: {  	[tilespmem:s2+$0x10060] =	vst v1;
	(pc) =	sbr.rel @p0 .LBB2_2-.Ltmp0, $3  }
0x17: {  	[tilespmem:s2+$0x10040] =	vst v1  }
0x18: {  	[tilespmem:s2+$0x10050] =	vst v1;
	_ =	sdelay $0x1  }
0x19: {  	s2 =	sshra.s32 s7, $0x2  }
0x1a: {  	[tilespmem:s2+$0x10070] =	vst v1  }
0x1b: {  	[tilespmem:s2+$0x10060] =	vst v1  }
0x1c: {  	[tilespmem:s2+$0x10040] =	vst v1  }
0x1d: {  	[tilespmem:s2+$0x10050] =	vst v1  }
0x1e: {  	[spmem:s5] =	stream.linear.scatter [tilespmem:s14], [sflag:$0xB], $0x2000, $0x38;
	[tilespmem:$0x1C040] =	vst v63  }
0x1f: {  	_ =	swait.ge [sflag:s15], $0x2000  }
0x20: {  	[sflag:s15] =	ssyncset.done $0x0  }
0x21: {  	s7 =	rddreg [dreg:$0x4];
	[sflag:s15] =	ssyncadd.s32 $0xFFFFE000  }
0x22: {  	[spmem:s7] =	stream.linear.scatter [tilespmem:s14], [sflag:$0xB], $0x2000, $0x38;
	[tilespmem:$0x1C040] =	vst v63  }
0x23: {  	_ =	swait.ge [sflag:s15], $0x2000  }
0x24: {  	[sflag:s15] =	ssyncset.done $0x0  }
0x25: {  	s6 =	rddreg [dreg:$0x5];
	[sflag:s15] =	ssyncadd.s32 $0xFFFFE000  }
0x26: {  	[spmem:s6] =	stream.linear.scatter [tilespmem:s14], [sflag:$0xB], $0x2000, $0x38;
	[tilespmem:$0x1C040] =	vst v63  }
0x27: {  	_ =	swait.ge [sflag:s15], $0x2000  }
0x28: {  	[sflag:s15] =	ssyncset.done $0x0  }
0x29: {  	[sflag:s15] =	ssyncadd.s32 $0xFFFFE000  }
0x2a: {  	[spmem:s8] =	stream.linear.scatter [tilespmem:s14], [sflag:$0xB], $0x2000, $0x38;
	[tilespmem:$0x1C040] =	vst v63  }
0x2b: {  	_ =	swait.ge [sflag:s15], $0x2000  }
0x2c: {  	[sflag:s15] =	ssyncset.done $0x0  }
0x2d: {  	[sflag:s15] =	ssyncadd.s32 $0xFFFFE000  }
0x2e: {  	[spmem:s9] =	stream.linear.scatter [tilespmem:s14], [sflag:$0xB], $0x2000, $0x38;
	[tilespmem:$0x1C040] =	vst v63  }
0x2f: {  	_ =	swait.ge [sflag:s15], $0x2000  }
0x30: {  	[sflag:s15] =	ssyncset.done $0x0  }
0x31: {  	s7 =	simm.s32 $0x0;
	[sflag:s15] =	ssyncadd.s32 $0xFFFFE000  }
0x32: {  	[tilespmem:s7], [sflag:$0xB] =	stream.linear.gather [hbm4b:s10+s7], $0x4E20, $0x38;
	[tilespmem:$0x1C040] =	vst v63  }
0x33: {  	_ =	swait.ge [sflag:s15], $0x4E20  }
0x34: {  	[sflag:s15] =	ssyncset.done $0x0  }
0x35: {  	s6 =	simm.s32 $0x4E20;
	[sflag:s15] =	ssyncadd.s32 $0xFFFFB1E0  }
0x36: {  	[tilespmem:s6], [sflag:$0xB] =	stream.linear.gather [hbm4b:s11+s7], $0x4E20, $0x38;
	[tilespmem:$0x1C040] =	vst v63  }
0x37: {  	_ =	swait.ge [sflag:s15], $0x4E20  }
0x38: {  	[sflag:s15] =	ssyncset.done $0x0  }
0x39: {  	s2 =	simm.s32 $0x0;
	[sflag:s15] =	ssyncadd.s32 $0xFFFFB1E0  }
0x3a: {  	v4 =	vld [tilespmem:s2+$0x0]  }
0x3b: {  	v5 =	vld [tilespmem:s2+$0x10]  }
0x3c: {  	v3 =	vld [tilespmem:s2+$0x20]  }
0x3d: {  	s6 =	simm.s32 $0x140;
	v2 =	vld [tilespmem:s2+$0x30]  }
.LBB2_4:
0x3e: {  	p0 =	sne.s32 s6, $0x13740;
	v6 =	vld [tilespmem:s2+$0x40]  }
0x3f: {  	v4 =	vshll.u32 v4, $0x1  }
0x40: {  	v4 =	vor.u32 v0, v4;
	v5 =	vshll.u32 v5, $0x1  }
.Ltmp1:
0x41: {  	s7 =	sshra.s32 s6, $0x2;
	[tilespmem:s2+$0x0] =	vst v4;
	v5 =	vor.u32 v0, v5;
	v3 =	vshll.u32 v3, $0x1;
	(pc) =	sbr.rel @p0 .LBB2_4-.Ltmp1, $4  }
0x42: {  	v4 =	vld [tilespmem:s7+$0x0];
	[tilespmem:s2+$0x10] =	vst v5;
	v3 =	vor.u32 v0, v3;
	v2 =	vshll.u32 v2, $0x1  }
0x43: {  	v5 =	vld [tilespmem:s7+$0x10];
	[tilespmem:s2+$0x20] =	vst v3;
	v2 =	vor.u32 v0, v2;
	v6 =	vshll.u32 v6, $0x1  }
0x44: {  	v3 =	vld [tilespmem:s7+$0x20];
	[tilespmem:s2+$0x30] =	vst v2;
	v6 =	vor.u32 v0, v6  }
0x45: {  	s6 =	sadd.s32 $0x140, s6;
	v2 =	vld [tilespmem:s7+$0x30];
	[tilespmem:s2+$0x40] =	vst v6;
	s2 =	smov.u32 s7  }
0x46: {  	v6 =	vld [tilespmem:s2+$0x40]  }
0x47: {  	v4 =	vshll.u32 v4, $0x1  }
0x48: {  	v4 =	vor.u32 v0, v4;
	v5 =	vshll.u32 v5, $0x1  }
0x49: {  	[tilespmem:s2+$0x0] =	vst v4;
	v63 =	vor.u32 v0, v5;
	v3 =	vshll.u32 v3, $0x1  }
0x4a: {  	[tilespmem:s2+$0x10] =	vst v63;
	v3 =	vor.u32 v0, v3;
	v2 =	vshll.u32 v2, $0x1  }
0x4b: {  	[tilespmem:s2+$0x20] =	vst v3;
	v2 =	vor.u32 v0, v2;
	v3 =	vshll.u32 v6, $0x1  }
0x4c: {  	[tilespmem:s2+$0x30] =	vst v2;
	v2 =	vor.u32 v0, v3  }
0x4d: {  	[tilespmem:s2+$0x40] =	vst v2  }
0x4e: {  	s7 =	simm.s32 $0x0;
	[bflag:$0x0] =	sbarrier.arrive $0xFFFF  }
0x4f: {  	[tilespmem:s18], [sflag:$0x1] =	stream.indirect.gather [hbm4b:s1+s17], $0x40, s7, s17, $0xb8;
	[tilespmem:$0x1C040] =	vst v63  }
0x50: {  	_ = 	snop  }
0x51: {  	[tilespmem:s19], [sflag:$0x2] =	stream.indirect.gather [hbm4b:s1+s17], $0x40, s17, s17, $0xb8;
	[tilespmem:$0x1C040] =	vst v63  }
0x52: {  	s6 =	simm.s32 $0xA0  }
0x53: {  	[tilespmem:s21], [sflag:$0x3] =	stream.indirect.gather [hbm4b:s1+s17], $0x40, s6, s17, $0xb8;
	[tilespmem:$0x1C040] =	vst v63  }
0x54: {  	s7 =	simm.s32 $0xF0  }
0x55: {  	[tilespmem:s23], [sflag:$0x4] =	stream.indirect.gather [hbm4b:s1+s17], $0x40, s7, s17, $0xb8;
	[tilespmem:$0x1C040] =	vst v63  }
0x56: {  	s6 =	simm.s32 $0x140  }
0x57: {  	[tilespmem:s25], [sflag:$0x5] =	stream.indirect.gather [hbm4b:s1+s17], $0x40, s6, s17, $0xb8;
	[tilespmem:$0x1C040] =	vst v63  }
0x58: {  	_ =	swait.ge [sflag:s26], $0x1400  }
0x59: {  	[sflag:s26] =	ssyncset.done $0x0  }
0x5a: {  	s7 =	simm.s32 $0x4E20;
	[sflag:s26] =	ssyncadd.s32 $0xFFFFEC00  }
0x5b: {  	[spmem:s3] =	stream.indirect.scatter.add.f32 [tilespmem:s18], [sflag:$0x6], $0x40, s7, s17, $0xb8;
	[tilespmem:$0x1C040] =	vst v63  }
0x5c: {  	_ =	swait.ge [sflag:s28], $0x1400  }
0x5d: {  	[sflag:s28] =	ssyncset.done $0x0  }
0x5e: {  	s6 =	simm.s32 $0x190;
	[sflag:s28] =	ssyncadd.s32 $0xFFFFEC00  }
0x5f: {  	[tilespmem:s18], [sflag:$0x1] =	stream.indirect.gather [hbm4b:s1+s17], $0x40, s6, s17, $0xb8;
	[tilespmem:$0x1C040] =	vst v63  }
0x60: {  	_ =	swait.ge [sflag:s29], $0x1400  }
0x61: {  	[sflag:s29] =	ssyncset.done $0x0  }
0x62: {  	s7 =	simm.s32 $0x4E70;
	[sflag:s29] =	ssyncadd.s32 $0xFFFFEC00  }
0x63: {  	[spmem:s3] =	stream.indirect.scatter.add.f32 [tilespmem:s19], [sflag:$0x7], $0x40, s7, s17, $0xb8;
	[tilespmem:$0x1C040] =	vst v63  }
0x64: {  	_ =	swait.ge [sflag:s30], $0x1400  }
0x65: {  	[sflag:s30] =	ssyncset.done $0x0  }
0x66: {  	s6 =	simm.s32 $0x1E0;
	[sflag:s30] =	ssyncadd.s32 $0xFFFFEC00  }
0x67: {  	[tilespmem:s19], [sflag:$0x2] =	stream.indirect.gather [hbm4b:s1+s17], $0x40, s6, s17, $0xb8;
	[tilespmem:$0x1C040] =	vst v63  }
0x68: {  	_ =	swait.ge [sflag:s31], $0x1400  }
0x69: {  	[sflag:s31] =	ssyncset.done $0x0  }
0x6a: {  	s7 =	simm.s32 $0x4EC0;
	[sflag:s31] =	ssyncadd.s32 $0xFFFFEC00  }
0x6b: {  	[spmem:s3] =	stream.indirect.scatter.add.f32 [tilespmem:s21], [sflag:$0x8], $0x40, s7, s17, $0xb8;
	[tilespmem:$0x1C040] =	vst v63  }
0x6c: {  	_ =	swait.ge [sflag:s0], $0x1400  }
0x6d: {  	[sflag:s0] =	ssyncset.done $0x0  }
0x6e: {  	s6 =	simm.s32 $0x230;
	[sflag:s0] =	ssyncadd.s32 $0xFFFFEC00  }
0x6f: {  	[tilespmem:s21], [sflag:$0x3] =	stream.indirect.gather [hbm4b:s1+s17], $0x40, s6, s17, $0xb8;
	[tilespmem:$0x1C040] =	vst v63  }
0x70: {  	_ =	swait.ge [sflag:s16], $0x1400  }
0x71: {  	[sflag:s16] =	ssyncset.done $0x0  }
0x72: {  	s7 =	simm.s32 $0x4F10;
	[sflag:s16] =	ssyncadd.s32 $0xFFFFEC00  }
0x73: {  	[spmem:s3] =	stream.indirect.scatter.add.f32 [tilespmem:s23], [sflag:$0x9], $0x40, s7, s17, $0xb8;
	[tilespmem:$0x1C040] =	vst v63  }
0x74: {  	_ =	swait.ge [sflag:s20], $0x1400  }
0x75: {  	[sflag:s20] =	ssyncset.done $0x0  }
0x76: {  	s6 =	simm.s32 $0x280;
	[sflag:s20] =	ssyncadd.s32 $0xFFFFEC00  }
0x77: {  	[tilespmem:s23], [sflag:$0x4] =	stream.indirect.gather [hbm4b:s1+s17], $0x40, s6, s17, $0xb8;
	[tilespmem:$0x1C040] =	vst v63  }
0x78: {  	_ =	swait.ge [sflag:s22], $0x1400  }
0x79: {  	[sflag:s22] =	ssyncset.done $0x0  }
0x7a: {  	s7 =	simm.s32 $0x4F60;
	[sflag:s22] =	ssyncadd.s32 $0xFFFFEC00  }
0x7b: {  	[spmem:s3] =	stream.indirect.scatter.add.f32 [tilespmem:s25], [sflag:$0xA], $0x40, s7, s17, $0xb8;
	[tilespmem:$0x1C040] =	vst v63  }
0x7c: {  	_ =	swait.ge [sflag:s24], $0x1400  }
0x7d: {  	[sflag:s24] =	ssyncset.done $0x0  }
0x7e: {  	s2 =	simm.s32 $0x640;
	s6 =	simm.s32 $0x2D0;
	[sflag:s24] =	ssyncadd.s32 $0xFFFFEC00  }
.LBB2_6:
0x7f: {  	[tilespmem:s25], [sflag:$0x5] =	stream.indirect.gather [hbm4b:s1+s17], $0x40, s6, s17, $0xb8;
	[tilespmem:$0x1C040] =	vst v63  }
0x80: {  	s6 =	smov.u32 s2  }
0x81: {  	p0 =	sne.s32 s2, $0x12C00;
	s2 =	sadd.s32 $0x640, s2;
	_ =	swait.ge [sflag:s26], $0x1400  }
0x82: {  	s6 =	sshra.s32 s6, $0x2;
	[sflag:s26] =	ssyncset.done $0x0  }
0x83: {  	s7 =	sadd.s32 $0x4E20, s6;
	[sflag:s26] =	ssyncadd.s32 $0xFFFFEC00  }
0x84: {  	[spmem:s3] =	stream.indirect.scatter.add.f32 [tilespmem:s18], [sflag:$0x6], $0x40, s7, s17, $0xb8;
	[tilespmem:$0x1C040] =	vst v63  }
0x85: {  	_ =	swait.ge [sflag:s28], $0x1400  }
0x86: {  	[sflag:s28] =	ssyncset.done $0x0  }
0x87: {  	s7 =	sadd.s32 $0x190, s6;
	[sflag:s28] =	ssyncadd.s32 $0xFFFFEC00  }
0x88: {  	[tilespmem:s18], [sflag:$0x1] =	stream.indirect.gather [hbm4b:s1+s17], $0x40, s7, s17, $0xb8;
	[tilespmem:$0x1C040] =	vst v63  }
0x89: {  	_ =	swait.ge [sflag:s29], $0x1400  }
0x8a: {  	[sflag:s29] =	ssyncset.done $0x0  }
0x8b: {  	s7 =	sadd.s32 $0x4E70, s6;
	[sflag:s29] =	ssyncadd.s32 $0xFFFFEC00  }
0x8c: {  	[spmem:s3] =	stream.indirect.scatter.add.f32 [tilespmem:s19], [sflag:$0x7], $0x40, s7, s17, $0xb8;
	[tilespmem:$0x1C040] =	vst v63  }
0x8d: {  	_ =	swait.ge [sflag:s30], $0x1400  }
0x8e: {  	[sflag:s30] =	ssyncset.done $0x0  }
0x8f: {  	s7 =	sadd.s32 $0x1E0, s6;
	[sflag:s30] =	ssyncadd.s32 $0xFFFFEC00  }
0x90: {  	[tilespmem:s19], [sflag:$0x2] =	stream.indirect.gather [hbm4b:s1+s17], $0x40, s7, s17, $0xb8;
	[tilespmem:$0x1C040] =	vst v63  }
0x91: {  	_ =	swait.ge [sflag:s31], $0x1400  }
0x92: {  	[sflag:s31] =	ssyncset.done $0x0  }
0x93: {  	s7 =	sadd.s32 $0x4EC0, s6;
	[sflag:s31] =	ssyncadd.s32 $0xFFFFEC00  }
0x94: {  	[spmem:s3] =	stream.indirect.scatter.add.f32 [tilespmem:s21], [sflag:$0x8], $0x40, s7, s17, $0xb8;
	[tilespmem:$0x1C040] =	vst v63  }
0x95: {  	_ =	swait.ge [sflag:s0], $0x1400  }
0x96: {  	[sflag:s0] =	ssyncset.done $0x0  }
0x97: {  	s7 =	sadd.s32 $0x230, s6;
	[sflag:s0] =	ssyncadd.s32 $0xFFFFEC00  }
0x98: {  	[tilespmem:s21], [sflag:$0x3] =	stream.indirect.gather [hbm4b:s1+s17], $0x40, s7, s17, $0xb8;
	[tilespmem:$0x1C040] =	vst v63  }
0x99: {  	_ =	swait.ge [sflag:s16], $0x1400  }
0x9a: {  	[sflag:s16] =	ssyncset.done $0x0  }
0x9b: {  	s7 =	sadd.s32 $0x4F10, s6;
	[sflag:s16] =	ssyncadd.s32 $0xFFFFEC00  }
0x9c: {  	[spmem:s3] =	stream.indirect.scatter.add.f32 [tilespmem:s23], [sflag:$0x9], $0x40, s7, s17, $0xb8;
	[tilespmem:$0x1C040] =	vst v63  }
0x9d: {  	_ =	swait.ge [sflag:s20], $0x1400  }
0x9e: {  	[sflag:s20] =	ssyncset.done $0x0  }
0x9f: {  	s7 =	sadd.s32 $0x280, s6;
	[sflag:s20] =	ssyncadd.s32 $0xFFFFEC00  }
0xa0: {  	[tilespmem:s23], [sflag:$0x4] =	stream.indirect.gather [hbm4b:s1+s17], $0x40, s7, s17, $0xb8;
	[tilespmem:$0x1C040] =	vst v63  }
0xa1: {  	_ =	swait.ge [sflag:s22], $0x1400  }
0xa2: {  	[sflag:s22] =	ssyncset.done $0x0  }
.Ltmp2:
0xa3: {  	s7 =	sadd.s32 $0x4F60, s6;
	[sflag:s22] =	ssyncadd.s32 $0xFFFFEC00;
	(pc) =	sbr.rel @p0 .LBB2_6-.Ltmp2, $4  }
0xa4: {  	[spmem:s3] =	stream.indirect.scatter.add.f32 [tilespmem:s25], [sflag:$0xA], $0x40, s7, s17, $0xb8;
	[tilespmem:$0x1C040] =	vst v63  }
0xa5: {  	_ =	swait.ge [sflag:s24], $0x1400  }
0xa6: {  	[sflag:s24] =	ssyncset.done $0x0  }
0xa7: {  	s6 =	sadd.s32 $0x2D0, s6;
	[sflag:s24] =	ssyncadd.s32 $0xFFFFEC00  }
0xa8: {  	[tilespmem:s25], [sflag:$0x5] =	stream.indirect.gather [hbm4b:s1+s17], $0x40, s6, s17, $0xb8;
	[tilespmem:$0x1C040] =	vst v63  }
0xa9: {  	_ =	swait.ge [sflag:s26], $0x1400  }
0xaa: {  	[sflag:s26] =	ssyncset.done $0x0  }
0xab: {  	s2 =	simm.s32 $0x9AB0;
	[sflag:s26] =	ssyncadd.s32 $0xFFFFEC00  }
0xac: {  	[spmem:s3] =	stream.indirect.scatter.add.f32 [tilespmem:s18], [sflag:$0x6], $0x40, s2, s17, $0xb8;
	[tilespmem:$0x1C040] =	vst v63  }
0xad: {  	_ =	swait.ge [sflag:s29], $0x1400  }
0xae: {  	[sflag:s29] =	ssyncset.done $0x0  }
0xaf: {  	s7 =	simm.s32 $0x9B00;
	[sflag:s29] =	ssyncadd.s32 $0xFFFFEC00  }
0xb0: {  	[spmem:s3] =	stream.indirect.scatter.add.f32 [tilespmem:s19], [sflag:$0x7], $0x40, s7, s17, $0xb8;
	[tilespmem:$0x1C040] =	vst v63  }
0xb1: {  	_ =	swait.ge [sflag:s31], $0x1400  }
0xb2: {  	[sflag:s31] =	ssyncset.done $0x0  }
0xb3: {  	s6 =	simm.s32 $0x9B50;
	[sflag:s31] =	ssyncadd.s32 $0xFFFFEC00  }
0xb4: {  	[spmem:s3] =	stream.indirect.scatter.add.f32 [tilespmem:s21], [sflag:$0x8], $0x40, s6, s17, $0xb8;
	[tilespmem:$0x1C040] =	vst v63  }
0xb5: {  	_ =	swait.ge [sflag:s16], $0x1400  }
0xb6: {  	[sflag:s16] =	ssyncset.done $0x0  }
0xb7: {  	s7 =	simm.s32 $0x9BA0;
	[sflag:s16] =	ssyncadd.s32 $0xFFFFEC00  }
0xb8: {  	[spmem:s3] =	stream.indirect.scatter.add.f32 [tilespmem:s23], [sflag:$0x9], $0x40, s7, s17, $0xb8;
	[tilespmem:$0x1C040] =	vst v63  }
0xb9: {  	_ =	swait.ge [sflag:s22], $0x1400  }
0xba: {  	[sflag:s22] =	ssyncset.done $0x0  }
0xbb: {  	s6 =	simm.s32 $0x9BF0;
	[sflag:s22] =	ssyncadd.s32 $0xFFFFEC00  }
0xbc: {  	[spmem:s3] =	stream.indirect.scatter.add.f32 [tilespmem:s25], [sflag:$0xA], $0x40, s6, s17, $0xb8;
	[tilespmem:$0x1C040] =	vst v63  }
0xbd: {  	_ =	swait.ge [sflag:s28], $0x1400  }
0xbe: {  	[sflag:s28] =	ssyncset.done $0x0  }
0xbf: {  	[sflag:s28] =	ssyncadd.s32 $0xFFFFEC00  }
0xc0: {  	_ =	swait.ge [sflag:s30], $0x1400  }
0xc1: {  	[sflag:s30] =	ssyncset.done $0x0  }
0xc2: {  	[sflag:s30] =	ssyncadd.s32 $0xFFFFEC00  }
0xc3: {  	_ =	swait.ge [sflag:s0], $0x1400  }
0xc4: {  	[sflag:s0] =	ssyncset.done $0x0  }
0xc5: {  	[sflag:s0] =	ssyncadd.s32 $0xFFFFEC00  }
0xc6: {  	_ =	swait.ge [sflag:s20], $0x1400  }
0xc7: {  	[sflag:s20] =	ssyncset.done $0x0  }
0xc8: {  	[sflag:s20] =	ssyncadd.s32 $0xFFFFEC00  }
0xc9: {  	s4 =	sadd.s32 $0x1, s4;
	s7 =	stileid.u32;
	_ =	swait.ge [sflag:s24], $0x1400  }
0xca: {  	p0 =	sne.s32 s4, s13;
	s2 =	sshll.u32 s7, $0x6;
	[sflag:s24] =	ssyncset.done $0x0  }
0xcb: {  	s7 =	simm.s32 $0x10;
	s2 =	sor.u32 $0x1C0B, s2;
	[sflag:s24] =	ssyncadd.s32 $0xFFFFEC00  }
.Ltmp3:
0xcc: {  	s6 =	sshrl.u32 s5, $0x3;
	[bflag:$0x0] =	sbarrier.arrive $0xFFFF;
	(pc) =	sbr.rel @p0 .LBB2_1-.Ltmp3, $4  }
0xcd: {  	[hbm:s12@s7], [sflag:s2] =	dma.strided [spmem:s6@s0], $0x1400, s26, $0x8   }
0xce: {  	_ =	swait.ge [sflag:s15], $0x1400  }
0xcf: {  	[sflag:s15] =	ssyncset.done $0x0  }
0xd0: {  	[sflag:s15] =	ssyncadd.s32 $0xFFFFEC00  }
0xd1: {  	_ =	sfence.sel $0x180000  }
0xd2: {  	[bflag:$0x0] =	sbarrier.arrive $0xFFFF  }
0xd3: {  	_ =	strace $0x9000004A  }
0xd4: {  	s0 =	stileid.u32;
	[bflag:$0x2] =	sbarrier.arrive $0xFFFF  }
0xd5: {  	p0 =	sne.s32 s0, $0x0;
	s0 =	rddreg [dreg:$0x3]  }
0xd6: {  	s0 =	sadd.s32 @!p0 $0x100000, s0  }
0xd7: {  	[sflag:s0] =	ssyncadd.tile.s32 @!p0 $0x1;
	_ =	shalt  }
.Lfunc_end2:
_tile_overlayer_lowered:
.L_overlay_start_2:
0xd8: {  	(tag) =	ssettag $0x2  }
0xd9: {  	s0 =	rddreg [dreg:$0x0];
	s2 =	stileid.u32  }
0xda: {  	s1 =	rddreg [dreg:$0x1];
	p0 =	sne.s32 s2, $0x0  }
0xdb: {  	s3 =	rddreg [dreg:$0x2];
	[bflag:$0x3] =	sbarrier.arrive $0xFFFF;
	s2 =	simm.s32 @!p0 $0x1C0B  }
0xdc: {  	[timem:s3], [sflag:s2] =	dma.local @!p0 [hbm:s0], s1  }
0xdd: {  	s0 =	simm.s32 @!p0 $0xB  }
0xde: {  	_ =	swait.ge @!p0 [sflag:s0], s1  }
0xdf: {  	s1 =	ssub.s32 @!p0 $0x0, s1;
	[sflag:s0] =	ssyncset.done @!p0 $0x0  }
0xe0: {  	[sflag:s0] =	ssyncadd.s32 @!p0 s1  }
0xe1: {  	[bflag:$0x3] =	sbarrier.arrive $0xFFFF  }
0xe2: {  	_ =	shalt  }

// kernel: kernel.14.cloned.1.call-start
scs
__scs_entry_jumppad:
0x0: {  	(pc) =	sbr.rel $0x88, $3  }
0x1: {  	(tag) =	ssettag $0x0;
	lr =	simm.s32 $0x1  }
0x2: {  	[smem:$0x3F99] =	sst lr;
	_ =	strace $0xD0000000  }
0x3: {  	_ = 	snop  }
0x4: {  	_ = 	snop  }
0x5: {  	_ = 	snop  }
0x6: {  	_ = 	snop  }
0x7: {  	_ = 	snop  }
__scs_overlays_trampoline_lowered:
0x8: {  	[smem:$0x3FA8] =	sst s0  }
0x9: {  	[smem:$0x3FA9] =	sst s1  }
0xa: {  	[smem:$0x3FAA] =	sst s2  }
0xb: {  	[smem:$0x3FAB] =	sst s3  }
0xc: {  	[smem:$0x3FAC] =	sst s4  }
0xd: {  	[smem:$0x3FAD] =	sst s5  }
0xe: {  	[smem:$0x3FAE] =	sst s6  }
0xf: {  	[smem:$0x3FAF] =	sst s7  }
0x10: {  	[smem:$0x3FB0] =	sst s8  }
0x11: {  	[smem:$0x3FB1] =	sst s9;
	s0 =	simm.s32 @!p0 $0x0  }
0x12: {  	s1 =	sld [smem:$0x3F97];
	s0 =	simm.s32 @p0 $0x1  }
0x13: {  	[smem:$0x3FB2] =	sst s0;
	s0 =	simm.s32 @!p1 $0x0  }
0x14: {  	s2 =	sld [smem:$0x3F96];
	s0 =	simm.s32 @p1 $0x1  }
0x15: {  	[smem:$0x3FB3] =	sst s0;
	s0 =	simm.s32 @!p2 $0x0  }
0x16: {  	s3 =	sld [smem:$0x3FDB];
	s0 =	simm.s32 @p2 $0x1  }
0x17: {  	s4 =	simm.s32 $0x1BF5;
	[smem:$0x3FB5] =	sst s0  }
0x18: {  	s0 =	sld [smem:$0x3F98];
	_ =	swait.ge [sflag:s4], $0x0  }
0x19: {  	s7 =	sld [smem:$0x3F99]  }
0x1a: {  	s8 =	sadd.s32 $0xFFFFE003, lr  }
0x1b: {  	s9 =	sadd.s32 $0xFFFFFEF7, lr;
	s5 =	simm.s32 $0xFFFFFFFF;
	p2 =	slt.u32 s8, $0xFFFFF086  }
0x1c: {  	p1 =	slt.u32 s9, $0xF7A;
	s5 =	simm.s32 @!p2 $0x0  }
0x1d: {  	s5 =	simm.s32 @p1 $0x1;
	p0 =	seq.s32 s7, s2  }
0x1e: {  	s7 =	smul.u32 @!p0 $0xF7A, s2;
	p2 =	seq.s32 @!p0 s5, $0x0  }
0x1f: {  	s9 =	smul.u32 $0xF7A, s1;
	s8 =	simm.s32 @!p0 $0x1BF5;
	p2 =	por !p2, p0  }
0x20: {  	[sflag:s8] =	ssyncset.s32 @!p0 $0xFFFFF086;
	s6 =	sadd.s32 @!p0 s3, s7;
	s7 =	simm.s32 @!p0 $0x108  }
0x21: {  	s3 =	sadd.s32 s3, s9;
	s6 =	sadd.s32 @!p0 $0x88, s6;
	s7 =	simm.s32 @p2 $0x1082  }
0x22: {  	[simem:s7], [sflag:s8] =	dma.local @!p0 [hbm:s6], $0xF7A  }
0x23: {  	s9 =	sor.u32 $0xD0000000, s2;
	s6 =	simm.s32 $0x108;
	_ =	swait.ge @!p0 [sflag:s8], $0x0  }
0x24: {  	s3 =	sadd.s32 $0x88, s3;
	s6 =	simm.s32 @!p1 $0x1082;
	[sflag:s4] =	ssyncset.s32 $0xFFFFF086  }
0x25: {  	[simem:s6], [sflag:s4] =	dma.local [hbm:s3], $0xF7A  }
0x26: {  	[smem:$0x3F99] =	sst s1;
	(tag) =	ssettag s2;
	_ =	strace s9  }
0x27: {  	s1 =	sld [smem:$0x3FA9]  }
0x28: {  	s2 =	sld [smem:$0x3FAA]  }
0x29: {  	s4 =	sld [smem:$0x3FAC]  }
0x2a: {  	p0 =	seq.s32 s5, $0x0;
	s5 =	sld [smem:$0x3FAD]  }
0x2b: {  	s6 =	sld [smem:$0x3FAE]  }
0x2c: {  	s7 =	sld [smem:$0x3FAF]  }
0x2d: {  	s3 =	simm.s32 $0x108;
	s8 =	sld [smem:$0x3FB0]  }
0x2e: {  	s3 =	simm.s32 @!p0 $0x1082;
	s9 =	sld [smem:$0x3FB1]  }
0x2f: {  	lr =	sadd.s32 s0, s3;
	s0 =	sld [smem:$0x3FA8]  }
0x30: {  	s3 =	sld [smem:$0x3FAB]  }
0x31: {  	[smem:$0x3FB4] =	sst s10  }
0x32: {  	s10 =	sld [smem:$0x3FB2];
	_ =	sdelay $0x3  }
0x33: {  	p0 =	seq.s32 s10, $0x1;
	s10 =	sld [smem:$0x3FB4];
	_ =	sdelay $0x3  }
0x34: {  	[smem:$0x3FB4] =	sst s10  }
0x35: {  	s10 =	sld [smem:$0x3FB3];
	_ =	sdelay $0x3  }
0x36: {  	p1 =	seq.s32 s10, $0x1;
	s10 =	sld [smem:$0x3FB4];
	_ =	sdelay $0x3  }
0x37: {  	[smem:$0x3FB4] =	sst s10  }
0x38: {  	s10 =	sld [smem:$0x3FB5]  }
0x39: {  	_ = 	snop;
	(pc) =	sbr.ind lr, $3  }
0x3a: {  	_ = 	snop  }
0x3b: {  	_ = 	snop  }
0x3c: {  	p2 =	seq.s32 s10, $0x1;
	s10 =	sld [smem:$0x3FB4]  }
0x3d: {  	_ =	shalt  }
0x3e: {  	_ =	shalt  }
0x3f: {  	_ =	shalt  }
0x40: {  	_ =	shalt  }
0x41: {  	_ =	shalt  }
0x42: {  	_ =	shalt  }
0x43: {  	_ =	shalt  }
0x44: {  	_ =	shalt  }
0x45: {  	_ =	shalt  }
0x46: {  	_ =	shalt  }
0x47: {  	_ =	shalt  }
0x48: {  	_ =	shalt  }
0x49: {  	_ =	shalt  }
0x4a: {  	_ =	shalt  }
0x4b: {  	_ =	shalt  }
0x4c: {  	_ =	shalt  }
0x4d: {  	_ =	shalt  }
0x4e: {  	_ =	shalt  }
0x4f: {  	_ =	shalt  }
0x50: {  	_ =	shalt  }
0x51: {  	_ =	shalt  }
0x52: {  	_ =	shalt  }
0x53: {  	_ =	shalt  }
0x54: {  	_ =	shalt  }
0x55: {  	_ =	shalt  }
0x56: {  	_ =	shalt  }
0x57: {  	_ =	shalt  }
0x58: {  	_ =	shalt  }
0x59: {  	_ =	shalt  }
0x5a: {  	_ =	shalt  }
0x5b: {  	_ =	shalt  }
0x5c: {  	_ =	shalt  }
0x5d: {  	_ =	shalt  }
0x5e: {  	_ =	shalt  }
0x5f: {  	_ =	shalt  }
0x60: {  	_ =	shalt  }
0x61: {  	_ =	shalt  }
0x62: {  	_ =	shalt  }
0x63: {  	_ =	shalt  }
0x64: {  	_ =	shalt  }
0x65: {  	_ =	shalt  }
0x66: {  	_ =	shalt  }
0x67: {  	_ =	shalt  }
0x68: {  	_ =	shalt  }
0x69: {  	_ =	shalt  }
0x6a: {  	_ =	shalt  }
0x6b: {  	_ =	shalt  }
0x6c: {  	_ =	shalt  }
0x6d: {  	_ =	shalt  }
0x6e: {  	_ =	shalt  }
0x6f: {  	_ =	shalt  }
0x70: {  	_ =	shalt  }
0x71: {  	_ =	shalt  }
0x72: {  	_ =	shalt  }
0x73: {  	_ =	shalt  }
0x74: {  	_ =	shalt  }
0x75: {  	_ =	shalt  }
0x76: {  	_ =	shalt  }
0x77: {  	_ =	shalt  }
0x78: {  	_ =	shalt  }
0x79: {  	_ =	shalt  }
0x7a: {  	_ =	shalt  }
0x7b: {  	_ =	shalt  }
0x7c: {  	_ =	shalt  }
0x7d: {  	_ =	shalt  }
0x7e: {  	_ =	shalt  }
0x7f: {  	_ =	shalt  }
0x80: {  	_ =	shalt  }
0x81: {  	_ =	shalt  }
0x82: {  	_ =	shalt  }
0x83: {  	_ =	shalt  }
0x84: {  	_ =	shalt  }
0x85: {  	_ =	shalt  }
0x86: {  	_ =	shalt  }
0x87: {  	_ =	shalt  }
.Lfunc_end0:
.L_simem_size_0:
called_computation.2_lowered:
.L_overlay_start_0:
0x88: {  	s2 =	sld [smem:$0x3FD9]  }
0x89: {  	s3 =	sld [smem:$0x3FFE];
	_ =	sdelay $0x1  }
0x8a: {  	s1 =	srdreg.scid  }
0x8b: {  	s0 =	sand.u32 $0x1, s1  }
0x8c: {  	s17 =	sshll.u32 s0, $0xA;
	s2 =	sadd.s32 s3, s2  }
0x8d: {  	s2 =	sadd.s32 s2, s17  }
0x8e: {  	[smem:$0x3FC0] =	sst s2  }
0x8f: {  	_ = 	snop  }
0x90: {  	s2 =	sld [smem:$0x3FD0];
	(tm) =	ssettm $0x1  }
0x91: {  	s18 =	sld [smem:$0x3FFB];
	_ =	sdelay $0x3  }
0x92: {  	_ =	strace s18  }
0x93: {  	s3 =	sld [smem:$0x3FFC];
	_ =	sdelay $0x3  }
0x94: {  	_ =	strace s3  }
0x95: {  	s3 =	sld [smem:$0x3FFD];
	_ =	sdelay $0x3  }
0x96: {  	_ =	strace s3  }
0x97: {  	_ =	strace $0x8FFFFFFF  }
0x98: {  	s19 =	sld [smem:$0x3FDB];
	_ =	sdelay $0x1  }
0x99: {  	s4 =	simm.s32 $_scs_section_size  }
0x9a: {  	s5 =	simm.s32 $_size__tile_overlayer_lowered;
	s6 =	simm.s32 $_tile_overlayer_lowered  }
0x9b: {  	s22 =	simm.s32 $0x1BFF;
	s21 =	sshll.u32 s6, $0x1;
	s3 =	sadd.s32 s4, s19  }
0x9c: {  	s7 =	simm.s32 $0x0;
	s20 =	sshll.u32 s5, $0x1;
	s5 =	sadd.s32 s21, s3  }
0x9d: {  	[timem:s7], [sflag:s22] =	dma.local [hbm:s5], s20  }
0x9e: {  	_ =	swait.ge [sflag:s22], s20  }
0x9f: {  	s4 =	ssub.s32 $0x0, s20;
	[sflag:s22] =	ssyncset.done $0x0  }
0xa0: {  	[sflag:s22] =	ssyncadd.s32 s4;
	_ =	sdelay $0x1  }
0xa1: {  	s23 =	simm.s32 $0x1B8B  }
0xa2: {  	_ =	swait.ge [sflag:s23], $0x1  }
0xa3: {  	[sflag:s23] =	ssyncset.done $0x0  }
0xa4: {  	s25 =	simm.s32 $0x1B8E;
	s24 =	sld [smem:$0x3FFE];
	[sflag:s23] =	ssyncadd.s32 $0xFFFFFFFF  }
0xa5: {  	s26 =	simm.s32 $execute0_lowered;
	[smem:$0x3FD2] =	sst s25  }
0xa6: {  	s5 =	sshll.u32 s26, $0x1;
	_ =	strace $0x8000004C;
	[dreg:$0x1] =	wrdreg $0xFFFFFFFF  }
0xa7: {  	s28 =	simm.s32 $_size_execute0_lowered;
	s3 =	sadd.s32 s3, s5;
	[dreg:$0x0] =	wrdreg $0x0  }
0xa8: {  	s5 =	sshll.u32 s28, $0x1;
	[dreg:$0x2] =	wrdreg s3  }
0xa9: {  	[dreg:$0x3] =	wrdreg s5  }
0xaa: {  	[dreg:$0x4] =	wrdreg $0xC0  }
0xab: {  	_ =	task [dreg:s7], $0x5FFFF  }
0xac: {  	[dreg:$0x1] =	wrdreg $0xFFFFFFFF  }
0xad: {  	[dreg:$0x0] =	wrdreg $0x60  }
0xae: {  	[dreg:$0x2] =	wrdreg s2  }
0xaf: {  	[dreg:$0x3] =	wrdreg s24  }
0xb0: {  	[dreg:$0x4] =	wrdreg $0x120400  }
0xb1: {  	[dreg:$0x5] =	wrdreg $0x9  }
0xb2: {  	_ =	task.clear_ibuf [dreg:s7], $0x6FFFF;
	_ =	strace $0x9000004C  }
0xb3: {  	s29 =	simm.s32 $0x9;
	_ =	strace $0x8000004E  }
0xb4: {  	_ =	swait.ge [sflag:s29], $0x1  }
0xb5: {  	[sflag:s29] =	ssyncadd.s32 $0xFFFFFFFF  }
0xb6: {  	_ =	strace $0x9000004E  }
0xb7: {  	_ =	sfence  }
0xb8: {  	s30 =	sld [smem:$0x0];
	_ =	sdelay $0x2  }
0xb9: {  	s31 =	sshll.u32 s1, $0xD;
	s1 =	sshrl.u32 s1, $0x2  }
0xba: {  	s3 =	sand.u32 $0x4000, s31;
	s1 =	sadd.s32 s1, s30  }
0xbb: {  	s0 =	sor.u32 s3, s0;
	s1 =	sshll.u32 s1, $0x11  }
0xbc: {  	s0 =	sor.u32 s1, s0  }
0xbd: {  	s0 =	sadd.s32 $0x8F2B, s0  }
0xbe: {  	[sflag:s0] =	ssyncadd.remote.s32 $0x1  }
0xbf: {  	_ =	sfence.sel $0xFFFF  }
0xc0: {  	[dreg:$0x0] =	wrdreg $0xFFFFFFFF;
	(pc) =	sbr.abs _section_cstart, $3  }
0xc1: {  	[dreg:$0x1] =	wrdreg $0xFFFFFFFF  }
0xc2: {  	_ =	task.clear_ibuf [dreg:s7], $0x2FFFF;
	_ =	strace $0x9FFFFFFF  }
0xc3: {  	(tm) =	ssettm $0x7FFFFFFF  }
tec
execute0_lowered:
.L_overlay_start_1:
0x0: {  	(tag) =	ssettag $0x1  }
0x1: {  	s1 =	rddreg [dreg:$0x0]  }
0x2: {  	s0 =	rddreg [dreg:$0x1]  }
0x3: {  	s3 =	rddreg [dreg:$0x2]  }
0x4: {  	s4 =	simm.s32 $0x0;
	s8 =	stileid.u32;
	s5 =	srdreg.scid  }
0x5: {  	s14 =	simm.s32 $0x10040;
	s15 =	simm.s32 $0xB;
	s17 =	simm.s32 $0x50  }
0x6: {  	s18 =	simm.s32 $0x9C40;
	s19 =	simm.s32 $0xB040;
	s21 =	simm.s32 $0xC440  }
0x7: {  	s28 =	simm.s32 $0x6;
	s29 =	simm.s32 $0x2;
	s30 =	simm.s32 $0x7  }
0x8: {  	s31 =	simm.s32 $0x3;
	s16 =	simm.s32 $0x4;
	s2 =	smul.u32 $0x4E20, s8  }
0x9: {  	s20 =	simm.s32 $0x9;
	s22 =	simm.s32 $0x5;
	s23 =	smul.u32 $0x14000, s8  }
0xa: {  	[smem:$0x7FF] =	sst s4;
	s6 =	sand.u32 $0x1, s5;
	s8 =	smul.u32 $0x28000, s8  }
0xb: {  	_ =	strace $0x8000004D;
	s7 =	sshll.u32 s6, $0x6;
	s24 =	ssub.s32 $0x2, s6  }
0xc: {  	s2 =	sshrl.u32 s2, $0x3;
	s5 =	sor.u32 s7, s23;
	s9 =	sshrl.u32 s24, $0x1  }
0xd: {  	s8 =	sshrl.u32 s8, $0x2;
	s23 =	simm.s32 $0xD840;
	s2 =	sadd.s32 s2, s0  }
0xe: {  	s5 =	sshrl.u32 s5, $0x3;
	s13 =	ssub.s32 s24, s9;
	s24 =	simm.s32 $0xA  }
0xf: {  	s0 =	sadd.s32 s5, s0;
	s5 =	sadd.s32 s8, s3;
	s10 =	sadd.s32 $0x3800, s2  }
0x10: {  	s11 =	sadd.s32 $0xD440, s2;
	s13 =	smax.u32 s13, $0x1;
	s25 =	sadd.s32 $0x2000, s5  }
0x11: {  	s26 =	sadd.s32 $0x4000, s5;
	s8 =	sadd.s32 $0x6000, s5;
	s9 =	sadd.s32 $0x8000, s5  }
0x12: {  	s12 =	sadd.s32 $0x17200, s0;
	s0 =	simm.s32 $0x8;
	[dreg:$0x4] =	wrdreg s25  }
0x13: {  	v1 =	vimm.f32 $0.0e+00;
	v0 =	vmov s6;
	[dreg:$0x5] =	wrdreg s26;
	s25 =	simm.s32 $0xEC40;
	s26 =	simm.s32 $0x1  }
.LBB2_1:
0x14: {  	s6 =	simm.s32 $0x100;
	s2 =	simm.s32 $0x0  }
.LBB2_2:
0x15: {  	p0 =	sne.s32 s6, $0x7F00;
	[tilespmem:s2+$0x10070] =	vst v1;
	s7 =	smov.u32 s6;
	s6 =	sadd.s32 $0x100, s6  }
.Ltmp0:
0x16: {  	[tilespmem:s2+$0x10060] =	vst v1;
	(pc) =	sbr.rel @p0 .LBB2_2-.Ltmp0, $3  }
0x17: {  	[tilespmem:s2+$0x10040] =	vst v1  }
0x18: {  	[tilespmem:s2+$0x10050] =	vst v1;
	_ =	sdelay $0x1  }
0x19: {  	s2 =	sshra.s32 s7, $0x2  }
0x1a: {  	[tilespmem:s2+$0x10070] =	vst v1  }
0x1b: {  	[tilespmem:s2+$0x10060] =	vst v1  }
0x1c: {  	[tilespmem:s2+$0x10040] =	vst v1  }
0x1d: {  	[tilespmem:s2+$0x10050] =	vst v1  }
0x1e: {  	[spmem:s5] =	stream.linear.scatter [tilespmem:s14], [sflag:$0xB], $0x2000, $0x38;
	[tilespmem:$0x1C040] =	vst v63  }
0x1f: {  	_ =	swait.ge [sflag:s15], $0x2000  }
0x20: {  	[sflag:s15] =	ssyncset.done $0x0  }
0x21: {  	s7 =	rddreg [dreg:$0x4];
	[sflag:s15] =	ssyncadd.s32 $0xFFFFE000  }
0x22: {  	[spmem:s7] =	stream.linear.scatter [tilespmem:s14], [sflag:$0xB], $0x2000, $0x38;
	[tilespmem:$0x1C040] =	vst v63  }
0x23: {  	_ =	swait.ge [sflag:s15], $0x2000  }
0x24: {  	[sflag:s15] =	ssyncset.done $0x0  }
0x25: {  	s6 =	rddreg [dreg:$0x5];
	[sflag:s15] =	ssyncadd.s32 $0xFFFFE000  }
0x26: {  	[spmem:s6] =	stream.linear.scatter [tilespmem:s14], [sflag:$0xB], $0x2000, $0x38;
	[tilespmem:$0x1C040] =	vst v63  }
0x27: {  	_ =	swait.ge [sflag:s15], $0x2000  }
0x28: {  	[sflag:s15] =	ssyncset.done $0x0  }
0x29: {  	[sflag:s15] =	ssyncadd.s32 $0xFFFFE000  }
0x2a: {  	[spmem:s8] =	stream.linear.scatter [tilespmem:s14], [sflag:$0xB], $0x2000, $0x38;
	[tilespmem:$0x1C040] =	vst v63  }
0x2b: {  	_ =	swait.ge [sflag:s15], $0x2000  }
0x2c: {  	[sflag:s15] =	ssyncset.done $0x0  }
0x2d: {  	[sflag:s15] =	ssyncadd.s32 $0xFFFFE000  }
0x2e: {  	[spmem:s9] =	stream.linear.scatter [tilespmem:s14], [sflag:$0xB], $0x2000, $0x38;
	[tilespmem:$0x1C040] =	vst v63  }
0x2f: {  	_ =	swait.ge [sflag:s15], $0x2000  }
0x30: {  	[sflag:s15] =	ssyncset.done $0x0  }
0x31: {  	s7 =	simm.s32 $0x0;
	[sflag:s15] =	ssyncadd.s32 $0xFFFFE000  }
0x32: {  	[tilespmem:s7], [sflag:$0xB] =	stream.linear.gather [hbm4b:s10+s7], $0x4E20, $0x38;
	[tilespmem:$0x1C040] =	vst v63  }
0x33: {  	_ =	swait.ge [sflag:s15], $0x4E20  }
0x34: {  	[sflag:s15] =	ssyncset.done $0x0  }
0x35: {  	s6 =	simm.s32 $0x4E20;
	[sflag:s15] =	ssyncadd.s32 $0xFFFFB1E0  }
0x36: {  	[tilespmem:s6], [sflag:$0xB] =	stream.linear.gather [hbm4b:s11+s7], $0x4E20, $0x38;
	[tilespmem:$0x1C040] =	vst v63  }
0x37: {  	_ =	swait.ge [sflag:s15], $0x4E20  }
0x38: {  	[sflag:s15] =	ssyncset.done $0x0  }
0x39: {  	s2 =	simm.s32 $0x0;
	[sflag:s15] =	ssyncadd.s32 $0xFFFFB1E0  }
0x3a: {  	v4 =	vld [tilespmem:s2+$0x0]  }
0x3b: {  	v5 =	vld [tilespmem:s2+$0x10]  }
0x3c: {  	v3 =	vld [tilespmem:s2+$0x20]  }
0x3d: {  	s6 =	simm.s32 $0x140;
	v2 =	vld [tilespmem:s2+$0x30]  }
.LBB2_4:
0x3e: {  	p0 =	sne.s32 s6, $0x13740;
	v6 =	vld [tilespmem:s2+$0x40]  }
0x3f: {  	v4 =	vshll.u32 v4, $0x1  }
0x40: {  	v4 =	vor.u32 v0, v4;
	v5 =	vshll.u32 v5, $0x1  }
.Ltmp1:
0x41: {  	s7 =	sshra.s32 s6, $0x2;
	[tilespmem:s2+$0x0] =	vst v4;
	v5 =	vor.u32 v0, v5;
	v3 =	vshll.u32 v3, $0x1;
	(pc) =	sbr.rel @p0 .LBB2_4-.Ltmp1, $4  }
0x42: {  	v4 =	vld [tilespmem:s7+$0x0];
	[tilespmem:s2+$0x10] =	vst v5;
	v3 =	vor.u32 v0, v3;
	v2 =	vshll.u32 v2, $0x1  }
0x43: {  	v5 =	vld [tilespmem:s7+$0x10];
	[tilespmem:s2+$0x20] =	vst v3;
	v2 =	vor.u32 v0, v2;
	v6 =	vshll.u32 v6, $0x1  }
0x44: {  	v3 =	vld [tilespmem:s7+$0x20];
	[tilespmem:s2+$0x30] =	vst v2;
	v6 =	vor.u32 v0, v6  }
0x45: {  	s6 =	sadd.s32 $0x140, s6;
	v2 =	vld [tilespmem:s7+$0x30];
	[tilespmem:s2+$0x40] =	vst v6;
	s2 =	smov.u32 s7  }
0x46: {  	v6 =	vld [tilespmem:s2+$0x40]  }
0x47: {  	v4 =	vshll.u32 v4, $0x1  }
0x48: {  	v4 =	vor.u32 v0, v4;
	v5 =	vshll.u32 v5, $0x1  }
0x49: {  	[tilespmem:s2+$0x0] =	vst v4;
	v63 =	vor.u32 v0, v5;
	v3 =	vshll.u32 v3, $0x1  }
0x4a: {  	[tilespmem:s2+$0x10] =	vst v63;
	v3 =	vor.u32 v0, v3;
	v2 =	vshll.u32 v2, $0x1  }
0x4b: {  	[tilespmem:s2+$0x20] =	vst v3;
	v2 =	vor.u32 v0, v2;
	v3 =	vshll.u32 v6, $0x1  }
0x4c: {  	[tilespmem:s2+$0x30] =	vst v2;
	v2 =	vor.u32 v0, v3  }
0x4d: {  	[tilespmem:s2+$0x40] =	vst v2  }
0x4e: {  	s7 =	simm.s32 $0x0;
	[bflag:$0x0] =	sbarrier.arrive $0xFFFF  }
0x4f: {  	[tilespmem:s18], [sflag:$0x1] =	stream.indirect.gather [hbm4b:s1+s17], $0x40, s7, s17, $0xb8;
	[tilespmem:$0x1C040] =	vst v63  }
0x50: {  	_ = 	snop  }
0x51: {  	[tilespmem:s19], [sflag:$0x2] =	stream.indirect.gather [hbm4b:s1+s17], $0x40, s17, s17, $0xb8;
	[tilespmem:$0x1C040] =	vst v63  }
0x52: {  	s6 =	simm.s32 $0xA0  }
0x53: {  	[tilespmem:s21], [sflag:$0x3] =	stream.indirect.gather [hbm4b:s1+s17], $0x40, s6, s17, $0xb8;
	[tilespmem:$0x1C040] =	vst v63  }
0x54: {  	s7 =	simm.s32 $0xF0  }
0x55: {  	[tilespmem:s23], [sflag:$0x4] =	stream.indirect.gather [hbm4b:s1+s17], $0x40, s7, s17, $0xb8;
	[tilespmem:$0x1C040] =	vst v63  }
0x56: {  	s6 =	simm.s32 $0x140  }
0x57: {  	[tilespmem:s25], [sflag:$0x5] =	stream.indirect.gather [hbm4b:s1+s17], $0x40, s6, s17, $0xb8;
	[tilespmem:$0x1C040] =	vst v63  }
0x58: {  	_ =	swait.ge [sflag:s26], $0x1400  }
0x59: {  	[sflag:s26] =	ssyncset.done $0x0  }
0x5a: {  	s7 =	simm.s32 $0x4E20;
	[sflag:s26] =	ssyncadd.s32 $0xFFFFEC00  }
0x5b: {  	[spmem:s3] =	stream.indirect.scatter.add.f32 [tilespmem:s18], [sflag:$0x6], $0x40, s7, s17, $0xb8;
	[tilespmem:$0x1C040] =	vst v63  }
0x5c: {  	_ =	swait.ge [sflag:s28], $0x1400  }
0x5d: {  	[sflag:s28] =	ssyncset.done $0x0  }
0x5e: {  	s6 =	simm.s32 $0x190;
	[sflag:s28] =	ssyncadd.s32 $0xFFFFEC00  }
0x5f: {  	[tilespmem:s18], [sflag:$0x1] =	stream.indirect.gather [hbm4b:s1+s17], $0x40, s6, s17, $0xb8;
	[tilespmem:$0x1C040] =	vst v63  }
0x60: {  	_ =	swait.ge [sflag:s29], $0x1400  }
0x61: {  	[sflag:s29] =	ssyncset.done $0x0  }
0x62: {  	s7 =	simm.s32 $0x4E70;
	[sflag:s29] =	ssyncadd.s32 $0xFFFFEC00  }
0x63: {  	[spmem:s3] =	stream.indirect.scatter.add.f32 [tilespmem:s19], [sflag:$0x7], $0x40, s7, s17, $0xb8;
	[tilespmem:$0x1C040] =	vst v63  }
0x64: {  	_ =	swait.ge [sflag:s30], $0x1400  }
0x65: {  	[sflag:s30] =	ssyncset.done $0x0  }
0x66: {  	s6 =	simm.s32 $0x1E0;
	[sflag:s30] =	ssyncadd.s32 $0xFFFFEC00  }
0x67: {  	[tilespmem:s19], [sflag:$0x2] =	stream.indirect.gather [hbm4b:s1+s17], $0x40, s6, s17, $0xb8;
	[tilespmem:$0x1C040] =	vst v63  }
0x68: {  	_ =	swait.ge [sflag:s31], $0x1400  }
0x69: {  	[sflag:s31] =	ssyncset.done $0x0  }
0x6a: {  	s7 =	simm.s32 $0x4EC0;
	[sflag:s31] =	ssyncadd.s32 $0xFFFFEC00  }
0x6b: {  	[spmem:s3] =	stream.indirect.scatter.add.f32 [tilespmem:s21], [sflag:$0x8], $0x40, s7, s17, $0xb8;
	[tilespmem:$0x1C040] =	vst v63  }
0x6c: {  	_ =	swait.ge [sflag:s0], $0x1400  }
0x6d: {  	[sflag:s0] =	ssyncset.done $0x0  }
0x6e: {  	s6 =	simm.s32 $0x230;
	[sflag:s0] =	ssyncadd.s32 $0xFFFFEC00  }
0x6f: {  	[tilespmem:s21], [sflag:$0x3] =	stream.indirect.gather [hbm4b:s1+s17], $0x40, s6, s17, $0xb8;
	[tilespmem:$0x1C040] =	vst v63  }
0x70: {  	_ =	swait.ge [sflag:s16], $0x1400  }
0x71: {  	[sflag:s16] =	ssyncset.done $0x0  }
0x72: {  	s7 =	simm.s32 $0x4F10;
	[sflag:s16] =	ssyncadd.s32 $0xFFFFEC00  }
0x73: {  	[spmem:s3] =	stream.indirect.scatter.add.f32 [tilespmem:s23], [sflag:$0x9], $0x40, s7, s17, $0xb8;
	[tilespmem:$0x1C040] =	vst v63  }
0x74: {  	_ =	swait.ge [sflag:s20], $0x1400  }
0x75: {  	[sflag:s20] =	ssyncset.done $0x0  }
0x76: {  	s6 =	simm.s32 $0x280;
	[sflag:s20] =	ssyncadd.s32 $0xFFFFEC00  }
0x77: {  	[tilespmem:s23], [sflag:$0x4] =	stream.indirect.gather [hbm4b:s1+s17], $0x40, s6, s17, $0xb8;
	[tilespmem:$0x1C040] =	vst v63  }
0x78: {  	_ =	swait.ge [sflag:s22], $0x1400  }
0x79: {  	[sflag:s22] =	ssyncset.done $0x0  }
0x7a: {  	s7 =	simm.s32 $0x4F60;
	[sflag:s22] =	ssyncadd.s32 $0xFFFFEC00  }
0x7b: {  	[spmem:s3] =	stream.indirect.scatter.add.f32 [tilespmem:s25], [sflag:$0xA], $0x40, s7, s17, $0xb8;
	[tilespmem:$0x1C040] =	vst v63  }
0x7c: {  	_ =	swait.ge [sflag:s24], $0x1400  }
0x7d: {  	[sflag:s24] =	ssyncset.done $0x0  }
0x7e: {  	s2 =	simm.s32 $0x640;
	s6 =	simm.s32 $0x2D0;
	[sflag:s24] =	ssyncadd.s32 $0xFFFFEC00  }
.LBB2_6:
0x7f: {  	[tilespmem:s25], [sflag:$0x5] =	stream.indirect.gather [hbm4b:s1+s17], $0x40, s6, s17, $0xb8;
	[tilespmem:$0x1C040] =	vst v63  }
0x80: {  	s6 =	smov.u32 s2  }
0x81: {  	p0 =	sne.s32 s2, $0x12C00;
	s2 =	sadd.s32 $0x640, s2;
	_ =	swait.ge [sflag:s26], $0x1400  }
0x82: {  	s6 =	sshra.s32 s6, $0x2;
	[sflag:s26] =	ssyncset.done $0x0  }
0x83: {  	s7 =	sadd.s32 $0x4E20, s6;
	[sflag:s26] =	ssyncadd.s32 $0xFFFFEC00  }
0x84: {  	[spmem:s3] =	stream.indirect.scatter.add.f32 [tilespmem:s18], [sflag:$0x6], $0x40, s7, s17, $0xb8;
	[tilespmem:$0x1C040] =	vst v63  }
0x85: {  	_ =	swait.ge [sflag:s28], $0x1400  }
0x86: {  	[sflag:s28] =	ssyncset.done $0x0  }
0x87: {  	s7 =	sadd.s32 $0x190, s6;
	[sflag:s28] =	ssyncadd.s32 $0xFFFFEC00  }
0x88: {  	[tilespmem:s18], [sflag:$0x1] =	stream.indirect.gather [hbm4b:s1+s17], $0x40, s7, s17, $0xb8;
	[tilespmem:$0x1C040] =	vst v63  }
0x89: {  	_ =	swait.ge [sflag:s29], $0x1400  }
0x8a: {  	[sflag:s29] =	ssyncset.done $0x0  }
0x8b: {  	s7 =	sadd.s32 $0x4E70, s6;
	[sflag:s29] =	ssyncadd.s32 $0xFFFFEC00  }
0x8c: {  	[spmem:s3] =	stream.indirect.scatter.add.f32 [tilespmem:s19], [sflag:$0x7], $0x40, s7, s17, $0xb8;
	[tilespmem:$0x1C040] =	vst v63  }
0x8d: {  	_ =	swait.ge [sflag:s30], $0x1400  }
0x8e: {  	[sflag:s30] =	ssyncset.done $0x0  }
0x8f: {  	s7 =	sadd.s32 $0x1E0, s6;
	[sflag:s30] =	ssyncadd.s32 $0xFFFFEC00  }
0x90: {  	[tilespmem:s19], [sflag:$0x2] =	stream.indirect.gather [hbm4b:s1+s17], $0x40, s7, s17, $0xb8;
	[tilespmem:$0x1C040] =	vst v63  }
0x91: {  	_ =	swait.ge [sflag:s31], $0x1400  }
0x92: {  	[sflag:s31] =	ssyncset.done $0x0  }
0x93: {  	s7 =	sadd.s32 $0x4EC0, s6;
	[sflag:s31] =	ssyncadd.s32 $0xFFFFEC00  }
0x94: {  	[spmem:s3] =	stream.indirect.scatter.add.f32 [tilespmem:s21], [sflag:$0x8], $0x40, s7, s17, $0xb8;
	[tilespmem:$0x1C040] =	vst v63  }
0x95: {  	_ =	swait.ge [sflag:s0], $0x1400  }
0x96: {  	[sflag:s0] =	ssyncset.done $0x0  }
0x97: {  	s7 =	sadd.s32 $0x230, s6;
	[sflag:s0] =	ssyncadd.s32 $0xFFFFEC00  }
0x98: {  	[tilespmem:s21], [sflag:$0x3] =	stream.indirect.gather [hbm4b:s1+s17], $0x40, s7, s17, $0xb8;
	[tilespmem:$0x1C040] =	vst v63  }
0x99: {  	_ =	swait.ge [sflag:s16], $0x1400  }
0x9a: {  	[sflag:s16] =	ssyncset.done $0x0  }
0x9b: {  	s7 =	sadd.s32 $0x4F10, s6;
	[sflag:s16] =	ssyncadd.s32 $0xFFFFEC00  }
0x9c: {  	[spmem:s3] =	stream.indirect.scatter.add.f32 [tilespmem:s23], [sflag:$0x9], $0x40, s7, s17, $0xb8;
	[tilespmem:$0x1C040] =	vst v63  }
0x9d: {  	_ =	swait.ge [sflag:s20], $0x1400  }
0x9e: {  	[sflag:s20] =	ssyncset.done $0x0  }
0x9f: {  	s7 =	sadd.s32 $0x280, s6;
	[sflag:s20] =	ssyncadd.s32 $0xFFFFEC00  }
0xa0: {  	[tilespmem:s23], [sflag:$0x4] =	stream.indirect.gather [hbm4b:s1+s17], $0x40, s7, s17, $0xb8;
	[tilespmem:$0x1C040] =	vst v63  }
0xa1: {  	_ =	swait.ge [sflag:s22], $0x1400  }
0xa2: {  	[sflag:s22] =	ssyncset.done $0x0  }
.Ltmp2:
0xa3: {  	s7 =	sadd.s32 $0x4F60, s6;
	[sflag:s22] =	ssyncadd.s32 $0xFFFFEC00;
	(pc) =	sbr.rel @p0 .LBB2_6-.Ltmp2, $4  }
0xa4: {  	[spmem:s3] =	stream.indirect.scatter.add.f32 [tilespmem:s25], [sflag:$0xA], $0x40, s7, s17, $0xb8;
	[tilespmem:$0x1C040] =	vst v63  }
0xa5: {  	_ =	swait.ge [sflag:s24], $0x1400  }
0xa6: {  	[sflag:s24] =	ssyncset.done $0x0  }
0xa7: {  	s6 =	sadd.s32 $0x2D0, s6;
	[sflag:s24] =	ssyncadd.s32 $0xFFFFEC00  }
0xa8: {  	[tilespmem:s25], [sflag:$0x5] =	stream.indirect.gather [hbm4b:s1+s17], $0x40, s6, s17, $0xb8;
	[tilespmem:$0x1C040] =	vst v63  }
0xa9: {  	_ =	swait.ge [sflag:s26], $0x1400  }
0xaa: {  	[sflag:s26] =	ssyncset.done $0x0  }
0xab: {  	s2 =	simm.s32 $0x9AB0;
	[sflag:s26] =	ssyncadd.s32 $0xFFFFEC00  }
0xac: {  	[spmem:s3] =	stream.indirect.scatter.add.f32 [tilespmem:s18], [sflag:$0x6], $0x40, s2, s17, $0xb8;
	[tilespmem:$0x1C040] =	vst v63  }
0xad: {  	_ =	swait.ge [sflag:s29], $0x1400  }
0xae: {  	[sflag:s29] =	ssyncset.done $0x0  }
0xaf: {  	s7 =	simm.s32 $0x9B00;
	[sflag:s29] =	ssyncadd.s32 $0xFFFFEC00  }
0xb0: {  	[spmem:s3] =	stream.indirect.scatter.add.f32 [tilespmem:s19], [sflag:$0x7], $0x40, s7, s17, $0xb8;
	[tilespmem:$0x1C040] =	vst v63  }
0xb1: {  	_ =	swait.ge [sflag:s31], $0x1400  }
0xb2: {  	[sflag:s31] =	ssyncset.done $0x0  }
0xb3: {  	s6 =	simm.s32 $0x9B50;
	[sflag:s31] =	ssyncadd.s32 $0xFFFFEC00  }
0xb4: {  	[spmem:s3] =	stream.indirect.scatter.add.f32 [tilespmem:s21], [sflag:$0x8], $0x40, s6, s17, $0xb8;
	[tilespmem:$0x1C040] =	vst v63  }
0xb5: {  	_ =	swait.ge [sflag:s16], $0x1400  }
0xb6: {  	[sflag:s16] =	ssyncset.done $0x0  }
0xb7: {  	s7 =	simm.s32 $0x9BA0;
	[sflag:s16] =	ssyncadd.s32 $0xFFFFEC00  }
0xb8: {  	[spmem:s3] =	stream.indirect.scatter.add.f32 [tilespmem:s23], [sflag:$0x9], $0x40, s7, s17, $0xb8;
	[tilespmem:$0x1C040] =	vst v63  }
0xb9: {  	_ =	swait.ge [sflag:s22], $0x1400  }
0xba: {  	[sflag:s22] =	ssyncset.done $0x0  }
0xbb: {  	s6 =	simm.s32 $0x9BF0;
	[sflag:s22] =	ssyncadd.s32 $0xFFFFEC00  }
0xbc: {  	[spmem:s3] =	stream.indirect.scatter.add.f32 [tilespmem:s25], [sflag:$0xA], $0x40, s6, s17, $0xb8;
	[tilespmem:$0x1C040] =	vst v63  }
0xbd: {  	_ =	swait.ge [sflag:s28], $0x1400  }
0xbe: {  	[sflag:s28] =	ssyncset.done $0x0  }
0xbf: {  	[sflag:s28] =	ssyncadd.s32 $0xFFFFEC00  }
0xc0: {  	_ =	swait.ge [sflag:s30], $0x1400  }
0xc1: {  	[sflag:s30] =	ssyncset.done $0x0  }
0xc2: {  	[sflag:s30] =	ssyncadd.s32 $0xFFFFEC00  }
0xc3: {  	_ =	swait.ge [sflag:s0], $0x1400  }
0xc4: {  	[sflag:s0] =	ssyncset.done $0x0  }
0xc5: {  	[sflag:s0] =	ssyncadd.s32 $0xFFFFEC00  }
0xc6: {  	_ =	swait.ge [sflag:s20], $0x1400  }
0xc7: {  	[sflag:s20] =	ssyncset.done $0x0  }
0xc8: {  	[sflag:s20] =	ssyncadd.s32 $0xFFFFEC00  }
0xc9: {  	s4 =	sadd.s32 $0x1, s4;
	s7 =	stileid.u32;
	_ =	swait.ge [sflag:s24], $0x1400  }
0xca: {  	p0 =	sne.s32 s4, s13;
	s2 =	sshll.u32 s7, $0x6;
	[sflag:s24] =	ssyncset.done $0x0  }
0xcb: {  	s7 =	simm.s32 $0x10;
	s2 =	sor.u32 $0x1C0B, s2;
	[sflag:s24] =	ssyncadd.s32 $0xFFFFEC00  }
.Ltmp3:
0xcc: {  	s6 =	sshrl.u32 s5, $0x3;
	[bflag:$0x0] =	sbarrier.arrive $0xFFFF;
	(pc) =	sbr.rel @p0 .LBB2_1-.Ltmp3, $4  }
0xcd: {  	[hbm:s12@s7], [sflag:s2] =	dma.strided [spmem:s6@s0], $0x1400, s26, $0x8   }
0xce: {  	_ =	swait.ge [sflag:s15], $0x1400  }
0xcf: {  	[sflag:s15] =	ssyncset.done $0x0  }
0xd0: {  	[sflag:s15] =	ssyncadd.s32 $0xFFFFEC00  }
0xd1: {  	_ =	sfence.sel $0x180000  }
0xd2: {  	[bflag:$0x0] =	sbarrier.arrive $0xFFFF  }
0xd3: {  	_ =	strace $0x9000004D  }
0xd4: {  	s0 =	stileid.u32;
	[bflag:$0x2] =	sbarrier.arrive $0xFFFF  }
0xd5: {  	p0 =	sne.s32 s0, $0x0;
	s0 =	rddreg [dreg:$0x3]  }
0xd6: {  	s0 =	sadd.s32 @!p0 $0x100000, s0  }
0xd7: {  	[sflag:s0] =	ssyncadd.tile.s32 @!p0 $0x1;
	_ =	shalt  }
.Lfunc_end2:
_tile_overlayer_lowered:
.L_overlay_start_2:
0xd8: {  	(tag) =	ssettag $0x2  }
0xd9: {  	s0 =	rddreg [dreg:$0x0];
	s2 =	stileid.u32  }
0xda: {  	s1 =	rddreg [dreg:$0x1];
	p0 =	sne.s32 s2, $0x0  }
0xdb: {  	s3 =	rddreg [dreg:$0x2];
	[bflag:$0x3] =	sbarrier.arrive $0xFFFF;
	s2 =	simm.s32 @!p0 $0x1C0B  }
0xdc: {  	[timem:s3], [sflag:s2] =	dma.local @!p0 [hbm:s0], s1  }
0xdd: {  	s0 =	simm.s32 @!p0 $0xB  }
0xde: {  	_ =	swait.ge @!p0 [sflag:s0], s1  }
0xdf: {  	s1 =	ssub.s32 @!p0 $0x0, s1;
	[sflag:s0] =	ssyncset.done @!p0 $0x0  }
0xe0: {  	[sflag:s0] =	ssyncadd.s32 @!p0 s1  }
0xe1: {  	[bflag:$0x3] =	sbarrier.arrive $0xFFFF  }
0xe2: {  	_ =	shalt  }

// kernel: kernel.8.cloned.1.call-start
scs
__scs_entry_jumppad:
0x0: {  	(pc) =	sbr.rel $0x88, $3  }
0x1: {  	(tag) =	ssettag $0x0;
	lr =	simm.s32 $0x1  }
0x2: {  	[smem:$0x3F99] =	sst lr;
	_ =	strace $0xD0000000  }
0x3: {  	_ = 	snop  }
0x4: {  	_ = 	snop  }
0x5: {  	_ = 	snop  }
0x6: {  	_ = 	snop  }
0x7: {  	_ = 	snop  }
__scs_overlays_trampoline_lowered:
0x8: {  	[smem:$0x3FA8] =	sst s0  }
0x9: {  	[smem:$0x3FA9] =	sst s1  }
0xa: {  	[smem:$0x3FAA] =	sst s2  }
0xb: {  	[smem:$0x3FAB] =	sst s3  }
0xc: {  	[smem:$0x3FAC] =	sst s4  }
0xd: {  	[smem:$0x3FAD] =	sst s5  }
0xe: {  	[smem:$0x3FAE] =	sst s6  }
0xf: {  	[smem:$0x3FAF] =	sst s7  }
0x10: {  	[smem:$0x3FB0] =	sst s8  }
0x11: {  	[smem:$0x3FB1] =	sst s9;
	s0 =	simm.s32 @!p0 $0x0  }
0x12: {  	s1 =	sld [smem:$0x3F97];
	s0 =	simm.s32 @p0 $0x1  }
0x13: {  	[smem:$0x3FB2] =	sst s0;
	s0 =	simm.s32 @!p1 $0x0  }
0x14: {  	s2 =	sld [smem:$0x3F96];
	s0 =	simm.s32 @p1 $0x1  }
0x15: {  	[smem:$0x3FB3] =	sst s0;
	s0 =	simm.s32 @!p2 $0x0  }
0x16: {  	s3 =	sld [smem:$0x3FDB];
	s0 =	simm.s32 @p2 $0x1  }
0x17: {  	s4 =	simm.s32 $0x1BF5;
	[smem:$0x3FB5] =	sst s0  }
0x18: {  	s0 =	sld [smem:$0x3F98];
	_ =	swait.ge [sflag:s4], $0x0  }
0x19: {  	s7 =	sld [smem:$0x3F99]  }
0x1a: {  	s8 =	sadd.s32 $0xFFFFE003, lr  }
0x1b: {  	s9 =	sadd.s32 $0xFFFFFEF7, lr;
	s5 =	simm.s32 $0xFFFFFFFF;
	p2 =	slt.u32 s8, $0xFFFFF086  }
0x1c: {  	p1 =	slt.u32 s9, $0xF7A;
	s5 =	simm.s32 @!p2 $0x0  }
0x1d: {  	s5 =	simm.s32 @p1 $0x1;
	p0 =	seq.s32 s7, s2  }
0x1e: {  	s7 =	smul.u32 @!p0 $0xF7A, s2;
	p2 =	seq.s32 @!p0 s5, $0x0  }
0x1f: {  	s9 =	smul.u32 $0xF7A, s1;
	s8 =	simm.s32 @!p0 $0x1BF5;
	p2 =	por !p2, p0  }
0x20: {  	[sflag:s8] =	ssyncset.s32 @!p0 $0xFFFFF086;
	s6 =	sadd.s32 @!p0 s3, s7;
	s7 =	simm.s32 @!p0 $0x108  }
0x21: {  	s3 =	sadd.s32 s3, s9;
	s6 =	sadd.s32 @!p0 $0x88, s6;
	s7 =	simm.s32 @p2 $0x1082  }
0x22: {  	[simem:s7], [sflag:s8] =	dma.local @!p0 [hbm:s6], $0xF7A  }
0x23: {  	s9 =	sor.u32 $0xD0000000, s2;
	s6 =	simm.s32 $0x108;
	_ =	swait.ge @!p0 [sflag:s8], $0x0  }
0x24: {  	s3 =	sadd.s32 $0x88, s3;
	s6 =	simm.s32 @!p1 $0x1082;
	[sflag:s4] =	ssyncset.s32 $0xFFFFF086  }
0x25: {  	[simem:s6], [sflag:s4] =	dma.local [hbm:s3], $0xF7A  }
0x26: {  	[smem:$0x3F99] =	sst s1;
	(tag) =	ssettag s2;
	_ =	strace s9  }
0x27: {  	s1 =	sld [smem:$0x3FA9]  }
0x28: {  	s2 =	sld [smem:$0x3FAA]  }
0x29: {  	s4 =	sld [smem:$0x3FAC]  }
0x2a: {  	p0 =	seq.s32 s5, $0x0;
	s5 =	sld [smem:$0x3FAD]  }
0x2b: {  	s6 =	sld [smem:$0x3FAE]  }
0x2c: {  	s7 =	sld [smem:$0x3FAF]  }
0x2d: {  	s3 =	simm.s32 $0x108;
	s8 =	sld [smem:$0x3FB0]  }
0x2e: {  	s3 =	simm.s32 @!p0 $0x1082;
	s9 =	sld [smem:$0x3FB1]  }
0x2f: {  	lr =	sadd.s32 s0, s3;
	s0 =	sld [smem:$0x3FA8]  }
0x30: {  	s3 =	sld [smem:$0x3FAB]  }
0x31: {  	[smem:$0x3FB4] =	sst s10  }
0x32: {  	s10 =	sld [smem:$0x3FB2];
	_ =	sdelay $0x3  }
0x33: {  	p0 =	seq.s32 s10, $0x1;
	s10 =	sld [smem:$0x3FB4];
	_ =	sdelay $0x3  }
0x34: {  	[smem:$0x3FB4] =	sst s10  }
0x35: {  	s10 =	sld [smem:$0x3FB3];
	_ =	sdelay $0x3  }
0x36: {  	p1 =	seq.s32 s10, $0x1;
	s10 =	sld [smem:$0x3FB4];
	_ =	sdelay $0x3  }
0x37: {  	[smem:$0x3FB4] =	sst s10  }
0x38: {  	s10 =	sld [smem:$0x3FB5]  }
0x39: {  	_ = 	snop;
	(pc) =	sbr.ind lr, $3  }
0x3a: {  	_ = 	snop  }
0x3b: {  	_ = 	snop  }
0x3c: {  	p2 =	seq.s32 s10, $0x1;
	s10 =	sld [smem:$0x3FB4]  }
0x3d: {  	_ =	shalt  }
0x3e: {  	_ =	shalt  }
0x3f: {  	_ =	shalt  }
0x40: {  	_ =	shalt  }
0x41: {  	_ =	shalt  }
0x42: {  	_ =	shalt  }
0x43: {  	_ =	shalt  }
0x44: {  	_ =	shalt  }
0x45: {  	_ =	shalt  }
0x46: {  	_ =	shalt  }
0x47: {  	_ =	shalt  }
0x48: {  	_ =	shalt  }
0x49: {  	_ =	shalt  }
0x4a: {  	_ =	shalt  }
0x4b: {  	_ =	shalt  }
0x4c: {  	_ =	shalt  }
0x4d: {  	_ =	shalt  }
0x4e: {  	_ =	shalt  }
0x4f: {  	_ =	shalt  }
0x50: {  	_ =	shalt  }
0x51: {  	_ =	shalt  }
0x52: {  	_ =	shalt  }
0x53: {  	_ =	shalt  }
0x54: {  	_ =	shalt  }
0x55: {  	_ =	shalt  }
0x56: {  	_ =	shalt  }
0x57: {  	_ =	shalt  }
0x58: {  	_ =	shalt  }
0x59: {  	_ =	shalt  }
0x5a: {  	_ =	shalt  }
0x5b: {  	_ =	shalt  }
0x5c: {  	_ =	shalt  }
0x5d: {  	_ =	shalt  }
0x5e: {  	_ =	shalt  }
0x5f: {  	_ =	shalt  }
0x60: {  	_ =	shalt  }
0x61: {  	_ =	shalt  }
0x62: {  	_ =	shalt  }
0x63: {  	_ =	shalt  }
0x64: {  	_ =	shalt  }
0x65: {  	_ =	shalt  }
0x66: {  	_ =	shalt  }
0x67: {  	_ =	shalt  }
0x68: {  	_ =	shalt  }
0x69: {  	_ =	shalt  }
0x6a: {  	_ =	shalt  }
0x6b: {  	_ =	shalt  }
0x6c: {  	_ =	shalt  }
0x6d: {  	_ =	shalt  }
0x6e: {  	_ =	shalt  }
0x6f: {  	_ =	shalt  }
0x70: {  	_ =	shalt  }
0x71: {  	_ =	shalt  }
0x72: {  	_ =	shalt  }
0x73: {  	_ =	shalt  }
0x74: {  	_ =	shalt  }
0x75: {  	_ =	shalt  }
0x76: {  	_ =	shalt  }
0x77: {  	_ =	shalt  }
0x78: {  	_ =	shalt  }
0x79: {  	_ =	shalt  }
0x7a: {  	_ =	shalt  }
0x7b: {  	_ =	shalt  }
0x7c: {  	_ =	shalt  }
0x7d: {  	_ =	shalt  }
0x7e: {  	_ =	shalt  }
0x7f: {  	_ =	shalt  }
0x80: {  	_ =	shalt  }
0x81: {  	_ =	shalt  }
0x82: {  	_ =	shalt  }
0x83: {  	_ =	shalt  }
0x84: {  	_ =	shalt  }
0x85: {  	_ =	shalt  }
0x86: {  	_ =	shalt  }
0x87: {  	_ =	shalt  }
.Lfunc_end0:
.L_simem_size_0:
called_computation_lowered:
.L_overlay_start_0:
0x88: {  	s2 =	sld [smem:$0x3FD9]  }
0x89: {  	s3 =	sld [smem:$0x3FFE];
	_ =	sdelay $0x1  }
0x8a: {  	s1 =	srdreg.scid  }
0x8b: {  	s0 =	sand.u32 $0x1, s1  }
0x8c: {  	s16 =	sshll.u32 s0, $0xA;
	s2 =	sadd.s32 s3, s2  }
0x8d: {  	s2 =	sadd.s32 s2, s16  }
0x8e: {  	[smem:$0x3FC0] =	sst s2  }
0x8f: {  	_ = 	snop  }
0x90: {  	(tm) =	ssettm $0x1  }
0x91: {  	s17 =	sld [smem:$0x3FFB];
	_ =	sdelay $0x3  }
0x92: {  	_ =	strace s17  }
0x93: {  	s2 =	sld [smem:$0x3FFC];
	_ =	sdelay $0x3  }
0x94: {  	_ =	strace s2  }
0x95: {  	s2 =	sld [smem:$0x3FFD];
	_ =	sdelay $0x3  }
0x96: {  	_ =	strace s2  }
0x97: {  	_ =	strace $0x8FFFFFFF  }
0x98: {  	s18 =	sld [smem:$0x3FDB];
	_ =	sdelay $0x1  }
0x99: {  	s19 =	simm.s32 $_scs_section_size  }
0x9a: {  	s4 =	simm.s32 $_size__tile_overlayer_lowered;
	s5 =	simm.s32 $_tile_overlayer_lowered  }
0x9b: {  	s22 =	simm.s32 $0x1BFF;
	s21 =	sshll.u32 s5, $0x1;
	s2 =	sadd.s32 s19, s18  }
0x9c: {  	s6 =	simm.s32 $0x0;
	s20 =	sshll.u32 s4, $0x1;
	s4 =	sadd.s32 s21, s2  }
0x9d: {  	[timem:s6], [sflag:s22] =	dma.local [hbm:s4], s20  }
0x9e: {  	_ =	swait.ge [sflag:s22], s20  }
0x9f: {  	s3 =	ssub.s32 $0x0, s20;
	[sflag:s22] =	ssyncset.done $0x0  }
0xa0: {  	[sflag:s22] =	ssyncadd.s32 s3;
	_ =	sdelay $0x1  }
0xa1: {  	s23 =	simm.s32 $0x1B8B  }
0xa2: {  	_ =	swait.ge [sflag:s23], $0x1  }
0xa3: {  	[sflag:s23] =	ssyncset.done $0x0  }
0xa4: {  	s25 =	simm.s32 $0x1B8E;
	s24 =	sld [smem:$0x3FFE];
	[sflag:s23] =	ssyncadd.s32 $0xFFFFFFFF  }
0xa5: {  	s26 =	simm.s32 $execute0_lowered;
	[smem:$0x3FD2] =	sst s25  }
0xa6: {  	s4 =	sshll.u32 s26, $0x1;
	_ =	strace $0x80000046;
	[dreg:$0x1] =	wrdreg $0xFFFFFFFF  }
0xa7: {  	s28 =	simm.s32 $_size_execute0_lowered;
	s2 =	sadd.s32 s2, s4;
	[dreg:$0x0] =	wrdreg $0x0  }
0xa8: {  	s4 =	sshll.u32 s28, $0x1;
	[dreg:$0x2] =	wrdreg s2  }
0xa9: {  	[dreg:$0x3] =	wrdreg s4  }
0xaa: {  	[dreg:$0x4] =	wrdreg $0xC0  }
0xab: {  	_ =	task [dreg:s6], $0x5FFFF  }
0xac: {  	[dreg:$0x1] =	wrdreg $0xFFFFFFFF  }
0xad: {  	[dreg:$0x0] =	wrdreg $0x60  }
0xae: {  	[dreg:$0x2] =	wrdreg s24  }
0xaf: {  	[dreg:$0x3] =	wrdreg $0x34100  }
0xb0: {  	[dreg:$0x4] =	wrdreg $0x9  }
0xb1: {  	_ =	task.clear_ibuf [dreg:s6], $0x5FFFF;
	_ =	strace $0x90000046  }
0xb2: {  	s29 =	simm.s32 $0x9;
	_ =	strace $0x80000048  }
0xb3: {  	_ =	swait.ge [sflag:s29], $0x1  }
0xb4: {  	[sflag:s29] =	ssyncadd.s32 $0xFFFFFFFF  }
0xb5: {  	_ =	strace $0x90000048  }
0xb6: {  	_ =	sfence  }
0xb7: {  	s30 =	sld [smem:$0x0];
	_ =	sdelay $0x2  }
0xb8: {  	s31 =	sshll.u32 s1, $0xD;
	s1 =	sshrl.u32 s1, $0x2  }
0xb9: {  	s3 =	sand.u32 $0x4000, s31;
	s1 =	sadd.s32 s1, s30  }
0xba: {  	s0 =	sor.u32 s3, s0;
	s1 =	sshll.u32 s1, $0x11  }
0xbb: {  	s0 =	sor.u32 s1, s0  }
0xbc: {  	s0 =	sadd.s32 $0x8F2B, s0  }
0xbd: {  	[sflag:s0] =	ssyncadd.remote.s32 $0x1  }
0xbe: {  	_ =	sfence.sel $0xFFFF  }
0xbf: {  	[dreg:$0x0] =	wrdreg $0xFFFFFFFF;
	(pc) =	sbr.abs _section_cstart, $3  }
0xc0: {  	[dreg:$0x1] =	wrdreg $0xFFFFFFFF  }
0xc1: {  	_ =	task.clear_ibuf [dreg:s6], $0x2FFFF;
	_ =	strace $0x9FFFFFFF  }
0xc2: {  	(tm) =	ssettm $0x7FFFFFFF  }
0xc3: {  	_ =	shalt  }
tec
execute0_lowered:
.L_overlay_start_1:
0x0: {  	(tag) =	ssettag $0x1  }
0x1: {  	s1 =	srdreg.scid;
	s7 =	rddreg [dreg:$0x0]  }
0x2: {  	s0 =	stileid.u32;
	s2 =	rddreg [dreg:$0x1]  }
0x3: {  	s3 =	simm.s32 $0x0;
	s13 =	simm.s32 $0x6;
	s14 =	simm.s32 $0x50  }
0x4: {  	s15 =	simm.s32 $0x2710;
	s16 =	simm.s32 $0xA0;
	s17 =	simm.s32 $0xF0  }
0x5: {  	s18 =	simm.s32 $0x140;
	s19 =	simm.s32 $0x1;
	s20 =	simm.s32 $0x2  }
0x6: {  	s21 =	simm.s32 $0x3;
	s22 =	simm.s32 $0x4;
	s5 =	smul.u32 $0x2800, s0  }
0x7: {  	s23 =	simm.s32 $0x5;
	s24 =	simm.s32 $0x0;
	s8 =	smul.u32 $0xA000, s0  }
0x8: {  	s4 =	sand.u32 $0x1, s1;
	s1 =	rddreg [dreg:$0x2];
	s9 =	smul.u32 $0x4E20, s0  }
0x9: {  	[smem:$0x7FF] =	sst s3;
	s6 =	smul.u32 $0x28000, s4;
	s10 =	ssub.s32 $0x2, s4  }
0xa: {  	s4 =	smul.u32 $0x2710, s4;
	_ =	strace $0x80000047;
	s26 =	sshrl.u32 s10, $0x1  }
0xb: {  	s28 =	sshrl.u32 s8, $0x2;
	s6 =	sadd.s32 s5, s6;
	s12 =	ssub.s32 s10, s26  }
0xc: {  	s29 =	sadd.s32 s9, s4;
	s4 =	sadd.s32 s5, s2;
	s30 =	sadd.s32 s28, s2  }
0xd: {  	s6 =	sshrl.u32 s6, $0x3;
	s8 =	sshrl.u32 s29, $0x3;
	s5 =	sadd.s32 $0x800, s30  }
0xe: {  	s11 =	sadd.s32 s6, s7;
	s6 =	sadd.s32 $0x1000, s30;
	s31 =	sadd.s32 s7, s8  }
0xf: {  	s7 =	sadd.s32 $0x1800, s30;
	s8 =	sadd.s32 $0x2000, s30;
	s9 =	sadd.s32 $0xD440, s31  }
0x10: {  	v0 =	vimm.f32 $0.0e+00;
	v1 =	vimm.f32 $1.000000000e+00;
	s10 =	sadd.s32 $0x17200, s11;
	s11 =	smax.u32 s12, $0x1;
	s12 =	simm.s32 $0x2C10  }
.LBB2_1:
0x11: {  	s25 =	simm.s32 $0x0  }
.LBB2_2:
0x12: {  	p0 =	sne.s32 s25, $0x1FC0  }
.Ltmp0:
0x13: {  	_ = 	snop;
	(pc) =	sbr.rel @p0 .LBB2_2-.Ltmp0, $3  }
0x14: {  	_ =	sdelay $0x1  }
0x15: {  	s26 =	sshra.s32 s25, $0x2  }
0x16: {  	s25 =	sadd.s32 $0x40, s25;
	[tilespmem:s26+$0x2C10] =	vst v0  }
0x17: {  	s25 =	simm.s32 $0x40;
	s26 =	simm.s32 $0x0  }
.LBB2_4:
0x18: {  	p0 =	sne.s32 s25, $0x13C0;
	[tilespmem:s26+$0x2710] =	vst v1;
	s26 =	smov.u32 s25;
	s25 =	sadd.s32 $0x40, s25  }
.Ltmp1:
0x19: {  	(pc) =	sbr.rel @p0 .LBB2_4-.Ltmp1, $2  }
0x1a: {  	_ =	sdelay $0x2  }
0x1b: {  	s26 =	sshra.s32 s26, $0x2  }
0x1c: {  	[tilespmem:s26+$0x2710] =	vst v1  }
0x1d: {  	[spmem:s4] =	stream.linear.scatter [tilespmem:s12], [sflag:$0x6], $0x800, $0x38;
	[tilespmem:$0x5C10] =	vst v63  }
0x1e: {  	_ =	swait.ge [sflag:s13], $0x800  }
0x1f: {  	[sflag:s13] =	ssyncset.done $0x0  }
0x20: {  	[sflag:s13] =	ssyncadd.s32 $0xFFFFF800  }
0x21: {  	[spmem:s5] =	stream.linear.scatter [tilespmem:s12], [sflag:$0x6], $0x800, $0x38;
	[tilespmem:$0x5C10] =	vst v63  }
0x22: {  	_ =	swait.ge [sflag:s13], $0x800  }
0x23: {  	[sflag:s13] =	ssyncset.done $0x0  }
0x24: {  	[sflag:s13] =	ssyncadd.s32 $0xFFFFF800  }
0x25: {  	[spmem:s6] =	stream.linear.scatter [tilespmem:s12], [sflag:$0x6], $0x800, $0x38;
	[tilespmem:$0x5C10] =	vst v63  }
0x26: {  	_ =	swait.ge [sflag:s13], $0x800  }
0x27: {  	[sflag:s13] =	ssyncset.done $0x0  }
0x28: {  	[sflag:s13] =	ssyncadd.s32 $0xFFFFF800  }
0x29: {  	[spmem:s7] =	stream.linear.scatter [tilespmem:s12], [sflag:$0x6], $0x800, $0x38;
	[tilespmem:$0x5C10] =	vst v63  }
0x2a: {  	_ =	swait.ge [sflag:s13], $0x800  }
0x2b: {  	[sflag:s13] =	ssyncset.done $0x0  }
0x2c: {  	[sflag:s13] =	ssyncadd.s32 $0xFFFFF800  }
0x2d: {  	[spmem:s8] =	stream.linear.scatter [tilespmem:s12], [sflag:$0x6], $0x800, $0x38;
	[tilespmem:$0x5C10] =	vst v63  }
0x2e: {  	_ =	swait.ge [sflag:s13], $0x800  }
0x2f: {  	[sflag:s13] =	ssyncset.done $0x0  }
0x30: {  	[sflag:s13] =	ssyncadd.s32 $0xFFFFF800  }
0x31: {  	[tilespmem:s3], [sflag:$0x6] =	stream.linear.gather [hbm4b:s9+s3], $0x2710, $0x38;
	[tilespmem:$0x5C10] =	vst v63  }
0x32: {  	_ =	swait.ge [sflag:s13], $0x2710  }
0x33: {  	[sflag:s13] =	ssyncset.done $0x0  }
0x34: {  	[sflag:s13] =	ssyncadd.s32 $0xFFFFD8F0  }
0x35: {  	[bflag:$0x0] =	sbarrier.arrive $0xFFFF  }
0x36: {  	[spmem:s2] =	stream.indirect.scatter.add.f32 [tilespmem:s15], [sflag:$0x1], $0x10, s3, s14, $0xb8;
	[tilespmem:$0x5C10] =	vst v63  }
0x37: {  	_ = 	snop  }
0x38: {  	[spmem:s2] =	stream.indirect.scatter.add.f32 [tilespmem:s15], [sflag:$0x2], $0x10, s14, s14, $0xb8;
	[tilespmem:$0x5C10] =	vst v63  }
0x39: {  	_ = 	snop  }
0x3a: {  	[spmem:s2] =	stream.indirect.scatter.add.f32 [tilespmem:s15], [sflag:$0x3], $0x10, s16, s14, $0xb8;
	[tilespmem:$0x5C10] =	vst v63  }
0x3b: {  	_ = 	snop  }
0x3c: {  	[spmem:s2] =	stream.indirect.scatter.add.f32 [tilespmem:s15], [sflag:$0x4], $0x10, s17, s14, $0xb8;
	[tilespmem:$0x5C10] =	vst v63  }
0x3d: {  	_ = 	snop  }
0x3e: {  	[spmem:s2] =	stream.indirect.scatter.add.f32 [tilespmem:s15], [sflag:$0x5], $0x10, s18, s14, $0xb8;
	[tilespmem:$0x5C10] =	vst v63  }
0x3f: {  	_ =	swait.ge [sflag:s19], $0x500  }
0x40: {  	[sflag:s19] =	ssyncset.done $0x0  }
0x41: {  	s25 =	simm.s32 $0x190;
	[sflag:s19] =	ssyncadd.s32 $0xFFFFFB00  }
0x42: {  	[spmem:s2] =	stream.indirect.scatter.add.f32 [tilespmem:s15], [sflag:$0x1], $0x10, s25, s14, $0xb8;
	[tilespmem:$0x5C10] =	vst v63  }
0x43: {  	_ =	swait.ge [sflag:s20], $0x500  }
0x44: {  	[sflag:s20] =	ssyncset.done $0x0  }
0x45: {  	s29 =	simm.s32 $0x1E0;
	[sflag:s20] =	ssyncadd.s32 $0xFFFFFB00  }
0x46: {  	[spmem:s2] =	stream.indirect.scatter.add.f32 [tilespmem:s15], [sflag:$0x2], $0x10, s29, s14, $0xb8;
	[tilespmem:$0x5C10] =	vst v63  }
0x47: {  	_ =	swait.ge [sflag:s21], $0x500  }
0x48: {  	[sflag:s21] =	ssyncset.done $0x0  }
0x49: {  	s30 =	simm.s32 $0x230;
	[sflag:s21] =	ssyncadd.s32 $0xFFFFFB00  }
0x4a: {  	[spmem:s2] =	stream.indirect.scatter.add.f32 [tilespmem:s15], [sflag:$0x3], $0x10, s30, s14, $0xb8;
	[tilespmem:$0x5C10] =	vst v63  }
0x4b: {  	_ =	swait.ge [sflag:s22], $0x500  }
0x4c: {  	[sflag:s22] =	ssyncset.done $0x0  }
0x4d: {  	s31 =	simm.s32 $0x280;
	[sflag:s22] =	ssyncadd.s32 $0xFFFFFB00  }
0x4e: {  	[spmem:s2] =	stream.indirect.scatter.add.f32 [tilespmem:s15], [sflag:$0x4], $0x10, s31, s14, $0xb8;
	[tilespmem:$0x5C10] =	vst v63  }
0x4f: {  	_ =	swait.ge [sflag:s23], $0x500  }
0x50: {  	[sflag:s23] =	ssyncset.done $0x0  }
0x51: {  	s26 =	simm.s32 $0x2D0;
	s25 =	simm.s32 $0xFFFF7040;
	[sflag:s23] =	ssyncadd.s32 $0xFFFFFB00  }
.LBB2_6:
0x52: {  	[spmem:s2] =	stream.indirect.scatter.add.f32 [tilespmem:s15], [sflag:$0x5], $0x10, s26, s14, $0xb8;
	[tilespmem:$0x5C10] =	vst v63  }
0x53: {  	s26 =	smov.u32 s25  }
0x54: {  	p0 =	sne.s32 s25, $0xFFFFF9C0;
	s25 =	sadd.s32 $0x640, s25;
	_ =	swait.ge [sflag:s19], $0x500  }
0x55: {  	s26 =	sshra.s32 s26, $0x2;
	[sflag:s19] =	ssyncset.done $0x0  }
0x56: {  	s28 =	sadd.s32 $0x2710, s26;
	[sflag:s19] =	ssyncadd.s32 $0xFFFFFB00  }
0x57: {  	[spmem:s2] =	stream.indirect.scatter.add.f32 [tilespmem:s15], [sflag:$0x1], $0x10, s28, s14, $0xb8;
	[tilespmem:$0x5C10] =	vst v63  }
0x58: {  	_ =	swait.ge [sflag:s20], $0x500  }
0x59: {  	[sflag:s20] =	ssyncset.done $0x0  }
0x5a: {  	s28 =	sadd.s32 $0x2760, s26;
	[sflag:s20] =	ssyncadd.s32 $0xFFFFFB00  }
0x5b: {  	[spmem:s2] =	stream.indirect.scatter.add.f32 [tilespmem:s15], [sflag:$0x2], $0x10, s28, s14, $0xb8;
	[tilespmem:$0x5C10] =	vst v63  }
0x5c: {  	_ =	swait.ge [sflag:s21], $0x500  }
0x5d: {  	[sflag:s21] =	ssyncset.done $0x0  }
0x5e: {  	s28 =	sadd.s32 $0x27B0, s26;
	[sflag:s21] =	ssyncadd.s32 $0xFFFFFB00  }
0x5f: {  	[spmem:s2] =	stream.indirect.scatter.add.f32 [tilespmem:s15], [sflag:$0x3], $0x10, s28, s14, $0xb8;
	[tilespmem:$0x5C10] =	vst v63  }
0x60: {  	_ =	swait.ge [sflag:s22], $0x500  }
0x61: {  	[sflag:s22] =	ssyncset.done $0x0  }
.Ltmp2:
0x62: {  	s28 =	sadd.s32 $0x2800, s26;
	[sflag:s22] =	ssyncadd.s32 $0xFFFFFB00;
	(pc) =	sbr.rel @p0 .LBB2_6-.Ltmp2, $4  }
0x63: {  	[spmem:s2] =	stream.indirect.scatter.add.f32 [tilespmem:s15], [sflag:$0x4], $0x10, s28, s14, $0xb8;
	[tilespmem:$0x5C10] =	vst v63  }
0x64: {  	_ =	swait.ge [sflag:s23], $0x500  }
0x65: {  	[sflag:s23] =	ssyncset.done $0x0  }
0x66: {  	s26 =	sadd.s32 $0x2850, s26;
	[sflag:s23] =	ssyncadd.s32 $0xFFFFFB00  }
0x67: {  	[spmem:s2] =	stream.indirect.scatter.add.f32 [tilespmem:s15], [sflag:$0x5], $0x10, s26, s14, $0xb8;
	[tilespmem:$0x5C10] =	vst v63  }
0x68: {  	_ =	swait.ge [sflag:s19], $0x500  }
0x69: {  	[sflag:s19] =	ssyncset.done $0x0  }
0x6a: {  	[sflag:s19] =	ssyncadd.s32 $0xFFFFFB00  }
0x6b: {  	_ =	swait.ge [sflag:s20], $0x500  }
0x6c: {  	[sflag:s20] =	ssyncset.done $0x0  }
0x6d: {  	[sflag:s20] =	ssyncadd.s32 $0xFFFFFB00  }
0x6e: {  	_ =	swait.ge [sflag:s21], $0x500  }
0x6f: {  	[sflag:s21] =	ssyncset.done $0x0  }
0x70: {  	[sflag:s21] =	ssyncadd.s32 $0xFFFFFB00  }
0x71: {  	_ =	swait.ge [sflag:s22], $0x500  }
0x72: {  	[sflag:s22] =	ssyncset.done $0x0  }
0x73: {  	[sflag:s22] =	ssyncadd.s32 $0xFFFFFB00  }
0x74: {  	_ =	swait.ge [sflag:s23], $0x500  }
0x75: {  	s25 =	sshll.u32 s0, $0x6;
	s24 =	sadd.s32 $0x1, s24;
	[sflag:s23] =	ssyncset.done $0x0  }
0x76: {  	s31 =	sshrl.u32 s4, $0x3;
	p0 =	sne.s32 s24, s11;
	[sflag:s23] =	ssyncadd.s32 $0xFFFFFB00  }
.Ltmp3:
0x77: {  	s25 =	sor.u32 $0x1C06, s25;
	[bflag:$0x0] =	sbarrier.arrive $0xFFFF;
	(pc) =	sbr.rel @p0 .LBB2_1-.Ltmp3, $4  }
0x78: {  	[hbm:s10], [sflag:s25] =	dma.local [spmem:s31], $0x500  }
0x79: {  	_ =	swait.ge [sflag:s13], $0x500  }
0x7a: {  	[sflag:s13] =	ssyncset.done $0x0  }
0x7b: {  	[sflag:s13] =	ssyncadd.s32 $0xFFFFFB00  }
0x7c: {  	_ =	sfence.sel $0x180000  }
0x7d: {  	[bflag:$0x0] =	sbarrier.arrive $0xFFFF  }
0x7e: {  	p0 =	sne.s32 s0, $0x0;
	_ =	strace $0x90000047  }
0x7f: {  	s0 =	sadd.s32 @!p0 $0x100000, s1;
	[bflag:$0x2] =	sbarrier.arrive $0xFFFF  }
0x80: {  	[sflag:s0] =	ssyncadd.tile.s32 @!p0 $0x1;
	_ =	shalt  }
.Lfunc_end2:
_tile_overlayer_lowered:
.L_overlay_start_2:
0x81: {  	(tag) =	ssettag $0x2  }
0x82: {  	s0 =	rddreg [dreg:$0x0];
	s2 =	stileid.u32  }
0x83: {  	s1 =	rddreg [dreg:$0x1];
	p0 =	sne.s32 s2, $0x0  }
0x84: {  	s3 =	rddreg [dreg:$0x2];
	[bflag:$0x3] =	sbarrier.arrive $0xFFFF;
	s2 =	simm.s32 @!p0 $0x1C06  }
0x85: {  	[timem:s3], [sflag:s2] =	dma.local @!p0 [hbm:s0], s1  }
0x86: {  	s0 =	simm.s32 @!p0 $0x6  }
0x87: {  	_ =	swait.ge @!p0 [sflag:s0], s1  }
0x88: {  	s1 =	ssub.s32 @!p0 $0x0, s1;
	[sflag:s0] =	ssyncset.done @!p0 $0x0  }
0x89: {  	[sflag:s0] =	ssyncadd.s32 @!p0 s1  }
0x8a: {  	[bflag:$0x3] =	sbarrier.arrive $0xFFFF  }
0x8b: {  	_ =	shalt  }

</sc_bundles>
